<compile_context>
chip_gen: v7x
topology: tpu7x:2x2x1
jax: 0.10.2.dev20260603
libtpu: 0.0.44.dev20260713+nightly
codegen_flags: <defaults>
</compile_context>

<pallas_src>
import functools

import jax
import jax.numpy as jnp
from jax import lax
from jax.experimental import pallas as pl
from jax.experimental.pallas import tpu as pltpu
from jax.experimental.pallas import tpu_sc as plsc

B, S, E, K, TOPK = 32, 64, 128, 4000, 8
CS = 8
NBUF = 8


def _embed_kernel(x_hbm, wt_ref, out_ref, buf, sem):
    def start(b, slot):
        pltpu.make_async_copy(x_hbm.at[b], buf.at[slot], sem.at[slot]).start()

    for b in range(NBUF):
        start(b, b)

    for b in range(B):
        slot = b % NBUF
        pltpu.make_async_copy(x_hbm.at[b], buf.at[slot], sem.at[slot]).wait()
        x = buf[slot]
        emb = lax.dot_general(wt_ref[...], x, (((1,), (0,)), ((), ())),
                              preferred_element_type=jnp.float32)
        out_ref[:, b, 0, :] = jnp.tanh(emb).T
        if b + NBUF < B:
            start(b + NBUF, slot)


def _threefry_bits(idx):
    ks0 = jnp.int32(0)
    ks1 = jnp.int32(42)
    ks2 = ks0 ^ ks1 ^ jnp.int32(0x1BD11BDA)
    rots1 = (13, 15, 26, 6)
    rots2 = (17, 29, 16, 24)
    x0 = jnp.zeros_like(idx) + ks0
    x1 = idx + ks1
    inj = ((ks1, ks2), (ks2, ks0), (ks0, ks1), (ks1, ks2), (ks2, ks0))
    rots = (rots1, rots2, rots1, rots2, rots1)
    for i in range(5):
        for r in rots[i]:
            x0 = x0 + x1
            x1 = lax.shift_left(x1, jnp.int32(r)) | lax.shift_right_logical(
                x1, jnp.int32(32 - r))
            x1 = x1 ^ x0
        ka, kb = inj[i]
        x0 = x0 + ka
        x1 = x1 + (kb + jnp.int32(i + 1))
    return x0 ^ x1


_SC_NC, _SC_NS, _SC_L = 2, 16, 16
_NW = _SC_NC * _SC_NS
_CHUNK = (B * S * S) // _NW


def _ugen_body(out_hbm, ubuf):
    wid = lax.axis_index("s") * _SC_NC + lax.axis_index("c")
    base = wid * _CHUNK

    def body(j, carry):
        idx = base + j * _SC_L + lax.broadcasted_iota(jnp.int32, (_SC_L,), 0)
        bits = _threefry_bits(idx)
        mant = lax.shift_right_logical(bits, jnp.int32(9)) | jnp.int32(0x3F800000)
        ubuf[pl.ds(j * _SC_L, _SC_L)] = lax.bitcast_convert_type(
            mant, jnp.float32) - 1.0
        return carry

    lax.fori_loop(0, _CHUNK // _SC_L, body, 0)
    pltpu.sync_copy(ubuf, out_hbm.at[wid])


def _uniform_field():
    return pl.kernel(
        _ugen_body,
        out_type=jax.ShapeDtypeStruct((_NW, _CHUNK), jnp.float32),
        mesh=plsc.VectorSubcoreMesh(core_axis_name="c", subcore_axis_name="s"),
        scratch_types=[pltpu.VMEM((_CHUNK,), jnp.float32)],
    )()


def _step_kernel(emb_ref, lwt_ref, lb_ref, u_ref, probs_ref, idxs_ref):
    c = pl.program_id(0)
    parts = []
    for j in range(CS):
        lg = lax.dot_general(emb_ref[j, :, 0, :], lwt_ref[j],
                             (((1,), (0,)), ((), ())),
                             preferred_element_type=jnp.float32)
        parts.append(lg + lb_ref[j])
    logits = jnp.stack(parts, axis=1)
    probs = jnp.clip(jax.nn.sigmoid(logits), 0.0001, 1.0 - 0.0001)

    col = lax.broadcasted_iota(jnp.int32, (B, CS, S), 2)
    x = probs
    keep = jnp.zeros((B, CS, S), dtype=jnp.bool_)
    for _ in range(TOPK):
        m = jnp.max(x, axis=2, keepdims=True)
        is_m = x == m
        amin = jnp.min(jnp.where(is_m, col, S), axis=2, keepdims=True)
        sel = col == amin
        keep = keep | sel
        x = jnp.where(sel, -1.0, x)

    srel = lax.broadcasted_iota(jnp.int32, (B, CS, S), 1)
    s_all = c * CS + srel
    bern = u_ref[:, :, 0, :] < probs

    res = keep & bern & (col != s_all)
    probs_ref[:, :, 0, :] = probs
    idxs_ref[:, :, 0, :] = res.astype(jnp.float32)


@jax.jit
def kernel(inputs, offset_prob, W, lin_w, lin_b, node_table):
    Wt = W.T
    lin_wt = jnp.transpose(lin_w, (0, 2, 1))

    emb_t = pl.pallas_call(
        _embed_kernel,
        in_specs=[
            pl.BlockSpec(memory_space=pl.ANY),
            pl.BlockSpec((E, K), lambda: (0, 0)),
        ],
        out_specs=pl.BlockSpec((S, B, 1, E), lambda: (0, 0, 0, 0)),
        out_shape=jax.ShapeDtypeStruct((S, B, 1, E), jnp.float32),
        scratch_shapes=[
            pltpu.VMEM((NBUF, K, S), jnp.float32),
            pltpu.SemaphoreType.DMA((NBUF,)),
        ],
    )(inputs, Wt)

    u4 = _uniform_field().reshape(B, S, 1, S)

    probs, idxs = pl.pallas_call(
        _step_kernel,
        grid=(S // CS,),
        in_specs=[
            pl.BlockSpec((CS, B, 1, E), lambda c: (c, 0, 0, 0)),
            pl.BlockSpec((CS, E, S), lambda c: (c, 0, 0)),
            pl.BlockSpec((CS, 1, S), lambda c: (c, 0, 0)),
            pl.BlockSpec((B, CS, 1, S), lambda c: (0, c, 0, 0)),
        ],
        out_specs=[
            pl.BlockSpec((B, CS, 1, S), lambda c: (0, c, 0, 0)),
            pl.BlockSpec((B, CS, 1, S), lambda c: (0, c, 0, 0)),
        ],
        out_shape=[
            jax.ShapeDtypeStruct((B, S, 1, S), jnp.float32),
            jax.ShapeDtypeStruct((B, S, 1, S), jnp.float32),
        ],
    )(emb_t, lin_wt, lin_b.reshape(S, 1, S), u4)

    probs = probs.reshape(B, S, S)
    idxs = idxs.reshape(B, S, S)
    prev_probs_2 = jnp.zeros((B, S, S), dtype=jnp.float32)
    mask = jnp.zeros((B, S, S), dtype=jnp.bool_)
    return (probs, prev_probs_2, idxs.astype(jnp.bool_), mask)

# --- scband reference (transcript-rebuilt; emitter-appended) ---
"""Pipeline reference for scband-pointer-net-16758962389318 (READ-ONLY COPY).

The authoritative reference and input builder live on the scoring server;
editing this copy changes nothing except your own understanding.
"""

import jax, jax.numpy as jnp
import numpy as np

B, S, E, K, TOPK = 32, 64, 128, 4000, 8


def setup_inputs(seed: int = 0) -> dict:
    key = jax.random.key(seed)
    ks = jax.random.split(key, 6)
    inputs = jax.random.normal(ks[0], (B, K, S), dtype=jnp.float32)
    offset_prob = jax.random.uniform(ks[1], (1,), dtype=jnp.float32)
    lim = 1.0 / np.sqrt(E)
    W = jax.random.uniform(ks[2], (K, E), minval=-lim, maxval=lim, dtype=jnp.float32)
    lin_w = jax.random.normal(ks[3], (S, S, E), dtype=jnp.float32) * (1.0 / np.sqrt(E))
    lin_b = jnp.zeros((S, S), dtype=jnp.float32)
    node_table = jax.random.normal(ks[4], (S, E), dtype=jnp.float32)
    return {"inputs": inputs, "offset_prob": offset_prob, "W": W,
            "lin_w": lin_w, "lin_b": lin_b, "node_table": node_table}


def reference(inputs, offset_prob, W, lin_w, lin_b, node_table):
    Bx, Kx, Sx = inputs.shape
    # GraphEmbedding: embedded[b, i, :] = tanh(inputs[b, :, i] @ W)
    embedded = jnp.tanh(jnp.einsum('bks,ke->bse', inputs, W))  # [B, S, E]
    # per-step Linear: logits[b, idx, :] = embedded[b, idx] @ lin_w[idx].T + lin_b[idx]
    logits = jnp.einsum('bse,soe->bso', embedded, lin_w) + lin_b[None]  # [B, S, S]
    probs = jnp.clip(jax.nn.sigmoid(logits), 0.0001, 1.0 - 0.0001)  # [B, S, S]
    # node embedding lookup (detached / debug-only in original, kept for faithfulness)
    _node = jnp.take(node_table, jnp.arange(Sx), axis=0)
    # Bernoulli sample of actions (stochastic in original)
    bkey = jax.random.key(42)
    idxs = jax.random.bernoulli(bkey, probs).astype(jnp.float32)  # [B, S, S]
    # top-k masking: zero all but top-k prob positions per (b, idx) row
    _, top_idx = jax.lax.top_k(probs, TOPK)  # [B, S, TOPK]
    keep = jnp.zeros((Bx, Sx, Sx), dtype=bool)
    keep = keep.at[jnp.arange(Bx)[:, None, None],
                   jnp.arange(Sx)[None, :, None],
                   top_idx].set(True)
    idxs = jnp.where(keep, idxs, 0.0)
    # idxs[:, idx] = 0 (no self-loop): zero diagonal of [B, S, S]
    diag = jnp.eye(Sx, dtype=bool)[None]
    idxs = jnp.where(diag, 0.0, idxs)
    prev_probs = probs
    prev_probs_2 = jnp.zeros((Bx, Sx, Sx), dtype=jnp.float32)
    prev_idxs = idxs.astype(bool)
    mask = jnp.zeros((Bx, Sx, Sx), dtype=bool)  # self.mask == False path
    return (prev_probs, prev_probs_2, prev_idxs, mask)

if __name__ == "__main__":
    import jax
    _d = setup_inputs()
    print(jax.jit(kernel)(*tuple(_d.values())))

</pallas_src>

<mosaic_0001>
#map = affine_map<(d0, d1) -> (0, 0)>
module attributes {stable_mosaic.version = 14 : i64} {
  func.func @_ugen_body(%arg0: i32, %arg1: i32, %arg2: memref<32x4096xf32, #tpu.memory_space<hbm>>, %arg3: memref<4096xf32, #tpu.memory_space<vmem>>) attributes {dimension_semantics = [#tpu.dimension_semantics<core_parallel>, #tpu.dimension_semantics<subcore_parallel>], iteration_bounds = array<i64: 2, 16>, scalar_prefetch = 0 : i64, scratch_operands = 1 : i64, tpu.core_type = #tpu.core_type<sc_vector_subcore>, window_params = [{transform_indices = #map}]} {
    %mul3A = arith.constant 2 : i32
    %mul3A_0 = arith.muli %arg1, %mul3A : i32
    %add3A = arith.addi %mul3A_0, %arg0 : i32
    %mul3A_1 = arith.constant 4096 : i32
    %mul3A_2 = arith.muli %add3A, %mul3A_1 : i32
    %scan3A = arith.constant 0 : i32
    %scan3A_3 = arith.constant 0 : i32
    %scan3A_4 = arith.constant 256 : i32
    %scan3A_5 = arith.addi %scan3A_3, %scan3A_4 : i32
    %scan3A_6 = arith.constant 1 : i32
    scf.for %scan3A_8 = %scan3A_3 to %scan3A_5 step %scan3A_6  : i32 {
      %mul3A_9 = arith.constant 16 : i32
      %mul3A_10 = arith.muli %scan3A_8, %mul3A_9 : i32
      %add3A_11 = arith.addi %mul3A_2, %mul3A_10 : i32
      %iota3A = tpu.iota {dimensions = array<i32: 0>} : vector<16xi32>
      %add3A_12 = vector.broadcast %add3A_11 : i32 to vector<16xi32>
      %add3A_13 = arith.addi %add3A_12, %iota3A : vector<16xi32>
      %xor3A = arith.constant 0 : i32
      %xor3A_14 = arith.constant 42 : i32
      %xor3A_15 = arith.xori %xor3A, %xor3A_14 : i32
      %xor3A_16 = arith.constant 466688986 : i32
      %xor3A_17 = arith.xori %xor3A_15, %xor3A_16 : i32
      %broadcast_in_dim3A = arith.constant 0 : i32
      %broadcast_in_dim3A_18 = vector.broadcast %broadcast_in_dim3A : i32 to vector<16xi32>
      %add3A_19 = arith.constant 0 : i32
      %add3A_20 = vector.broadcast %add3A_19 : i32 to vector<16xi32>
      %add3A_21 = arith.addi %broadcast_in_dim3A_18, %add3A_20 : vector<16xi32>
      %add3A_22 = arith.constant 42 : i32
      %add3A_23 = vector.broadcast %add3A_22 : i32 to vector<16xi32>
      %add3A_24 = arith.addi %add3A_13, %add3A_23 : vector<16xi32>
      %add3A_25 = arith.addi %add3A_21, %add3A_24 : vector<16xi32>
      %shift_left3A = arith.constant 13 : i32
      %shift_left3A_26 = vector.broadcast %shift_left3A : i32 to vector<16xi32>
      %shift_left3A_27 = arith.shli %add3A_24, %shift_left3A_26 : vector<16xi32>
      %shift_right_logical3A = arith.constant 19 : i32
      %shift_right_logical3A_28 = vector.broadcast %shift_right_logical3A : i32 to vector<16xi32>
      %shift_right_logical3A_29 = arith.shrui %add3A_24, %shift_right_logical3A_28 : vector<16xi32>
      %or3A = arith.ori %shift_left3A_27, %shift_right_logical3A_29 : vector<16xi32>
      %xor3A_30 = arith.xori %or3A, %add3A_25 : vector<16xi32>
      %add3A_31 = arith.addi %add3A_25, %xor3A_30 : vector<16xi32>
      %shift_left3A_32 = arith.constant 15 : i32
      %shift_left3A_33 = vector.broadcast %shift_left3A_32 : i32 to vector<16xi32>
      %shift_left3A_34 = arith.shli %xor3A_30, %shift_left3A_33 : vector<16xi32>
      %shift_right_logical3A_35 = arith.constant 17 : i32
      %shift_right_logical3A_36 = vector.broadcast %shift_right_logical3A_35 : i32 to vector<16xi32>
      %shift_right_logical3A_37 = arith.shrui %xor3A_30, %shift_right_logical3A_36 : vector<16xi32>
      %or3A_38 = arith.ori %shift_left3A_34, %shift_right_logical3A_37 : vector<16xi32>
      %xor3A_39 = arith.xori %or3A_38, %add3A_31 : vector<16xi32>
      %add3A_40 = arith.addi %add3A_31, %xor3A_39 : vector<16xi32>
      %shift_left3A_41 = arith.constant 26 : i32
      %shift_left3A_42 = vector.broadcast %shift_left3A_41 : i32 to vector<16xi32>
      %shift_left3A_43 = arith.shli %xor3A_39, %shift_left3A_42 : vector<16xi32>
      %shift_right_logical3A_44 = arith.constant 6 : i32
      %shift_right_logical3A_45 = vector.broadcast %shift_right_logical3A_44 : i32 to vector<16xi32>
      %shift_right_logical3A_46 = arith.shrui %xor3A_39, %shift_right_logical3A_45 : vector<16xi32>
      %or3A_47 = arith.ori %shift_left3A_43, %shift_right_logical3A_46 : vector<16xi32>
      %xor3A_48 = arith.xori %or3A_47, %add3A_40 : vector<16xi32>
      %add3A_49 = arith.addi %add3A_40, %xor3A_48 : vector<16xi32>
      %shift_left3A_50 = arith.constant 6 : i32
      %shift_left3A_51 = vector.broadcast %shift_left3A_50 : i32 to vector<16xi32>
      %shift_left3A_52 = arith.shli %xor3A_48, %shift_left3A_51 : vector<16xi32>
      %shift_right_logical3A_53 = arith.constant 26 : i32
      %shift_right_logical3A_54 = vector.broadcast %shift_right_logical3A_53 : i32 to vector<16xi32>
      %shift_right_logical3A_55 = arith.shrui %xor3A_48, %shift_right_logical3A_54 : vector<16xi32>
      %or3A_56 = arith.ori %shift_left3A_52, %shift_right_logical3A_55 : vector<16xi32>
      %xor3A_57 = arith.xori %or3A_56, %add3A_49 : vector<16xi32>
      %add3A_58 = arith.constant 42 : i32
      %add3A_59 = vector.broadcast %add3A_58 : i32 to vector<16xi32>
      %add3A_60 = arith.addi %add3A_49, %add3A_59 : vector<16xi32>
      %add3A_61 = arith.constant 1 : i32
      %add3A_62 = arith.addi %xor3A_17, %add3A_61 : i32
      %add3A_63 = vector.broadcast %add3A_62 : i32 to vector<16xi32>
      %add3A_64 = arith.addi %xor3A_57, %add3A_63 : vector<16xi32>
      %add3A_65 = arith.addi %add3A_60, %add3A_64 : vector<16xi32>
      %shift_left3A_66 = arith.constant 17 : i32
      %shift_left3A_67 = vector.broadcast %shift_left3A_66 : i32 to vector<16xi32>
      %shift_left3A_68 = arith.shli %add3A_64, %shift_left3A_67 : vector<16xi32>
      %shift_right_logical3A_69 = arith.constant 15 : i32
      %shift_right_logical3A_70 = vector.broadcast %shift_right_logical3A_69 : i32 to vector<16xi32>
      %shift_right_logical3A_71 = arith.shrui %add3A_64, %shift_right_logical3A_70 : vector<16xi32>
      %or3A_72 = arith.ori %shift_left3A_68, %shift_right_logical3A_71 : vector<16xi32>
      %xor3A_73 = arith.xori %or3A_72, %add3A_65 : vector<16xi32>
      %add3A_74 = arith.addi %add3A_65, %xor3A_73 : vector<16xi32>
      %shift_left3A_75 = arith.constant 29 : i32
      %shift_left3A_76 = vector.broadcast %shift_left3A_75 : i32 to vector<16xi32>
      %shift_left3A_77 = arith.shli %xor3A_73, %shift_left3A_76 : vector<16xi32>
      %shift_right_logical3A_78 = arith.constant 3 : i32
      %shift_right_logical3A_79 = vector.broadcast %shift_right_logical3A_78 : i32 to vector<16xi32>
      %shift_right_logical3A_80 = arith.shrui %xor3A_73, %shift_right_logical3A_79 : vector<16xi32>
      %or3A_81 = arith.ori %shift_left3A_77, %shift_right_logical3A_80 : vector<16xi32>
      %xor3A_82 = arith.xori %or3A_81, %add3A_74 : vector<16xi32>
      %add3A_83 = arith.addi %add3A_74, %xor3A_82 : vector<16xi32>
      %shift_left3A_84 = arith.constant 16 : i32
      %shift_left3A_85 = vector.broadcast %shift_left3A_84 : i32 to vector<16xi32>
      %shift_left3A_86 = arith.shli %xor3A_82, %shift_left3A_85 : vector<16xi32>
      %shift_right_logical3A_87 = arith.constant 16 : i32
      %shift_right_logical3A_88 = vector.broadcast %shift_right_logical3A_87 : i32 to vector<16xi32>
      %shift_right_logical3A_89 = arith.shrui %xor3A_82, %shift_right_logical3A_88 : vector<16xi32>
      %or3A_90 = arith.ori %shift_left3A_86, %shift_right_logical3A_89 : vector<16xi32>
      %xor3A_91 = arith.xori %or3A_90, %add3A_83 : vector<16xi32>
      %add3A_92 = arith.addi %add3A_83, %xor3A_91 : vector<16xi32>
      %shift_left3A_93 = arith.constant 24 : i32
      %shift_left3A_94 = vector.broadcast %shift_left3A_93 : i32 to vector<16xi32>
      %shift_left3A_95 = arith.shli %xor3A_91, %shift_left3A_94 : vector<16xi32>
      %shift_right_logical3A_96 = arith.constant 8 : i32
      %shift_right_logical3A_97 = vector.broadcast %shift_right_logical3A_96 : i32 to vector<16xi32>
      %shift_right_logical3A_98 = arith.shrui %xor3A_91, %shift_right_logical3A_97 : vector<16xi32>
      %or3A_99 = arith.ori %shift_left3A_95, %shift_right_logical3A_98 : vector<16xi32>
      %xor3A_100 = arith.xori %or3A_99, %add3A_92 : vector<16xi32>
      %add3A_101 = vector.broadcast %xor3A_17 : i32 to vector<16xi32>
      %add3A_102 = arith.addi %add3A_92, %add3A_101 : vector<16xi32>
      %add3A_103 = arith.constant 0 : i32
      %add3A_104 = arith.constant 2 : i32
      %add3A_105 = arith.addi %add3A_103, %add3A_104 : i32
      %add3A_106 = vector.broadcast %add3A_105 : i32 to vector<16xi32>
      %add3A_107 = arith.addi %xor3A_100, %add3A_106 : vector<16xi32>
      %add3A_108 = arith.addi %add3A_102, %add3A_107 : vector<16xi32>
      %shift_left3A_109 = arith.constant 13 : i32
      %shift_left3A_110 = vector.broadcast %shift_left3A_109 : i32 to vector<16xi32>
      %shift_left3A_111 = arith.shli %add3A_107, %shift_left3A_110 : vector<16xi32>
      %shift_right_logical3A_112 = arith.constant 19 : i32
      %shift_right_logical3A_113 = vector.broadcast %shift_right_logical3A_112 : i32 to vector<16xi32>
      %shift_right_logical3A_114 = arith.shrui %add3A_107, %shift_right_logical3A_113 : vector<16xi32>
      %or3A_115 = arith.ori %shift_left3A_111, %shift_right_logical3A_114 : vector<16xi32>
      %xor3A_116 = arith.xori %or3A_115, %add3A_108 : vector<16xi32>
      %add3A_117 = arith.addi %add3A_108, %xor3A_116 : vector<16xi32>
      %shift_left3A_118 = arith.constant 15 : i32
      %shift_left3A_119 = vector.broadcast %shift_left3A_118 : i32 to vector<16xi32>
      %shift_left3A_120 = arith.shli %xor3A_116, %shift_left3A_119 : vector<16xi32>
      %shift_right_logical3A_121 = arith.constant 17 : i32
      %shift_right_logical3A_122 = vector.broadcast %shift_right_logical3A_121 : i32 to vector<16xi32>
      %shift_right_logical3A_123 = arith.shrui %xor3A_116, %shift_right_logical3A_122 : vector<16xi32>
      %or3A_124 = arith.ori %shift_left3A_120, %shift_right_logical3A_123 : vector<16xi32>
      %xor3A_125 = arith.xori %or3A_124, %add3A_117 : vector<16xi32>
      %add3A_126 = arith.addi %add3A_117, %xor3A_125 : vector<16xi32>
      %shift_left3A_127 = arith.constant 26 : i32
      %shift_left3A_128 = vector.broadcast %shift_left3A_127 : i32 to vector<16xi32>
      %shift_left3A_129 = arith.shli %xor3A_125, %shift_left3A_128 : vector<16xi32>
      %shift_right_logical3A_130 = arith.constant 6 : i32
      %shift_right_logical3A_131 = vector.broadcast %shift_right_logical3A_130 : i32 to vector<16xi32>
      %shift_right_logical3A_132 = arith.shrui %xor3A_125, %shift_right_logical3A_131 : vector<16xi32>
      %or3A_133 = arith.ori %shift_left3A_129, %shift_right_logical3A_132 : vector<16xi32>
      %xor3A_134 = arith.xori %or3A_133, %add3A_126 : vector<16xi32>
      %add3A_135 = arith.addi %add3A_126, %xor3A_134 : vector<16xi32>
      %shift_left3A_136 = arith.constant 6 : i32
      %shift_left3A_137 = vector.broadcast %shift_left3A_136 : i32 to vector<16xi32>
      %shift_left3A_138 = arith.shli %xor3A_134, %shift_left3A_137 : vector<16xi32>
      %shift_right_logical3A_139 = arith.constant 26 : i32
      %shift_right_logical3A_140 = vector.broadcast %shift_right_logical3A_139 : i32 to vector<16xi32>
      %shift_right_logical3A_141 = arith.shrui %xor3A_134, %shift_right_logical3A_140 : vector<16xi32>
      %or3A_142 = arith.ori %shift_left3A_138, %shift_right_logical3A_141 : vector<16xi32>
      %xor3A_143 = arith.xori %or3A_142, %add3A_135 : vector<16xi32>
      %add3A_144 = arith.constant 0 : i32
      %add3A_145 = vector.broadcast %add3A_144 : i32 to vector<16xi32>
      %add3A_146 = arith.addi %add3A_135, %add3A_145 : vector<16xi32>
      %add3A_147 = arith.constant 42 : i32
      %add3A_148 = arith.constant 3 : i32
      %add3A_149 = arith.addi %add3A_147, %add3A_148 : i32
      %add3A_150 = vector.broadcast %add3A_149 : i32 to vector<16xi32>
      %add3A_151 = arith.addi %xor3A_143, %add3A_150 : vector<16xi32>
      %add3A_152 = arith.addi %add3A_146, %add3A_151 : vector<16xi32>
      %shift_left3A_153 = arith.constant 17 : i32
      %shift_left3A_154 = vector.broadcast %shift_left3A_153 : i32 to vector<16xi32>
      %shift_left3A_155 = arith.shli %add3A_151, %shift_left3A_154 : vector<16xi32>
      %shift_right_logical3A_156 = arith.constant 15 : i32
      %shift_right_logical3A_157 = vector.broadcast %shift_right_logical3A_156 : i32 to vector<16xi32>
      %shift_right_logical3A_158 = arith.shrui %add3A_151, %shift_right_logical3A_157 : vector<16xi32>
      %or3A_159 = arith.ori %shift_left3A_155, %shift_right_logical3A_158 : vector<16xi32>
      %xor3A_160 = arith.xori %or3A_159, %add3A_152 : vector<16xi32>
      %add3A_161 = arith.addi %add3A_152, %xor3A_160 : vector<16xi32>
      %shift_left3A_162 = arith.constant 29 : i32
      %shift_left3A_163 = vector.broadcast %shift_left3A_162 : i32 to vector<16xi32>
      %shift_left3A_164 = arith.shli %xor3A_160, %shift_left3A_163 : vector<16xi32>
      %shift_right_logical3A_165 = arith.constant 3 : i32
      %shift_right_logical3A_166 = vector.broadcast %shift_right_logical3A_165 : i32 to vector<16xi32>
      %shift_right_logical3A_167 = arith.shrui %xor3A_160, %shift_right_logical3A_166 : vector<16xi32>
      %or3A_168 = arith.ori %shift_left3A_164, %shift_right_logical3A_167 : vector<16xi32>
      %xor3A_169 = arith.xori %or3A_168, %add3A_161 : vector<16xi32>
      %add3A_170 = arith.addi %add3A_161, %xor3A_169 : vector<16xi32>
      %shift_left3A_171 = arith.constant 16 : i32
      %shift_left3A_172 = vector.broadcast %shift_left3A_171 : i32 to vector<16xi32>
      %shift_left3A_173 = arith.shli %xor3A_169, %shift_left3A_172 : vector<16xi32>
      %shift_right_logical3A_174 = arith.constant 16 : i32
      %shift_right_logical3A_175 = vector.broadcast %shift_right_logical3A_174 : i32 to vector<16xi32>
      %shift_right_logical3A_176 = arith.shrui %xor3A_169, %shift_right_logical3A_175 : vector<16xi32>
      %or3A_177 = arith.ori %shift_left3A_173, %shift_right_logical3A_176 : vector<16xi32>
      %xor3A_178 = arith.xori %or3A_177, %add3A_170 : vector<16xi32>
      %add3A_179 = arith.addi %add3A_170, %xor3A_178 : vector<16xi32>
      %shift_left3A_180 = arith.constant 24 : i32
      %shift_left3A_181 = vector.broadcast %shift_left3A_180 : i32 to vector<16xi32>
      %shift_left3A_182 = arith.shli %xor3A_178, %shift_left3A_181 : vector<16xi32>
      %shift_right_logical3A_183 = arith.constant 8 : i32
      %shift_right_logical3A_184 = vector.broadcast %shift_right_logical3A_183 : i32 to vector<16xi32>
      %shift_right_logical3A_185 = arith.shrui %xor3A_178, %shift_right_logical3A_184 : vector<16xi32>
      %or3A_186 = arith.ori %shift_left3A_182, %shift_right_logical3A_185 : vector<16xi32>
      %xor3A_187 = arith.xori %or3A_186, %add3A_179 : vector<16xi32>
      %add3A_188 = arith.constant 42 : i32
      %add3A_189 = vector.broadcast %add3A_188 : i32 to vector<16xi32>
      %add3A_190 = arith.addi %add3A_179, %add3A_189 : vector<16xi32>
      %add3A_191 = arith.constant 4 : i32
      %add3A_192 = arith.addi %xor3A_17, %add3A_191 : i32
      %add3A_193 = vector.broadcast %add3A_192 : i32 to vector<16xi32>
      %add3A_194 = arith.addi %xor3A_187, %add3A_193 : vector<16xi32>
      %add3A_195 = arith.addi %add3A_190, %add3A_194 : vector<16xi32>
      %shift_left3A_196 = arith.constant 13 : i32
      %shift_left3A_197 = vector.broadcast %shift_left3A_196 : i32 to vector<16xi32>
      %shift_left3A_198 = arith.shli %add3A_194, %shift_left3A_197 : vector<16xi32>
      %shift_right_logical3A_199 = arith.constant 19 : i32
      %shift_right_logical3A_200 = vector.broadcast %shift_right_logical3A_199 : i32 to vector<16xi32>
      %shift_right_logical3A_201 = arith.shrui %add3A_194, %shift_right_logical3A_200 : vector<16xi32>
      %or3A_202 = arith.ori %shift_left3A_198, %shift_right_logical3A_201 : vector<16xi32>
      %xor3A_203 = arith.xori %or3A_202, %add3A_195 : vector<16xi32>
      %add3A_204 = arith.addi %add3A_195, %xor3A_203 : vector<16xi32>
      %shift_left3A_205 = arith.constant 15 : i32
      %shift_left3A_206 = vector.broadcast %shift_left3A_205 : i32 to vector<16xi32>
      %shift_left3A_207 = arith.shli %xor3A_203, %shift_left3A_206 : vector<16xi32>
      %shift_right_logical3A_208 = arith.constant 17 : i32
      %shift_right_logical3A_209 = vector.broadcast %shift_right_logical3A_208 : i32 to vector<16xi32>
      %shift_right_logical3A_210 = arith.shrui %xor3A_203, %shift_right_logical3A_209 : vector<16xi32>
      %or3A_211 = arith.ori %shift_left3A_207, %shift_right_logical3A_210 : vector<16xi32>
      %xor3A_212 = arith.xori %or3A_211, %add3A_204 : vector<16xi32>
      %add3A_213 = arith.addi %add3A_204, %xor3A_212 : vector<16xi32>
      %shift_left3A_214 = arith.constant 26 : i32
      %shift_left3A_215 = vector.broadcast %shift_left3A_214 : i32 to vector<16xi32>
      %shift_left3A_216 = arith.shli %xor3A_212, %shift_left3A_215 : vector<16xi32>
      %shift_right_logical3A_217 = arith.constant 6 : i32
      %shift_right_logical3A_218 = vector.broadcast %shift_right_logical3A_217 : i32 to vector<16xi32>
      %shift_right_logical3A_219 = arith.shrui %xor3A_212, %shift_right_logical3A_218 : vector<16xi32>
      %or3A_220 = arith.ori %shift_left3A_216, %shift_right_logical3A_219 : vector<16xi32>
      %xor3A_221 = arith.xori %or3A_220, %add3A_213 : vector<16xi32>
      %add3A_222 = arith.addi %add3A_213, %xor3A_221 : vector<16xi32>
      %shift_left3A_223 = arith.constant 6 : i32
      %shift_left3A_224 = vector.broadcast %shift_left3A_223 : i32 to vector<16xi32>
      %shift_left3A_225 = arith.shli %xor3A_221, %shift_left3A_224 : vector<16xi32>
      %shift_right_logical3A_226 = arith.constant 26 : i32
      %shift_right_logical3A_227 = vector.broadcast %shift_right_logical3A_226 : i32 to vector<16xi32>
      %shift_right_logical3A_228 = arith.shrui %xor3A_221, %shift_right_logical3A_227 : vector<16xi32>
      %or3A_229 = arith.ori %shift_left3A_225, %shift_right_logical3A_228 : vector<16xi32>
      %xor3A_230 = arith.xori %or3A_229, %add3A_222 : vector<16xi32>
      %add3A_231 = vector.broadcast %xor3A_17 : i32 to vector<16xi32>
      %add3A_232 = arith.addi %add3A_222, %add3A_231 : vector<16xi32>
      %add3A_233 = arith.constant 0 : i32
      %add3A_234 = arith.constant 5 : i32
      %add3A_235 = arith.addi %add3A_233, %add3A_234 : i32
      %add3A_236 = vector.broadcast %add3A_235 : i32 to vector<16xi32>
      %add3A_237 = arith.addi %xor3A_230, %add3A_236 : vector<16xi32>
      %xor3A_238 = arith.xori %add3A_232, %add3A_237 : vector<16xi32>
      %shift_right_logical3A_239 = arith.constant 9 : i32
      %shift_right_logical3A_240 = vector.broadcast %shift_right_logical3A_239 : i32 to vector<16xi32>
      %shift_right_logical3A_241 = arith.shrui %xor3A_238, %shift_right_logical3A_240 : vector<16xi32>
      %or3A_242 = arith.constant 1065353216 : i32
      %or3A_243 = vector.broadcast %or3A_242 : i32 to vector<16xi32>
      %or3A_244 = arith.ori %shift_right_logical3A_241, %or3A_243 : vector<16xi32>
      %bitcast_convert_type3A = tpu.bitcast %or3A_244 : vector<16xi32> -> vector<16xf32>
      %sub3A = arith.constant 1.000000e+00 : f32
      %sub3A_245 = vector.broadcast %sub3A : f32 to vector<16xf32>
      %sub3A_246 = arith.subf %bitcast_convert_type3A, %sub3A_245 : vector<16xf32>
      %mul3A_247 = arith.constant 16 : i32
      %mul3A_248 = arith.muli %scan3A_8, %mul3A_247 : i32
      %swap3A = arith.index_cast %mul3A_248 : i32 to index
      %swap3A_249 = tpu.vector_load %arg3[%swap3A] {strides = array<i32>} : memref<4096xf32, #tpu.memory_space<vmem>>, vector<16xf32>,
      %swap3A_250 = vector.shape_cast %swap3A_249 : vector<16xf32> to vector<16xf32>
      %swap3A_251 = vector.shape_cast %sub3A_246 : vector<16xf32> to vector<16xf32>
      tpu.vector_store %arg3[%swap3A], %swap3A_251 {strides = array<i32>} : memref<4096xf32, #tpu.memory_space<vmem>>, vector<16xf32>,
    }
    %scan3A_7 = arith.constant 256 : i32
    "tpu.region"() ({
      %run_scoped3A = tpu.sem_alloc : memref<!tpu.dma_semaphore, #tpu.memory_space<semaphore_mem>>
      %dma_start3A = arith.constant 0 : i32
      %dma_start3A_8 = tpu.memref_slice %arg2[%add3A, %dma_start3A] : memref<32x4096xf32, #tpu.memory_space<hbm>> -> memref<1x4096xf32, #tpu.memory_space<hbm>>
      %dma_start3A_9 = tpu.memref_squeeze %dma_start3A_8 : memref<1x4096xf32, #tpu.memory_space<hbm>> -> memref<4096xf32, #tpu.memory_space<hbm>>
      %dma_start3A_10 = arith.constant 0 : i32
      %dma_start3A_11 = tpu.memref_slice %arg2[%add3A, %dma_start3A_10] : memref<32x4096xf32, #tpu.memory_space<hbm>> -> memref<1x4096xf32, #tpu.memory_space<hbm>>
      %dma_start3A_12 = tpu.memref_squeeze %dma_start3A_11 : memref<1x4096xf32, #tpu.memory_space<hbm>> -> memref<4096xf32, #tpu.memory_space<hbm>>
      tpu.enqueue_dma source(%arg3 : memref<4096xf32, #tpu.memory_space<vmem>>) target(%dma_start3A_12 : memref<4096xf32, #tpu.memory_space<hbm>>) target_semaphore(%run_scoped3A : memref<!tpu.dma_semaphore, #tpu.memory_space<semaphore_mem>>)
      %dma_wait3A = arith.constant 0 : i32
      %dma_wait3A_13 = tpu.memref_slice %arg2[%add3A, %dma_wait3A] : memref<32x4096xf32, #tpu.memory_space<hbm>> -> memref<1x4096xf32, #tpu.memory_space<hbm>>
      %dma_wait3A_14 = tpu.memref_squeeze %dma_wait3A_13 : memref<1x4096xf32, #tpu.memory_space<hbm>> -> memref<4096xf32, #tpu.memory_space<hbm>>
      %dma_wait3A_15 = arith.constant 0 : i32
      %dma_wait3A_16 = tpu.memref_slice %arg2[%add3A, %dma_wait3A_15] : memref<32x4096xf32, #tpu.memory_space<hbm>> -> memref<1x4096xf32, #tpu.memory_space<hbm>>
      %dma_wait3A_17 = tpu.memref_squeeze %dma_wait3A_16 : memref<1x4096xf32, #tpu.memory_space<hbm>> -> memref<4096xf32, #tpu.memory_space<hbm>>
      tpu.wait_dma2 semaphore(%run_scoped3A : memref<!tpu.dma_semaphore, #tpu.memory_space<semaphore_mem>>) src(%arg3 : memref<4096xf32, #tpu.memory_space<vmem>>) dst(%dma_wait3A_17 : memref<4096xf32, #tpu.memory_space<hbm>>)
      tpu.yield
    }) : () -> ()
    return
  }
}

module attributes {stable_mosaic.version = 14 : i64} {
  func.func @_embed_kernel(%arg0: memref<32x4000x64xf32, #tpu.memory_space<any>>, %arg1: memref<128x4000xf32, #tpu.memory_space<vmem>>, %arg2: memref<64x32x1x128xf32, #tpu.memory_space<vmem>>, %arg3: memref<8x4000x64xf32, #tpu.memory_space<vmem>>, %arg4: memref<8x!tpu.dma_semaphore, #tpu.memory_space<semaphore_mem>>) attributes {dimension_semantics = [], scalar_prefetch = 0 : i64, scratch_operands = 2 : i64, tpu.core_type = #tpu.core_type<tc>} {
    %dma_start3A = arith.constant 0 : i32
    %dma_start3A_0 = arith.constant 0 : i32
    %dma_start3A_1 = arith.constant 0 : i32
    %dma_start3A_2 = tpu.memref_slice %arg4[%dma_start3A_1] : memref<8x!tpu.dma_semaphore, #tpu.memory_space<semaphore_mem>> -> memref<1x!tpu.dma_semaphore, #tpu.memory_space<semaphore_mem>>
    %dma_start3A_3 = tpu.memref_squeeze %dma_start3A_2 : memref<1x!tpu.dma_semaphore, #tpu.memory_space<semaphore_mem>> -> memref<!tpu.dma_semaphore, #tpu.memory_space<semaphore_mem>>
    %dma_start3A_4 = arith.constant 0 : i32
    %dma_start3A_5 = arith.constant 0 : i32
    %dma_start3A_6 = tpu.memref_slice %arg3[%dma_start3A_0, %dma_start3A_4, %dma_start3A_5] : memref<8x4000x64xf32, #tpu.memory_space<vmem>> -> memref<1x4000x64xf32, #tpu.memory_space<vmem>>
    %dma_start3A_7 = tpu.memref_squeeze %dma_start3A_6 : memref<1x4000x64xf32, #tpu.memory_space<vmem>> -> memref<4000x64xf32, #tpu.memory_space<vmem>>
    %dma_start3A_8 = arith.constant 0 : i32
    %dma_start3A_9 = arith.constant 0 : i32
    %dma_start3A_10 = tpu.memref_slice %arg0[%dma_start3A, %dma_start3A_8, %dma_start3A_9] : memref<32x4000x64xf32, #tpu.memory_space<any>> -> memref<1x4000x64xf32, #tpu.memory_space<any>>
    %dma_start3A_11 = tpu.memref_squeeze %dma_start3A_10 : memref<1x4000x64xf32, #tpu.memory_space<any>> -> memref<4000x64xf32, #tpu.memory_space<any>>
    tpu.enqueue_dma source(%dma_start3A_11 : memref<4000x64xf32, #tpu.memory_space<any>>) target(%dma_start3A_7 : memref<4000x64xf32, #tpu.memory_space<vmem>>) target_semaphore(%dma_start3A_3 : memref<!tpu.dma_semaphore, #tpu.memory_space<semaphore_mem>>)
    %dma_start3A_12 = arith.constant 1 : i32
    %dma_start3A_13 = arith.constant 1 : i32
    %dma_start3A_14 = arith.constant 1 : i32
    %dma_start3A_15 = tpu.memref_slice %arg4[%dma_start3A_14] : memref<8x!tpu.dma_semaphore, #tpu.memory_space<semaphore_mem>> -> memref<1x!tpu.dma_semaphore, #tpu.memory_space<semaphore_mem>>
    %dma_start3A_16 = tpu.memref_squeeze %dma_start3A_15 : memref<1x!tpu.dma_semaphore, #tpu.memory_space<semaphore_mem>> -> memref<!tpu.dma_semaphore, #tpu.memory_space<semaphore_mem>>
    %dma_start3A_17 = arith.constant 0 : i32
    %dma_start3A_18 = arith.constant 0 : i32
    %dma_start3A_19 = tpu.memref_slice %arg3[%dma_start3A_13, %dma_start3A_17, %dma_start3A_18] : memref<8x4000x64xf32, #tpu.memory_space<vmem>> -> memref<1x4000x64xf32, #tpu.memory_space<vmem>>
    %dma_start3A_20 = tpu.memref_squeeze %dma_start3A_19 : memref<1x4000x64xf32, #tpu.memory_space<vmem>> -> memref<4000x64xf32, #tpu.memory_space<vmem>>
    %dma_start3A_21 = arith.constant 0 : i32
    %dma_start3A_22 = arith.constant 0 : i32
    %dma_start3A_23 = tpu.memref_slice %arg0[%dma_start3A_12, %dma_start3A_21, %dma_start3A_22] : memref<32x4000x64xf32, #tpu.memory_space<any>> -> memref<1x4000x64xf32, #tpu.memory_space<any>>
    %dma_start3A_24 = tpu.memref_squeeze %dma_start3A_23 : memref<1x4000x64xf32, #tpu.memory_space<any>> -> memref<4000x64xf32, #tpu.memory_space<any>>
    tpu.enqueue_dma source(%dma_start3A_24 : memref<4000x64xf32, #tpu.memory_space<any>>) target(%dma_start3A_20 : memref<4000x64xf32, #tpu.memory_space<vmem>>) target_semaphore(%dma_start3A_16 : memref<!tpu.dma_semaphore, #tpu.memory_space<semaphore_mem>>)
    %dma_start3A_25 = arith.constant 2 : i32
    %dma_start3A_26 = arith.constant 2 : i32
    %dma_start3A_27 = arith.constant 2 : i32
    %dma_start3A_28 = tpu.memref_slice %arg4[%dma_start3A_27] : memref<8x!tpu.dma_semaphore, #tpu.memory_space<semaphore_mem>> -> memref<1x!tpu.dma_semaphore, #tpu.memory_space<semaphore_mem>>
    %dma_start3A_29 = tpu.memref_squeeze %dma_start3A_28 : memref<1x!tpu.dma_semaphore, #tpu.memory_space<semaphore_mem>> -> memref<!tpu.dma_semaphore, #tpu.memory_space<semaphore_mem>>
    %dma_start3A_30 = arith.constant 0 : i32
    %dma_start3A_31 = arith.constant 0 : i32
    %dma_start3A_32 = tpu.memref_slice %arg3[%dma_start3A_26, %dma_start3A_30, %dma_start3A_31] : memref<8x4000x64xf32, #tpu.memory_space<vmem>> -> memref<1x4000x64xf32, #tpu.memory_space<vmem>>
    %dma_start3A_33 = tpu.memref_squeeze %dma_start3A_32 : memref<1x4000x64xf32, #tpu.memory_space<vmem>> -> memref<4000x64xf32, #tpu.memory_space<vmem>>
    %dma_start3A_34 = arith.constant 0 : i32
    %dma_start3A_35 = arith.constant 0 : i32
    %dma_start3A_36 = tpu.memref_slice %arg0[%dma_start3A_25, %dma_start3A_34, %dma_start3A_35] : memref<32x4000x64xf32, #tpu.memory_space<any>> -> memref<1x4000x64xf32, #tpu.memory_space<any>>
    %dma_start3A_37 = tpu.memref_squeeze %dma_start3A_36 : memref<1x4000x64xf32, #tpu.memory_space<any>> -> memref<4000x64xf32, #tpu.memory_space<any>>
    tpu.enqueue_dma source(%dma_start3A_37 : memref<4000x64xf32, #tpu.memory_space<any>>) target(%dma_start3A_33 : memref<4000x64xf32, #tpu.memory_space<vmem>>) target_semaphore(%dma_start3A_29 : memref<!tpu.dma_semaphore, #tpu.memory_space<semaphore_mem>>)
    %dma_start3A_38 = arith.constant 3 : i32
    %dma_start3A_39 = arith.constant 3 : i32
    %dma_start3A_40 = arith.constant 3 : i32
    %dma_start3A_41 = tpu.memref_slice %arg4[%dma_start3A_40] : memref<8x!tpu.dma_semaphore, #tpu.memory_space<semaphore_mem>> -> memref<1x!tpu.dma_semaphore, #tpu.memory_space<semaphore_mem>>
    %dma_start3A_42 = tpu.memref_squeeze %dma_start3A_41 : memref<1x!tpu.dma_semaphore, #tpu.memory_space<semaphore_mem>> -> memref<!tpu.dma_semaphore, #tpu.memory_space<semaphore_mem>>
    %dma_start3A_43 = arith.constant 0 : i32
    %dma_start3A_44 = arith.constant 0 : i32
    %dma_start3A_45 = tpu.memref_slice %arg3[%dma_start3A_39, %dma_start3A_43, %dma_start3A_44] : memref<8x4000x64xf32, #tpu.memory_space<vmem>> -> memref<1x4000x64xf32, #tpu.memory_space<vmem>>
    %dma_start3A_46 = tpu.memref_squeeze %dma_start3A_45 : memref<1x4000x64xf32, #tpu.memory_space<vmem>> -> memref<4000x64xf32, #tpu.memory_space<vmem>>
    %dma_start3A_47 = arith.constant 0 : i32
    %dma_start3A_48 = arith.constant 0 : i32
    %dma_start3A_49 = tpu.memref_slice %arg0[%dma_start3A_38, %dma_start3A_47, %dma_start3A_48] : memref<32x4000x64xf32, #tpu.memory_space<any>> -> memref<1x4000x64xf32, #tpu.memory_space<any>>
    %dma_start3A_50 = tpu.memref_squeeze %dma_start3A_49 : memref<1x4000x64xf32, #tpu.memory_space<any>> -> memref<4000x64xf32, #tpu.memory_space<any>>
    tpu.enqueue_dma source(%dma_start3A_50 : memref<4000x64xf32, #tpu.memory_space<any>>) target(%dma_start3A_46 : memref<4000x64xf32, #tpu.memory_space<vmem>>) target_semaphore(%dma_start3A_42 : memref<!tpu.dma_semaphore, #tpu.memory_space<semaphore_mem>>)
    %dma_start3A_51 = arith.constant 4 : i32
    %dma_start3A_52 = arith.constant 4 : i32
    %dma_start3A_53 = arith.constant 4 : i32
    %dma_start3A_54 = tpu.memref_slice %arg4[%dma_start3A_53] : memref<8x!tpu.dma_semaphore, #tpu.memory_space<semaphore_mem>> -> memref<1x!tpu.dma_semaphore, #tpu.memory_space<semaphore_mem>>
    %dma_start3A_55 = tpu.memref_squeeze %dma_start3A_54 : memref<1x!tpu.dma_semaphore, #tpu.memory_space<semaphore_mem>> -> memref<!tpu.dma_semaphore, #tpu.memory_space<semaphore_mem>>
    %dma_start3A_56 = arith.constant 0 : i32
    %dma_start3A_57 = arith.constant 0 : i32
    %dma_start3A_58 = tpu.memref_slice %arg3[%dma_start3A_52, %dma_start3A_56, %dma_start3A_57] : memref<8x4000x64xf32, #tpu.memory_space<vmem>> -> memref<1x4000x64xf32, #tpu.memory_space<vmem>>
    %dma_start3A_59 = tpu.memref_squeeze %dma_start3A_58 : memref<1x4000x64xf32, #tpu.memory_space<vmem>> -> memref<4000x64xf32, #tpu.memory_space<vmem>>
    %dma_start3A_60 = arith.constant 0 : i32
    %dma_start3A_61 = arith.constant 0 : i32
    %dma_start3A_62 = tpu.memref_slice %arg0[%dma_start3A_51, %dma_start3A_60, %dma_start3A_61] : memref<32x4000x64xf32, #tpu.memory_space<any>> -> memref<1x4000x64xf32, #tpu.memory_space<any>>
    %dma_start3A_63 = tpu.memref_squeeze %dma_start3A_62 : memref<1x4000x64xf32, #tpu.memory_space<any>> -> memref<4000x64xf32, #tpu.memory_space<any>>
    tpu.enqueue_dma source(%dma_start3A_63 : memref<4000x64xf32, #tpu.memory_space<any>>) target(%dma_start3A_59 : memref<4000x64xf32, #tpu.memory_space<vmem>>) target_semaphore(%dma_start3A_55 : memref<!tpu.dma_semaphore, #tpu.memory_space<semaphore_mem>>)
    %dma_start3A_64 = arith.constant 5 : i32
    %dma_start3A_65 = arith.constant 5 : i32
    %dma_start3A_66 = arith.constant 5 : i32
    %dma_start3A_67 = tpu.memref_slice %arg4[%dma_start3A_66] : memref<8x!tpu.dma_semaphore, #tpu.memory_space<semaphore_mem>> -> memref<1x!tpu.dma_semaphore, #tpu.memory_space<semaphore_mem>>
    %dma_start3A_68 = tpu.memref_squeeze %dma_start3A_67 : memref<1x!tpu.dma_semaphore, #tpu.memory_space<semaphore_mem>> -> memref<!tpu.dma_semaphore, #tpu.memory_space<semaphore_mem>>
    %dma_start3A_69 = arith.constant 0 : i32
    %dma_start3A_70 = arith.constant 0 : i32
    %dma_start3A_71 = tpu.memref_slice %arg3[%dma_start3A_65, %dma_start3A_69, %dma_start3A_70] : memref<8x4000x64xf32, #tpu.memory_space<vmem>> -> memref<1x4000x64xf32, #tpu.memory_space<vmem>>
    %dma_start3A_72 = tpu.memref_squeeze %dma_start3A_71 : memref<1x4000x64xf32, #tpu.memory_space<vmem>> -> memref<4000x64xf32, #tpu.memory_space<vmem>>
    %dma_start3A_73 = arith.constant 0 : i32
    %dma_start3A_74 = arith.constant 0 : i32
    %dma_start3A_75 = tpu.memref_slice %arg0[%dma_start3A_64, %dma_start3A_73, %dma_start3A_74] : memref<32x4000x64xf32, #tpu.memory_space<any>> -> memref<1x4000x64xf32, #tpu.memory_space<any>>
    %dma_start3A_76 = tpu.memref_squeeze %dma_start3A_75 : memref<1x4000x64xf32, #tpu.memory_space<any>> -> memref<4000x64xf32, #tpu.memory_space<any>>
    tpu.enqueue_dma source(%dma_start3A_76 : memref<4000x64xf32, #tpu.memory_space<any>>) target(%dma_start3A_72 : memref<4000x64xf32, #tpu.memory_space<vmem>>) target_semaphore(%dma_start3A_68 : memref<!tpu.dma_semaphore, #tpu.memory_space<semaphore_mem>>)
    %dma_start3A_77 = arith.constant 6 : i32
    %dma_start3A_78 = arith.constant 6 : i32
    %dma_start3A_79 = arith.constant 6 : i32
    %dma_start3A_80 = tpu.memref_slice %arg4[%dma_start3A_79] : memref<8x!tpu.dma_semaphore, #tpu.memory_space<semaphore_mem>> -> memref<1x!tpu.dma_semaphore, #tpu.memory_space<semaphore_mem>>
    %dma_start3A_81 = tpu.memref_squeeze %dma_start3A_80 : memref<1x!tpu.dma_semaphore, #tpu.memory_space<semaphore_mem>> -> memref<!tpu.dma_semaphore, #tpu.memory_space<semaphore_mem>>
    %dma_start3A_82 = arith.constant 0 : i32
    %dma_start3A_83 = arith.constant 0 : i32
    %dma_start3A_84 = tpu.memref_slice %arg3[%dma_start3A_78, %dma_start3A_82, %dma_start3A_83] : memref<8x4000x64xf32, #tpu.memory_space<vmem>> -> memref<1x4000x64xf32, #tpu.memory_space<vmem>>
    %dma_start3A_85 = tpu.memref_squeeze %dma_start3A_84 : memref<1x4000x64xf32, #tpu.memory_space<vmem>> -> memref<4000x64xf32, #tpu.memory_space<vmem>>
    %dma_start3A_86 = arith.constant 0 : i32
    %dma_start3A_87 = arith.constant 0 : i32
    %dma_start3A_88 = tpu.memref_slice %arg0[%dma_start3A_77, %dma_start3A_86, %dma_start3A_87] : memref<32x4000x64xf32, #tpu.memory_space<any>> -> memref<1x4000x64xf32, #tpu.memory_space<any>>
    %dma_start3A_89 = tpu.memref_squeeze %dma_start3A_88 : memref<1x4000x64xf32, #tpu.memory_space<any>> -> memref<4000x64xf32, #tpu.memory_space<any>>
    tpu.enqueue_dma source(%dma_start3A_89 : memref<4000x64xf32, #tpu.memory_space<any>>) target(%dma_start3A_85 : memref<4000x64xf32, #tpu.memory_space<vmem>>) target_semaphore(%dma_start3A_81 : memref<!tpu.dma_semaphore, #tpu.memory_space<semaphore_mem>>)
    %dma_start3A_90 = arith.constant 7 : i32
    %dma_start3A_91 = arith.constant 7 : i32
    %dma_start3A_92 = arith.constant 7 : i32
    %dma_start3A_93 = tpu.memref_slice %arg4[%dma_start3A_92] : memref<8x!tpu.dma_semaphore, #tpu.memory_space<semaphore_mem>> -> memref<1x!tpu.dma_semaphore, #tpu.memory_space<semaphore_mem>>
    %dma_start3A_94 = tpu.memref_squeeze %dma_start3A_93 : memref<1x!tpu.dma_semaphore, #tpu.memory_space<semaphore_mem>> -> memref<!tpu.dma_semaphore, #tpu.memory_space<semaphore_mem>>
    %dma_start3A_95 = arith.constant 0 : i32
    %dma_start3A_96 = arith.constant 0 : i32
    %dma_start3A_97 = tpu.memref_slice %arg3[%dma_start3A_91, %dma_start3A_95, %dma_start3A_96] : memref<8x4000x64xf32, #tpu.memory_space<vmem>> -> memref<1x4000x64xf32, #tpu.memory_space<vmem>>
    %dma_start3A_98 = tpu.memref_squeeze %dma_start3A_97 : memref<1x4000x64xf32, #tpu.memory_space<vmem>> -> memref<4000x64xf32, #tpu.memory_space<vmem>>
    %dma_start3A_99 = arith.constant 0 : i32
    %dma_start3A_100 = arith.constant 0 : i32
    %dma_start3A_101 = tpu.memref_slice %arg0[%dma_start3A_90, %dma_start3A_99, %dma_start3A_100] : memref<32x4000x64xf32, #tpu.memory_space<any>> -> memref<1x4000x64xf32, #tpu.memory_space<any>>
    %dma_start3A_102 = tpu.memref_squeeze %dma_start3A_101 : memref<1x4000x64xf32, #tpu.memory_space<any>> -> memref<4000x64xf32, #tpu.memory_space<any>>
    tpu.enqueue_dma source(%dma_start3A_102 : memref<4000x64xf32, #tpu.memory_space<any>>) target(%dma_start3A_98 : memref<4000x64xf32, #tpu.memory_space<vmem>>) target_semaphore(%dma_start3A_94 : memref<!tpu.dma_semaphore, #tpu.memory_space<semaphore_mem>>)
    %dma_wait3A = arith.constant 0 : i32
    %dma_wait3A_103 = arith.constant 0 : i32
    %dma_wait3A_104 = arith.constant 0 : i32
    %dma_wait3A_105 = tpu.memref_slice %arg4[%dma_wait3A_104] : memref<8x!tpu.dma_semaphore, #tpu.memory_space<semaphore_mem>> -> memref<1x!tpu.dma_semaphore, #tpu.memory_space<semaphore_mem>>
    %dma_wait3A_106 = tpu.memref_squeeze %dma_wait3A_105 : memref<1x!tpu.dma_semaphore, #tpu.memory_space<semaphore_mem>> -> memref<!tpu.dma_semaphore, #tpu.memory_space<semaphore_mem>>
    %dma_wait3A_107 = arith.constant 0 : i32
    %dma_wait3A_108 = arith.constant 0 : i32
    %dma_wait3A_109 = tpu.memref_slice %arg3[%dma_wait3A_103, %dma_wait3A_107, %dma_wait3A_108] : memref<8x4000x64xf32, #tpu.memory_space<vmem>> -> memref<1x4000x64xf32, #tpu.memory_space<vmem>>
    %dma_wait3A_110 = tpu.memref_squeeze %dma_wait3A_109 : memref<1x4000x64xf32, #tpu.memory_space<vmem>> -> memref<4000x64xf32, #tpu.memory_space<vmem>>
    %dma_wait3A_111 = arith.constant 0 : i32
    %dma_wait3A_112 = arith.constant 0 : i32
    %dma_wait3A_113 = tpu.memref_slice %arg0[%dma_wait3A, %dma_wait3A_111, %dma_wait3A_112] : memref<32x4000x64xf32, #tpu.memory_space<any>> -> memref<1x4000x64xf32, #tpu.memory_space<any>>
    %dma_wait3A_114 = tpu.memref_squeeze %dma_wait3A_113 : memref<1x4000x64xf32, #tpu.memory_space<any>> -> memref<4000x64xf32, #tpu.memory_space<any>>
    tpu.wait_dma2 semaphore(%dma_wait3A_106 : memref<!tpu.dma_semaphore, #tpu.memory_space<semaphore_mem>>) src(%dma_wait3A_114 : memref<4000x64xf32, #tpu.memory_space<any>>) dst(%dma_wait3A_110 : memref<4000x64xf32, #tpu.memory_space<vmem>>)
    %get3A = arith.constant 0 : index
    %get3A_115 = arith.constant 0 : index
    %get3A_116 = arith.constant 0 : index
    %get3A_117 = vector.load %arg3[%get3A, %get3A_115, %get3A_116] : memref<8x4000x64xf32, #tpu.memory_space<vmem>>, vector<1x4000x64xf32>
    %get3A_118 = vector.shape_cast %get3A_117 : vector<1x4000x64xf32> to vector<4000x64xf32>
    %get3A_119 = arith.constant 0 : index
    %get3A_120 = arith.constant 0 : index
    %get3A_121 = vector.load %arg1[%get3A_119, %get3A_120] : memref<128x4000xf32, #tpu.memory_space<vmem>>, vector<128x4000xf32>
    %dot_general3A = arith.constant dense<0.000000e+00> : vector<128x64xf32>
    %dot_general3A_122 = tpu.matmul %get3A_121, %get3A_118, %dot_general3A {dimension_numbers = #tpu.dot_dimension_numbers<[1], [0], [0], [1], [0, 0, 1, 1], [], []>, transpose_lhs_hint = false} : vector<128x4000xf32>, vector<4000x64xf32>, vector<128x64xf32> -> vector<128x64xf32>
    %tanh3A = math.tanh %dot_general3A_122 : vector<128x64xf32>
    %transpose3A = tpu.transpose %tanh3A, [1, 0] : vector<128x64xf32> -> vector<64x128xf32>
    %swap3A = arith.constant 0 : index
    %swap3A_123 = arith.constant 0 : index
    %swap3A_124 = arith.constant 0 : index
    %swap3A_125 = arith.constant 0 : index
    %swap3A_126 = vector.load %arg2[%swap3A, %swap3A_123, %swap3A_124, %swap3A_125] : memref<64x32x1x128xf32, #tpu.memory_space<vmem>>, vector<64x1x1x128xf32>
    %swap3A_127 = vector.shape_cast %swap3A_126 : vector<64x1x1x128xf32> to vector<64x128xf32>
    %swap3A_128 = vector.shape_cast %transpose3A : vector<64x128xf32> to vector<64x1x1x128xf32>
    tpu.vector_store %arg2[%swap3A, %swap3A_123, %swap3A_124, %swap3A_125], %swap3A_128 {strides = array<i32>} : memref<64x32x1x128xf32, #tpu.memory_space<vmem>>, vector<64x1x1x128xf32>,
    %dma_start3A_129 = arith.constant 8 : i32
    %dma_start3A_130 = arith.constant 0 : i32
    %dma_start3A_131 = arith.constant 0 : i32
    %dma_start3A_132 = tpu.memref_slice %arg4[%dma_start3A_131] : memref<8x!tpu.dma_semaphore, #tpu.memory_space<semaphore_mem>> -> memref<1x!tpu.dma_semaphore, #tpu.memory_space<semaphore_mem>>
    %dma_start3A_133 = tpu.memref_squeeze %dma_start3A_132 : memref<1x!tpu.dma_semaphore, #tpu.memory_space<semaphore_mem>> -> memref<!tpu.dma_semaphore, #tpu.memory_space<semaphore_mem>>
    %dma_start3A_134 = arith.constant 0 : i32
    %dma_start3A_135 = arith.constant 0 : i32
    %dma_start3A_136 = tpu.memref_slice %arg3[%dma_start3A_130, %dma_start3A_134, %dma_start3A_135] : memref<8x4000x64xf32, #tpu.memory_space<vmem>> -> memref<1x4000x64xf32, #tpu.memory_space<vmem>>
    %dma_start3A_137 = tpu.memref_squeeze %dma_start3A_136 : memref<1x4000x64xf32, #tpu.memory_space<vmem>> -> memref<4000x64xf32, #tpu.memory_space<vmem>>
    %dma_start3A_138 = arith.constant 0 : i32
    %dma_start3A_139 = arith.constant 0 : i32
    %dma_start3A_140 = tpu.memref_slice %arg0[%dma_start3A_129, %dma_start3A_138, %dma_start3A_139] : memref<32x4000x64xf32, #tpu.memory_space<any>> -> memref<1x4000x64xf32, #tpu.memory_space<any>>
    %dma_start3A_141 = tpu.memref_squeeze %dma_start3A_140 : memref<1x4000x64xf32, #tpu.memory_space<any>> -> memref<4000x64xf32, #tpu.memory_space<any>>
    tpu.enqueue_dma source(%dma_start3A_141 : memref<4000x64xf32, #tpu.memory_space<any>>) target(%dma_start3A_137 : memref<4000x64xf32, #tpu.memory_space<vmem>>) target_semaphore(%dma_start3A_133 : memref<!tpu.dma_semaphore, #tpu.memory_space<semaphore_mem>>)
    %dma_wait3A_142 = arith.constant 1 : i32
    %dma_wait3A_143 = arith.constant 1 : i32
    %dma_wait3A_144 = arith.constant 1 : i32
    %dma_wait3A_145 = tpu.memref_slice %arg4[%dma_wait3A_144] : memref<8x!tpu.dma_semaphore, #tpu.memory_space<semaphore_mem>> -> memref<1x!tpu.dma_semaphore, #tpu.memory_space<semaphore_mem>>
    %dma_wait3A_146 = tpu.memref_squeeze %dma_wait3A_145 : memref<1x!tpu.dma_semaphore, #tpu.memory_space<semaphore_mem>> -> memref<!tpu.dma_semaphore, #tpu.memory_space<semaphore_mem>>
    %dma_wait3A_147 = arith.constant 0 : i32
    %dma_wait3A_148 = arith.constant 0 : i32
    %dma_wait3A_149 = tpu.memref_slice %arg3[%dma_wait3A_143, %dma_wait3A_147, %dma_wait3A_148] : memref<8x4000x64xf32, #tpu.memory_space<vmem>> -> memref<1x4000x64xf32, #tpu.memory_space<vmem>>
    %dma_wait3A_150 = tpu.memref_squeeze %dma_wait3A_149 : memref<1x4000x64xf32, #tpu.memory_space<vmem>> -> memref<4000x64xf32, #tpu.memory_space<vmem>>
    %dma_wait3A_151 = arith.constant 0 : i32
    %dma_wait3A_152 = arith.constant 0 : i32
    %dma_wait3A_153 = tpu.memref_slice %arg0[%dma_wait3A_142, %dma_wait3A_151, %dma_wait3A_152] : memref<32x4000x64xf32, #tpu.memory_space<any>> -> memref<1x4000x64xf32, #tpu.memory_space<any>>
    %dma_wait3A_154 = tpu.memref_squeeze %dma_wait3A_153 : memref<1x4000x64xf32, #tpu.memory_space<any>> -> memref<4000x64xf32, #tpu.memory_space<any>>
    tpu.wait_dma2 semaphore(%dma_wait3A_146 : memref<!tpu.dma_semaphore, #tpu.memory_space<semaphore_mem>>) src(%dma_wait3A_154 : memref<4000x64xf32, #tpu.memory_space<any>>) dst(%dma_wait3A_150 : memref<4000x64xf32, #tpu.memory_space<vmem>>)
    %get3A_155 = arith.constant 1 : index
    %get3A_156 = arith.constant 0 : index
    %get3A_157 = arith.constant 0 : index
    %get3A_158 = vector.load %arg3[%get3A_155, %get3A_156, %get3A_157] : memref<8x4000x64xf32, #tpu.memory_space<vmem>>, vector<1x4000x64xf32>
    %get3A_159 = vector.shape_cast %get3A_158 : vector<1x4000x64xf32> to vector<4000x64xf32>
    %get3A_160 = arith.constant 0 : index
    %get3A_161 = arith.constant 0 : index
    %get3A_162 = vector.load %arg1[%get3A_160, %get3A_161] : memref<128x4000xf32, #tpu.memory_space<vmem>>, vector<128x4000xf32>
    %dot_general3A_163 = arith.constant dense<0.000000e+00> : vector<128x64xf32>
    %dot_general3A_164 = tpu.matmul %get3A_162, %get3A_159, %dot_general3A_163 {dimension_numbers = #tpu.dot_dimension_numbers<[1], [0], [0], [1], [0, 0, 1, 1], [], []>, transpose_lhs_hint = false} : vector<128x4000xf32>, vector<4000x64xf32>, vector<128x64xf32> -> vector<128x64xf32>
    %tanh3A_165 = math.tanh %dot_general3A_164 : vector<128x64xf32>
    %transpose3A_166 = tpu.transpose %tanh3A_165, [1, 0] : vector<128x64xf32> -> vector<64x128xf32>
    %swap3A_167 = arith.constant 0 : index
    %swap3A_168 = arith.constant 1 : index
    %swap3A_169 = arith.constant 0 : index
    %swap3A_170 = arith.constant 0 : index
    %swap3A_171 = vector.load %arg2[%swap3A_167, %swap3A_168, %swap3A_169, %swap3A_170] : memref<64x32x1x128xf32, #tpu.memory_space<vmem>>, vector<64x1x1x128xf32>
    %swap3A_172 = vector.shape_cast %swap3A_171 : vector<64x1x1x128xf32> to vector<64x128xf32>
    %swap3A_173 = vector.shape_cast %transpose3A_166 : vector<64x128xf32> to vector<64x1x1x128xf32>
    tpu.vector_store %arg2[%swap3A_167, %swap3A_168, %swap3A_169, %swap3A_170], %swap3A_173 {strides = array<i32>} : memref<64x32x1x128xf32, #tpu.memory_space<vmem>>, vector<64x1x1x128xf32>,
    %dma_start3A_174 = arith.constant 9 : i32
    %dma_start3A_175 = arith.constant 1 : i32
    %dma_start3A_176 = arith.constant 1 : i32
    %dma_start3A_177 = tpu.memref_slice %arg4[%dma_start3A_176] : memref<8x!tpu.dma_semaphore, #tpu.memory_space<semaphore_mem>> -> memref<1x!tpu.dma_semaphore, #tpu.memory_space<semaphore_mem>>
    %dma_start3A_178 = tpu.memref_squeeze %dma_start3A_177 : memref<1x!tpu.dma_semaphore, #tpu.memory_space<semaphore_mem>> -> memref<!tpu.dma_semaphore, #tpu.memory_space<semaphore_mem>>
    %dma_start3A_179 = arith.constant 0 : i32
    %dma_start3A_180 = arith.constant 0 : i32
    %dma_start3A_181 = tpu.memref_slice %arg3[%dma_start3A_175, %dma_start3A_179, %dma_start3A_180] : memref<8x4000x64xf32, #tpu.memory_space<vmem>> -> memref<1x4000x64xf32, #tpu.memory_space<vmem>>
    %dma_start3A_182 = tpu.memref_squeeze %dma_start3A_181 : memref<1x4000x64xf32, #tpu.memory_space<vmem>> -> memref<4000x64xf32, #tpu.memory_space<vmem>>
    %dma_start3A_183 = arith.constant 0 : i32
    %dma_start3A_184 = arith.constant 0 : i32
    %dma_start3A_185 = tpu.memref_slice %arg0[%dma_start3A_174, %dma_start3A_183, %dma_start3A_184] : memref<32x4000x64xf32, #tpu.memory_space<any>> -> memref<1x4000x64xf32, #tpu.memory_space<any>>
    %dma_start3A_186 = tpu.memref_squeeze %dma_start3A_185 : memref<1x4000x64xf32, #tpu.memory_space<any>> -> memref<4000x64xf32, #tpu.memory_space<any>>
    tpu.enqueue_dma source(%dma_start3A_186 : memref<4000x64xf32, #tpu.memory_space<any>>) target(%dma_start3A_182 : memref<4000x64xf32, #tpu.memory_space<vmem>>) target_semaphore(%dma_start3A_178 : memref<!tpu.dma_semaphore, #tpu.memory_space<semaphore_mem>>)
    %dma_wait3A_187 = arith.constant 2 : i32
    %dma_wait3A_188 = arith.constant 2 : i32
    %dma_wait3A_189 = arith.constant 2 : i32
    %dma_wait3A_190 = tpu.memref_slice %arg4[%dma_wait3A_189] : memref<8x!tpu.dma_semaphore, #tpu.memory_space<semaphore_mem>> -> memref<1x!tpu.dma_semaphore, #tpu.memory_space<semaphore_mem>>
    %dma_wait3A_191 = tpu.memref_squeeze %dma_wait3A_190 : memref<1x!tpu.dma_semaphore, #tpu.memory_space<semaphore_mem>> -> memref<!tpu.dma_semaphore, #tpu.memory_space<semaphore_mem>>
    %dma_wait3A_192 = arith.constant 0 : i32
    %dma_wait3A_193 = arith.constant 0 : i32
    %dma_wait3A_194 = tpu.memref_slice %arg3[%dma_wait3A_188, %dma_wait3A_192, %dma_wait3A_193] : memref<8x4000x64xf32, #tpu.memory_space<vmem>> -> memref<1x4000x64xf32, #tpu.memory_space<vmem>>
    %dma_wait3A_195 = tpu.memref_squeeze %dma_wait3A_194 : memref<1x4000x64xf32, #tpu.memory_space<vmem>> -> memref<4000x64xf32, #tpu.memory_space<vmem>>
    %dma_wait3A_196 = arith.constant 0 : i32
    %dma_wait3A_197 = arith.constant 0 : i32
    %dma_wait3A_198 = tpu.memref_slice %arg0[%dma_wait3A_187, %dma_wait3A_196, %dma_wait3A_197] : memref<32x4000x64xf32, #tpu.memory_space<any>> -> memref<1x4000x64xf32, #tpu.memory_space<any>>
    %dma_wait3A_199 = tpu.memref_squeeze %dma_wait3A_198 : memref<1x4000x64xf32, #tpu.memory_space<any>> -> memref<4000x64xf32, #tpu.memory_space<any>>
    tpu.wait_dma2 semaphore(%dma_wait3A_191 : memref<!tpu.dma_semaphore, #tpu.memory_space<semaphore_mem>>) src(%dma_wait3A_199 : memref<4000x64xf32, #tpu.memory_space<any>>) dst(%dma_wait3A_195 : memref<4000x64xf32, #tpu.memory_space<vmem>>)
    %get3A_200 = arith.constant 2 : index
    %get3A_201 = arith.constant 0 : index
    %get3A_202 = arith.constant 0 : index
    %get3A_203 = vector.load %arg3[%get3A_200, %get3A_201, %get3A_202] : memref<8x4000x64xf32, #tpu.memory_space<vmem>>, vector<1x4000x64xf32>
    %get3A_204 = vector.shape_cast %get3A_203 : vector<1x4000x64xf32> to vector<4000x64xf32>
    %get3A_205 = arith.constant 0 : index
    %get3A_206 = arith.constant 0 : index
    %get3A_207 = vector.load %arg1[%get3A_205, %get3A_206] : memref<128x4000xf32, #tpu.memory_space<vmem>>, vector<128x4000xf32>
    %dot_general3A_208 = arith.constant dense<0.000000e+00> : vector<128x64xf32>
    %dot_general3A_209 = tpu.matmul %get3A_207, %get3A_204, %dot_general3A_208 {dimension_numbers = #tpu.dot_dimension_numbers<[1], [0], [0], [1], [0, 0, 1, 1], [], []>, transpose_lhs_hint = false} : vector<128x4000xf32>, vector<4000x64xf32>, vector<128x64xf32> -> vector<128x64xf32>
    %tanh3A_210 = math.tanh %dot_general3A_209 : vector<128x64xf32>
    %transpose3A_211 = tpu.transpose %tanh3A_210, [1, 0] : vector<128x64xf32> -> vector<64x128xf32>
    %swap3A_212 = arith.constant 0 : index
    %swap3A_213 = arith.constant 2 : index
    %swap3A_214 = arith.constant 0 : index
    %swap3A_215 = arith.constant 0 : index
    %swap3A_216 = vector.load %arg2[%swap3A_212, %swap3A_213, %swap3A_214, %swap3A_215] : memref<64x32x1x128xf32, #tpu.memory_space<vmem>>, vector<64x1x1x128xf32>
    %swap3A_217 = vector.shape_cast %swap3A_216 : vector<64x1x1x128xf32> to vector<64x128xf32>
    %swap3A_218 = vector.shape_cast %transpose3A_211 : vector<64x128xf32> to vector<64x1x1x128xf32>
    tpu.vector_store %arg2[%swap3A_212, %swap3A_213, %swap3A_214, %swap3A_215], %swap3A_218 {strides = array<i32>} : memref<64x32x1x128xf32, #tpu.memory_space<vmem>>, vector<64x1x1x128xf32>,
    %dma_start3A_219 = arith.constant 10 : i32
    %dma_start3A_220 = arith.constant 2 : i32
    %dma_start3A_221 = arith.constant 2 : i32
    %dma_start3A_222 = tpu.memref_slice %arg4[%dma_start3A_221] : memref<8x!tpu.dma_semaphore, #tpu.memory_space<semaphore_mem>> -> memref<1x!tpu.dma_semaphore, #tpu.memory_space<semaphore_mem>>
    %dma_start3A_223 = tpu.memref_squeeze %dma_start3A_222 : memref<1x!tpu.dma_semaphore, #tpu.memory_space<semaphore_mem>> -> memref<!tpu.dma_semaphore, #tpu.memory_space<semaphore_mem>>
    %dma_start3A_224 = arith.constant 0 : i32
    %dma_start3A_225 = arith.constant 0 : i32
    %dma_start3A_226 = tpu.memref_slice %arg3[%dma_start3A_220, %dma_start3A_224, %dma_start3A_225] : memref<8x4000x64xf32, #tpu.memory_space<vmem>> -> memref<1x4000x64xf32, #tpu.memory_space<vmem>>
    %dma_start3A_227 = tpu.memref_squeeze %dma_start3A_226 : memref<1x4000x64xf32, #tpu.memory_space<vmem>> -> memref<4000x64xf32, #tpu.memory_space<vmem>>
    %dma_start3A_228 = arith.constant 0 : i32
    %dma_start3A_229 = arith.constant 0 : i32
    %dma_start3A_230 = tpu.memref_slice %arg0[%dma_start3A_219, %dma_start3A_228, %dma_start3A_229] : memref<32x4000x64xf32, #tpu.memory_space<any>> -> memref<1x4000x64xf32, #tpu.memory_space<any>>
    %dma_start3A_231 = tpu.memref_squeeze %dma_start3A_230 : memref<1x4000x64xf32, #tpu.memory_space<any>> -> memref<4000x64xf32, #tpu.memory_space<any>>
    tpu.enqueue_dma source(%dma_start3A_231 : memref<4000x64xf32, #tpu.memory_space<any>>) target(%dma_start3A_227 : memref<4000x64xf32, #tpu.memory_space<vmem>>) target_semaphore(%dma_start3A_223 : memref<!tpu.dma_semaphore, #tpu.memory_space<semaphore_mem>>)
    %dma_wait3A_232 = arith.constant 3 : i32
    %dma_wait3A_233 = arith.constant 3 : i32
    %dma_wait3A_234 = arith.constant 3 : i32
    %dma_wait3A_235 = tpu.memref_slice %arg4[%dma_wait3A_234] : memref<8x!tpu.dma_semaphore, #tpu.memory_space<semaphore_mem>> -> memref<1x!tpu.dma_semaphore, #tpu.memory_space<semaphore_mem>>
    %dma_wait3A_236 = tpu.memref_squeeze %dma_wait3A_235 : memref<1x!tpu.dma_semaphore, #tpu.memory_space<semaphore_mem>> -> memref<!tpu.dma_semaphore, #tpu.memory_space<semaphore_mem>>
    %dma_wait3A_237 = arith.constant 0 : i32
    %dma_wait3A_238 = arith.constant 0 : i32
    %dma_wait3A_239 = tpu.memref_slice %arg3[%dma_wait3A_233, %dma_wait3A_237, %dma_wait3A_238] : memref<8x4000x64xf32, #tpu.memory_space<vmem>> -> memref<1x4000x64xf32, #tpu.memory_space<vmem>>
    %dma_wait3A_240 = tpu.memref_squeeze %dma_wait3A_239 : memref<1x4000x64xf32, #tpu.memory_space<vmem>> -> memref<4000x64xf32, #tpu.memory_space<vmem>>
    %dma_wait3A_241 = arith.constant 0 : i32
    %dma_wait3A_242 = arith.constant 0 : i32
    %dma_wait3A_243 = tpu.memref_slice %arg0[%dma_wait3A_232, %dma_wait3A_241, %dma_wait3A_242] : memref<32x4000x64xf32, #tpu.memory_space<any>> -> memref<1x4000x64xf32, #tpu.memory_space<any>>
    %dma_wait3A_244 = tpu.memref_squeeze %dma_wait3A_243 : memref<1x4000x64xf32, #tpu.memory_space<any>> -> memref<4000x64xf32, #tpu.memory_space<any>>
    tpu.wait_dma2 semaphore(%dma_wait3A_236 : memref<!tpu.dma_semaphore, #tpu.memory_space<semaphore_mem>>) src(%dma_wait3A_244 : memref<4000x64xf32, #tpu.memory_space<any>>) dst(%dma_wait3A_240 : memref<4000x64xf32, #tpu.memory_space<vmem>>)
    %get3A_245 = arith.constant 3 : index
    %get3A_246 = arith.constant 0 : index
    %get3A_247 = arith.constant 0 : index
    %get3A_248 = vector.load %arg3[%get3A_245, %get3A_246, %get3A_247] : memref<8x4000x64xf32, #tpu.memory_space<vmem>>, vector<1x4000x64xf32>
    %get3A_249 = vector.shape_cast %get3A_248 : vector<1x4000x64xf32> to vector<4000x64xf32>
    %get3A_250 = arith.constant 0 : index
    %get3A_251 = arith.constant 0 : index
    %get3A_252 = vector.load %arg1[%get3A_250, %get3A_251] : memref<128x4000xf32, #tpu.memory_space<vmem>>, vector<128x4000xf32>
    %dot_general3A_253 = arith.constant dense<0.000000e+00> : vector<128x64xf32>
    %dot_general3A_254 = tpu.matmul %get3A_252, %get3A_249, %dot_general3A_253 {dimension_numbers = #tpu.dot_dimension_numbers<[1], [0], [0], [1], [0, 0, 1, 1], [], []>, transpose_lhs_hint = false} : vector<128x4000xf32>, vector<4000x64xf32>, vector<128x64xf32> -> vector<128x64xf32>
    %tanh3A_255 = math.tanh %dot_general3A_254 : vector<128x64xf32>
    %transpose3A_256 = tpu.transpose %tanh3A_255, [1, 0] : vector<128x64xf32> -> vector<64x128xf32>
    %swap3A_257 = arith.constant 0 : index
    %swap3A_258 = arith.constant 3 : index
    %swap3A_259 = arith.constant 0 : index
    %swap3A_260 = arith.constant 0 : index
    %swap3A_261 = vector.load %arg2[%swap3A_257, %swap3A_258, %swap3A_259, %swap3A_260] : memref<64x32x1x128xf32, #tpu.memory_space<vmem>>, vector<64x1x1x128xf32>
    %swap3A_262 = vector.shape_cast %swap3A_261 : vector<64x1x1x128xf32> to vector<64x128xf32>
    %swap3A_263 = vector.shape_cast %transpose3A_256 : vector<64x128xf32> to vector<64x1x1x128xf32>
    tpu.vector_store %arg2[%swap3A_257, %swap3A_258, %swap3A_259, %swap3A_260], %swap3A_263 {strides = array<i32>} : memref<64x32x1x128xf32, #tpu.memory_space<vmem>>, vector<64x1x1x128xf32>,
    %dma_start3A_264 = arith.constant 11 : i32
    %dma_start3A_265 = arith.constant 3 : i32
    %dma_start3A_266 = arith.constant 3 : i32
    %dma_start3A_267 = tpu.memref_slice %arg4[%dma_start3A_266] : memref<8x!tpu.dma_semaphore, #tpu.memory_space<semaphore_mem>> -> memref<1x!tpu.dma_semaphore, #tpu.memory_space<semaphore_mem>>
    %dma_start3A_268 = tpu.memref_squeeze %dma_start3A_267 : memref<1x!tpu.dma_semaphore, #tpu.memory_space<semaphore_mem>> -> memref<!tpu.dma_semaphore, #tpu.memory_space<semaphore_mem>>
    %dma_start3A_269 = arith.constant 0 : i32
    %dma_start3A_270 = arith.constant 0 : i32
    %dma_start3A_271 = tpu.memref_slice %arg3[%dma_start3A_265, %dma_start3A_269, %dma_start3A_270] : memref<8x4000x64xf32, #tpu.memory_space<vmem>> -> memref<1x4000x64xf32, #tpu.memory_space<vmem>>
    %dma_start3A_272 = tpu.memref_squeeze %dma_start3A_271 : memref<1x4000x64xf32, #tpu.memory_space<vmem>> -> memref<4000x64xf32, #tpu.memory_space<vmem>>
    %dma_start3A_273 = arith.constant 0 : i32
    %dma_start3A_274 = arith.constant 0 : i32
    %dma_start3A_275 = tpu.memref_slice %arg0[%dma_start3A_264, %dma_start3A_273, %dma_start3A_274] : memref<32x4000x64xf32, #tpu.memory_space<any>> -> memref<1x4000x64xf32, #tpu.memory_space<any>>
    %dma_start3A_276 = tpu.memref_squeeze %dma_start3A_275 : memref<1x4000x64xf32, #tpu.memory_space<any>> -> memref<4000x64xf32, #tpu.memory_space<any>>
    tpu.enqueue_dma source(%dma_start3A_276 : memref<4000x64xf32, #tpu.memory_space<any>>) target(%dma_start3A_272 : memref<4000x64xf32, #tpu.memory_space<vmem>>) target_semaphore(%dma_start3A_268 : memref<!tpu.dma_semaphore, #tpu.memory_space<semaphore_mem>>)
    %dma_wait3A_277 = arith.constant 4 : i32
    %dma_wait3A_278 = arith.constant 4 : i32
    %dma_wait3A_279 = arith.constant 4 : i32
    %dma_wait3A_280 = tpu.memref_slice %arg4[%dma_wait3A_279] : memref<8x!tpu.dma_semaphore, #tpu.memory_space<semaphore_mem>> -> memref<1x!tpu.dma_semaphore, #tpu.memory_space<semaphore_mem>>
    %dma_wait3A_281 = tpu.memref_squeeze %dma_wait3A_280 : memref<1x!tpu.dma_semaphore, #tpu.memory_space<semaphore_mem>> -> memref<!tpu.dma_semaphore, #tpu.memory_space<semaphore_mem>>
    %dma_wait3A_282 = arith.constant 0 : i32
    %dma_wait3A_283 = arith.constant 0 : i32
    %dma_wait3A_284 = tpu.memref_slice %arg3[%dma_wait3A_278, %dma_wait3A_282, %dma_wait3A_283] : memref<8x4000x64xf32, #tpu.memory_space<vmem>> -> memref<1x4000x64xf32, #tpu.memory_space<vmem>>
    %dma_wait3A_285 = tpu.memref_squeeze %dma_wait3A_284 : memref<1x4000x64xf32, #tpu.memory_space<vmem>> -> memref<4000x64xf32, #tpu.memory_space<vmem>>
    %dma_wait3A_286 = arith.constant 0 : i32
    %dma_wait3A_287 = arith.constant 0 : i32
    %dma_wait3A_288 = tpu.memref_slice %arg0[%dma_wait3A_277, %dma_wait3A_286, %dma_wait3A_287] : memref<32x4000x64xf32, #tpu.memory_space<any>> -> memref<1x4000x64xf32, #tpu.memory_space<any>>
    %dma_wait3A_289 = tpu.memref_squeeze %dma_wait3A_288 : memref<1x4000x64xf32, #tpu.memory_space<any>> -> memref<4000x64xf32, #tpu.memory_space<any>>
    tpu.wait_dma2 semaphore(%dma_wait3A_281 : memref<!tpu.dma_semaphore, #tpu.memory_space<semaphore_mem>>) src(%dma_wait3A_289 : memref<4000x64xf32, #tpu.memory_space<any>>) dst(%dma_wait3A_285 : memref<4000x64xf32, #tpu.memory_space<vmem>>)
    %get3A_290 = arith.constant 4 : index
    %get3A_291 = arith.constant 0 : index
    %get3A_292 = arith.constant 0 : index
    %get3A_293 = vector.load %arg3[%get3A_290, %get3A_291, %get3A_292] : memref<8x4000x64xf32, #tpu.memory_space<vmem>>, vector<1x4000x64xf32>
    %get3A_294 = vector.shape_cast %get3A_293 : vector<1x4000x64xf32> to vector<4000x64xf32>
    %get3A_295 = arith.constant 0 : index
    %get3A_296 = arith.constant 0 : index
    %get3A_297 = vector.load %arg1[%get3A_295, %get3A_296] : memref<128x4000xf32, #tpu.memory_space<vmem>>, vector<128x4000xf32>
    %dot_general3A_298 = arith.constant dense<0.000000e+00> : vector<128x64xf32>
    %dot_general3A_299 = tpu.matmul %get3A_297, %get3A_294, %dot_general3A_298 {dimension_numbers = #tpu.dot_dimension_numbers<[1], [0], [0], [1], [0, 0, 1, 1], [], []>, transpose_lhs_hint = false} : vector<128x4000xf32>, vector<4000x64xf32>, vector<128x64xf32> -> vector<128x64xf32>
    %tanh3A_300 = math.tanh %dot_general3A_299 : vector<128x64xf32>
    %transpose3A_301 = tpu.transpose %tanh3A_300, [1, 0] : vector<128x64xf32> -> vector<64x128xf32>
    %swap3A_302 = arith.constant 0 : index
    %swap3A_303 = arith.constant 4 : index
    %swap3A_304 = arith.constant 0 : index
    %swap3A_305 = arith.constant 0 : index
    %swap3A_306 = vector.load %arg2[%swap3A_302, %swap3A_303, %swap3A_304, %swap3A_305] : memref<64x32x1x128xf32, #tpu.memory_space<vmem>>, vector<64x1x1x128xf32>
    %swap3A_307 = vector.shape_cast %swap3A_306 : vector<64x1x1x128xf32> to vector<64x128xf32>
    %swap3A_308 = vector.shape_cast %transpose3A_301 : vector<64x128xf32> to vector<64x1x1x128xf32>
    tpu.vector_store %arg2[%swap3A_302, %swap3A_303, %swap3A_304, %swap3A_305], %swap3A_308 {strides = array<i32>} : memref<64x32x1x128xf32, #tpu.memory_space<vmem>>, vector<64x1x1x128xf32>,
    %dma_start3A_309 = arith.constant 12 : i32
    %dma_start3A_310 = arith.constant 4 : i32
    %dma_start3A_311 = arith.constant 4 : i32
    %dma_start3A_312 = tpu.memref_slice %arg4[%dma_start3A_311] : memref<8x!tpu.dma_semaphore, #tpu.memory_space<semaphore_mem>> -> memref<1x!tpu.dma_semaphore, #tpu.memory_space<semaphore_mem>>
    %dma_start3A_313 = tpu.memref_squeeze %dma_start3A_312 : memref<1x!tpu.dma_semaphore, #tpu.memory_space<semaphore_mem>> -> memref<!tpu.dma_semaphore, #tpu.memory_space<semaphore_mem>>
    %dma_start3A_314 = arith.constant 0 : i32
    %dma_start3A_315 = arith.constant 0 : i32
    %dma_start3A_316 = tpu.memref_slice %arg3[%dma_start3A_310, %dma_start3A_314, %dma_start3A_315] : memref<8x4000x64xf32, #tpu.memory_space<vmem>> -> memref<1x4000x64xf32, #tpu.memory_space<vmem>>
    %dma_start3A_317 = tpu.memref_squeeze %dma_start3A_316 : memref<1x4000x64xf32, #tpu.memory_space<vmem>> -> memref<4000x64xf32, #tpu.memory_space<vmem>>
    %dma_start3A_318 = arith.constant 0 : i32
    %dma_start3A_319 = arith.constant 0 : i32
    %dma_start3A_320 = tpu.memref_slice %arg0[%dma_start3A_309, %dma_start3A_318, %dma_start3A_319] : memref<32x4000x64xf32, #tpu.memory_space<any>> -> memref<1x4000x64xf32, #tpu.memory_space<any>>
    %dma_start3A_321 = tpu.memref_squeeze %dma_start3A_320 : memref<1x4000x64xf32, #tpu.memory_space<any>> -> memref<4000x64xf32, #tpu.memory_space<any>>
    tpu.enqueue_dma source(%dma_start3A_321 : memref<4000x64xf32, #tpu.memory_space<any>>) target(%dma_start3A_317 : memref<4000x64xf32, #tpu.memory_space<vmem>>) target_semaphore(%dma_start3A_313 : memref<!tpu.dma_semaphore, #tpu.memory_space<semaphore_mem>>)
    %dma_wait3A_322 = arith.constant 5 : i32
    %dma_wait3A_323 = arith.constant 5 : i32
    %dma_wait3A_324 = arith.constant 5 : i32
    %dma_wait3A_325 = tpu.memref_slice %arg4[%dma_wait3A_324] : memref<8x!tpu.dma_semaphore, #tpu.memory_space<semaphore_mem>> -> memref<1x!tpu.dma_semaphore, #tpu.memory_space<semaphore_mem>>
    %dma_wait3A_326 = tpu.memref_squeeze %dma_wait3A_325 : memref<1x!tpu.dma_semaphore, #tpu.memory_space<semaphore_mem>> -> memref<!tpu.dma_semaphore, #tpu.memory_space<semaphore_mem>>
    %dma_wait3A_327 = arith.constant 0 : i32
    %dma_wait3A_328 = arith.constant 0 : i32
    %dma_wait3A_329 = tpu.memref_slice %arg3[%dma_wait3A_323, %dma_wait3A_327, %dma_wait3A_328] : memref<8x4000x64xf32, #tpu.memory_space<vmem>> -> memref<1x4000x64xf32, #tpu.memory_space<vmem>>
    %dma_wait3A_330 = tpu.memref_squeeze %dma_wait3A_329 : memref<1x4000x64xf32, #tpu.memory_space<vmem>> -> memref<4000x64xf32, #tpu.memory_space<vmem>>
    %dma_wait3A_331 = arith.constant 0 : i32
    %dma_wait3A_332 = arith.constant 0 : i32
    %dma_wait3A_333 = tpu.memref_slice %arg0[%dma_wait3A_322, %dma_wait3A_331, %dma_wait3A_332] : memref<32x4000x64xf32, #tpu.memory_space<any>> -> memref<1x4000x64xf32, #tpu.memory_space<any>>
    %dma_wait3A_334 = tpu.memref_squeeze %dma_wait3A_333 : memref<1x4000x64xf32, #tpu.memory_space<any>> -> memref<4000x64xf32, #tpu.memory_space<any>>
    tpu.wait_dma2 semaphore(%dma_wait3A_326 : memref<!tpu.dma_semaphore, #tpu.memory_space<semaphore_mem>>) src(%dma_wait3A_334 : memref<4000x64xf32, #tpu.memory_space<any>>) dst(%dma_wait3A_330 : memref<4000x64xf32, #tpu.memory_space<vmem>>)
    %get3A_335 = arith.constant 5 : index
    %get3A_336 = arith.constant 0 : index
    %get3A_337 = arith.constant 0 : index
    %get3A_338 = vector.load %arg3[%get3A_335, %get3A_336, %get3A_337] : memref<8x4000x64xf32, #tpu.memory_space<vmem>>, vector<1x4000x64xf32>
    %get3A_339 = vector.shape_cast %get3A_338 : vector<1x4000x64xf32> to vector<4000x64xf32>
    %get3A_340 = arith.constant 0 : index
    %get3A_341 = arith.constant 0 : index
    %get3A_342 = vector.load %arg1[%get3A_340, %get3A_341] : memref<128x4000xf32, #tpu.memory_space<vmem>>, vector<128x4000xf32>
    %dot_general3A_343 = arith.constant dense<0.000000e+00> : vector<128x64xf32>
    %dot_general3A_344 = tpu.matmul %get3A_342, %get3A_339, %dot_general3A_343 {dimension_numbers = #tpu.dot_dimension_numbers<[1], [0], [0], [1], [0, 0, 1, 1], [], []>, transpose_lhs_hint = false} : vector<128x4000xf32>, vector<4000x64xf32>, vector<128x64xf32> -> vector<128x64xf32>
    %tanh3A_345 = math.tanh %dot_general3A_344 : vector<128x64xf32>
    %transpose3A_346 = tpu.transpose %tanh3A_345, [1, 0] : vector<128x64xf32> -> vector<64x128xf32>
    %swap3A_347 = arith.constant 0 : index
    %swap3A_348 = arith.constant 5 : index
    %swap3A_349 = arith.constant 0 : index
    %swap3A_350 = arith.constant 0 : index
    %swap3A_351 = vector.load %arg2[%swap3A_347, %swap3A_348, %swap3A_349, %swap3A_350] : memref<64x32x1x128xf32, #tpu.memory_space<vmem>>, vector<64x1x1x128xf32>
    %swap3A_352 = vector.shape_cast %swap3A_351 : vector<64x1x1x128xf32> to vector<64x128xf32>
    %swap3A_353 = vector.shape_cast %transpose3A_346 : vector<64x128xf32> to vector<64x1x1x128xf32>
    tpu.vector_store %arg2[%swap3A_347, %swap3A_348, %swap3A_349, %swap3A_350], %swap3A_353 {strides = array<i32>} : memref<64x32x1x128xf32, #tpu.memory_space<vmem>>, vector<64x1x1x128xf32>,
    %dma_start3A_354 = arith.constant 13 : i32
    %dma_start3A_355 = arith.constant 5 : i32
    %dma_start3A_356 = arith.constant 5 : i32
    %dma_start3A_357 = tpu.memref_slice %arg4[%dma_start3A_356] : memref<8x!tpu.dma_semaphore, #tpu.memory_space<semaphore_mem>> -> memref<1x!tpu.dma_semaphore, #tpu.memory_space<semaphore_mem>>
    %dma_start3A_358 = tpu.memref_squeeze %dma_start3A_357 : memref<1x!tpu.dma_semaphore, #tpu.memory_space<semaphore_mem>> -> memref<!tpu.dma_semaphore, #tpu.memory_space<semaphore_mem>>
    %dma_start3A_359 = arith.constant 0 : i32
    %dma_start3A_360 = arith.constant 0 : i32
    %dma_start3A_361 = tpu.memref_slice %arg3[%dma_start3A_355, %dma_start3A_359, %dma_start3A_360] : memref<8x4000x64xf32, #tpu.memory_space<vmem>> -> memref<1x4000x64xf32, #tpu.memory_space<vmem>>
    %dma_start3A_362 = tpu.memref_squeeze %dma_start3A_361 : memref<1x4000x64xf32, #tpu.memory_space<vmem>> -> memref<4000x64xf32, #tpu.memory_space<vmem>>
    %dma_start3A_363 = arith.constant 0 : i32
    %dma_start3A_364 = arith.constant 0 : i32
    %dma_start3A_365 = tpu.memref_slice %arg0[%dma_start3A_354, %dma_start3A_363, %dma_start3A_364] : memref<32x4000x64xf32, #tpu.memory_space<any>> -> memref<1x4000x64xf32, #tpu.memory_space<any>>
    %dma_start3A_366 = tpu.memref_squeeze %dma_start3A_365 : memref<1x4000x64xf32, #tpu.memory_space<any>> -> memref<4000x64xf32, #tpu.memory_space<any>>
    tpu.enqueue_dma source(%dma_start3A_366 : memref<4000x64xf32, #tpu.memory_space<any>>) target(%dma_start3A_362 : memref<4000x64xf32, #tpu.memory_space<vmem>>) target_semaphore(%dma_start3A_358 : memref<!tpu.dma_semaphore, #tpu.memory_space<semaphore_mem>>)
    %dma_wait3A_367 = arith.constant 6 : i32
    %dma_wait3A_368 = arith.constant 6 : i32
    %dma_wait3A_369 = arith.constant 6 : i32
    %dma_wait3A_370 = tpu.memref_slice %arg4[%dma_wait3A_369] : memref<8x!tpu.dma_semaphore, #tpu.memory_space<semaphore_mem>> -> memref<1x!tpu.dma_semaphore, #tpu.memory_space<semaphore_mem>>
    %dma_wait3A_371 = tpu.memref_squeeze %dma_wait3A_370 : memref<1x!tpu.dma_semaphore, #tpu.memory_space<semaphore_mem>> -> memref<!tpu.dma_semaphore, #tpu.memory_space<semaphore_mem>>
    %dma_wait3A_372 = arith.constant 0 : i32
    %dma_wait3A_373 = arith.constant 0 : i32
    %dma_wait3A_374 = tpu.memref_slice %arg3[%dma_wait3A_368, %dma_wait3A_372, %dma_wait3A_373] : memref<8x4000x64xf32, #tpu.memory_space<vmem>> -> memref<1x4000x64xf32, #tpu.memory_space<vmem>>
    %dma_wait3A_375 = tpu.memref_squeeze %dma_wait3A_374 : memref<1x4000x64xf32, #tpu.memory_space<vmem>> -> memref<4000x64xf32, #tpu.memory_space<vmem>>
    %dma_wait3A_376 = arith.constant 0 : i32
    %dma_wait3A_377 = arith.constant 0 : i32
    %dma_wait3A_378 = tpu.memref_slice %arg0[%dma_wait3A_367, %dma_wait3A_376, %dma_wait3A_377] : memref<32x4000x64xf32, #tpu.memory_space<any>> -> memref<1x4000x64xf32, #tpu.memory_space<any>>
    %dma_wait3A_379 = tpu.memref_squeeze %dma_wait3A_378 : memref<1x4000x64xf32, #tpu.memory_space<any>> -> memref<4000x64xf32, #tpu.memory_space<any>>
    tpu.wait_dma2 semaphore(%dma_wait3A_371 : memref<!tpu.dma_semaphore, #tpu.memory_space<semaphore_mem>>) src(%dma_wait3A_379 : memref<4000x64xf32, #tpu.memory_space<any>>) dst(%dma_wait3A_375 : memref<4000x64xf32, #tpu.memory_space<vmem>>)
    %get3A_380 = arith.constant 6 : index
    %get3A_381 = arith.constant 0 : index
    %get3A_382 = arith.constant 0 : index
    %get3A_383 = vector.load %arg3[%get3A_380, %get3A_381, %get3A_382] : memref<8x4000x64xf32, #tpu.memory_space<vmem>>, vector<1x4000x64xf32>
    %get3A_384 = vector.shape_cast %get3A_383 : vector<1x4000x64xf32> to vector<4000x64xf32>
    %get3A_385 = arith.constant 0 : index
    %get3A_386 = arith.constant 0 : index
    %get3A_387 = vector.load %arg1[%get3A_385, %get3A_386] : memref<128x4000xf32, #tpu.memory_space<vmem>>, vector<128x4000xf32>
    %dot_general3A_388 = arith.constant dense<0.000000e+00> : vector<128x64xf32>
    %dot_general3A_389 = tpu.matmul %get3A_387, %get3A_384, %dot_general3A_388 {dimension_numbers = #tpu.dot_dimension_numbers<[1], [0], [0], [1], [0, 0, 1, 1], [], []>, transpose_lhs_hint = false} : vector<128x4000xf32>, vector<4000x64xf32>, vector<128x64xf32> -> vector<128x64xf32>
    %tanh3A_390 = math.tanh %dot_general3A_389 : vector<128x64xf32>
    %transpose3A_391 = tpu.transpose %tanh3A_390, [1, 0] : vector<128x64xf32> -> vector<64x128xf32>
    %swap3A_392 = arith.constant 0 : index
    %swap3A_393 = arith.constant 6 : index
    %swap3A_394 = arith.constant 0 : index
    %swap3A_395 = arith.constant 0 : index
    %swap3A_396 = vector.load %arg2[%swap3A_392, %swap3A_393, %swap3A_394, %swap3A_395] : memref<64x32x1x128xf32, #tpu.memory_space<vmem>>, vector<64x1x1x128xf32>
    %swap3A_397 = vector.shape_cast %swap3A_396 : vector<64x1x1x128xf32> to vector<64x128xf32>
    %swap3A_398 = vector.shape_cast %transpose3A_391 : vector<64x128xf32> to vector<64x1x1x128xf32>
    tpu.vector_store %arg2[%swap3A_392, %swap3A_393, %swap3A_394, %swap3A_395], %swap3A_398 {strides = array<i32>} : memref<64x32x1x128xf32, #tpu.memory_space<vmem>>, vector<64x1x1x128xf32>,
    %dma_start3A_399 = arith.constant 14 : i32
    %dma_start3A_400 = arith.constant 6 : i32
    %dma_start3A_401 = arith.constant 6 : i32
    %dma_start3A_402 = tpu.memref_slice %arg4[%dma_start3A_401] : memref<8x!tpu.dma_semaphore, #tpu.memory_space<semaphore_mem>> -> memref<1x!tpu.dma_semaphore, #tpu.memory_space<semaphore_mem>>
    %dma_start3A_403 = tpu.memref_squeeze %dma_start3A_402 : memref<1x!tpu.dma_semaphore, #tpu.memory_space<semaphore_mem>> -> memref<!tpu.dma_semaphore, #tpu.memory_space<semaphore_mem>>
    %dma_start3A_404 = arith.constant 0 : i32
    %dma_start3A_405 = arith.constant 0 : i32
    %dma_start3A_406 = tpu.memref_slice %arg3[%dma_start3A_400, %dma_start3A_404, %dma_start3A_405] : memref<8x4000x64xf32, #tpu.memory_space<vmem>> -> memref<1x4000x64xf32, #tpu.memory_space<vmem>>
    %dma_start3A_407 = tpu.memref_squeeze %dma_start3A_406 : memref<1x4000x64xf32, #tpu.memory_space<vmem>> -> memref<4000x64xf32, #tpu.memory_space<vmem>>
    %dma_start3A_408 = arith.constant 0 : i32
    %dma_start3A_409 = arith.constant 0 : i32
    %dma_start3A_410 = tpu.memref_slice %arg0[%dma_start3A_399, %dma_start3A_408, %dma_start3A_409] : memref<32x4000x64xf32, #tpu.memory_space<any>> -> memref<1x4000x64xf32, #tpu.memory_space<any>>
    %dma_start3A_411 = tpu.memref_squeeze %dma_start3A_410 : memref<1x4000x64xf32, #tpu.memory_space<any>> -> memref<4000x64xf32, #tpu.memory_space<any>>
    tpu.enqueue_dma source(%dma_start3A_411 : memref<4000x64xf32, #tpu.memory_space<any>>) target(%dma_start3A_407 : memref<4000x64xf32, #tpu.memory_space<vmem>>) target_semaphore(%dma_start3A_403 : memref<!tpu.dma_semaphore, #tpu.memory_space<semaphore_mem>>)
    %dma_wait3A_412 = arith.constant 7 : i32
    %dma_wait3A_413 = arith.constant 7 : i32
    %dma_wait3A_414 = arith.constant 7 : i32
    %dma_wait3A_415 = tpu.memref_slice %arg4[%dma_wait3A_414] : memref<8x!tpu.dma_semaphore, #tpu.memory_space<semaphore_mem>> -> memref<1x!tpu.dma_semaphore, #tpu.memory_space<semaphore_mem>>
    %dma_wait3A_416 = tpu.memref_squeeze %dma_wait3A_415 : memref<1x!tpu.dma_semaphore, #tpu.memory_space<semaphore_mem>> -> memref<!tpu.dma_semaphore, #tpu.memory_space<semaphore_mem>>
    %dma_wait3A_417 = arith.constant 0 : i32
    %dma_wait3A_418 = arith.constant 0 : i32
    %dma_wait3A_419 = tpu.memref_slice %arg3[%dma_wait3A_413, %dma_wait3A_417, %dma_wait3A_418] : memref<8x4000x64xf32, #tpu.memory_space<vmem>> -> memref<1x4000x64xf32, #tpu.memory_space<vmem>>
    %dma_wait3A_420 = tpu.memref_squeeze %dma_wait3A_419 : memref<1x4000x64xf32, #tpu.memory_space<vmem>> -> memref<4000x64xf32, #tpu.memory_space<vmem>>
    %dma_wait3A_421 = arith.constant 0 : i32
    %dma_wait3A_422 = arith.constant 0 : i32
    %dma_wait3A_423 = tpu.memref_slice %arg0[%dma_wait3A_412, %dma_wait3A_421, %dma_wait3A_422] : memref<32x4000x64xf32, #tpu.memory_space<any>> -> memref<1x4000x64xf32, #tpu.memory_space<any>>
    %dma_wait3A_424 = tpu.memref_squeeze %dma_wait3A_423 : memref<1x4000x64xf32, #tpu.memory_space<any>> -> memref<4000x64xf32, #tpu.memory_space<any>>
    tpu.wait_dma2 semaphore(%dma_wait3A_416 : memref<!tpu.dma_semaphore, #tpu.memory_space<semaphore_mem>>) src(%dma_wait3A_424 : memref<4000x64xf32, #tpu.memory_space<any>>) dst(%dma_wait3A_420 : memref<4000x64xf32, #tpu.memory_space<vmem>>)
    %get3A_425 = arith.constant 7 : index
    %get3A_426 = arith.constant 0 : index
    %get3A_427 = arith.constant 0 : index
    %get3A_428 = vector.load %arg3[%get3A_425, %get3A_426, %get3A_427] : memref<8x4000x64xf32, #tpu.memory_space<vmem>>, vector<1x4000x64xf32>
    %get3A_429 = vector.shape_cast %get3A_428 : vector<1x4000x64xf32> to vector<4000x64xf32>
    %get3A_430 = arith.constant 0 : index
    %get3A_431 = arith.constant 0 : index
    %get3A_432 = vector.load %arg1[%get3A_430, %get3A_431] : memref<128x4000xf32, #tpu.memory_space<vmem>>, vector<128x4000xf32>
    %dot_general3A_433 = arith.constant dense<0.000000e+00> : vector<128x64xf32>
    %dot_general3A_434 = tpu.matmul %get3A_432, %get3A_429, %dot_general3A_433 {dimension_numbers = #tpu.dot_dimension_numbers<[1], [0], [0], [1], [0, 0, 1, 1], [], []>, transpose_lhs_hint = false} : vector<128x4000xf32>, vector<4000x64xf32>, vector<128x64xf32> -> vector<128x64xf32>
    %tanh3A_435 = math.tanh %dot_general3A_434 : vector<128x64xf32>
    %transpose3A_436 = tpu.transpose %tanh3A_435, [1, 0] : vector<128x64xf32> -> vector<64x128xf32>
    %swap3A_437 = arith.constant 0 : index
    %swap3A_438 = arith.constant 7 : index
    %swap3A_439 = arith.constant 0 : index
    %swap3A_440 = arith.constant 0 : index
    %swap3A_441 = vector.load %arg2[%swap3A_437, %swap3A_438, %swap3A_439, %swap3A_440] : memref<64x32x1x128xf32, #tpu.memory_space<vmem>>, vector<64x1x1x128xf32>
    %swap3A_442 = vector.shape_cast %swap3A_441 : vector<64x1x1x128xf32> to vector<64x128xf32>
    %swap3A_443 = vector.shape_cast %transpose3A_436 : vector<64x128xf32> to vector<64x1x1x128xf32>
    tpu.vector_store %arg2[%swap3A_437, %swap3A_438, %swap3A_439, %swap3A_440], %swap3A_443 {strides = array<i32>} : memref<64x32x1x128xf32, #tpu.memory_space<vmem>>, vector<64x1x1x128xf32>,
    %dma_start3A_444 = arith.constant 15 : i32
    %dma_start3A_445 = arith.constant 7 : i32
    %dma_start3A_446 = arith.constant 7 : i32
    %dma_start3A_447 = tpu.memref_slice %arg4[%dma_start3A_446] : memref<8x!tpu.dma_semaphore, #tpu.memory_space<semaphore_mem>> -> memref<1x!tpu.dma_semaphore, #tpu.memory_space<semaphore_mem>>
    %dma_start3A_448 = tpu.memref_squeeze %dma_start3A_447 : memref<1x!tpu.dma_semaphore, #tpu.memory_space<semaphore_mem>> -> memref<!tpu.dma_semaphore, #tpu.memory_space<semaphore_mem>>
    %dma_start3A_449 = arith.constant 0 : i32
    %dma_start3A_450 = arith.constant 0 : i32
    %dma_start3A_451 = tpu.memref_slice %arg3[%dma_start3A_445, %dma_start3A_449, %dma_start3A_450] : memref<8x4000x64xf32, #tpu.memory_space<vmem>> -> memref<1x4000x64xf32, #tpu.memory_space<vmem>>
    %dma_start3A_452 = tpu.memref_squeeze %dma_start3A_451 : memref<1x4000x64xf32, #tpu.memory_space<vmem>> -> memref<4000x64xf32, #tpu.memory_space<vmem>>
    %dma_start3A_453 = arith.constant 0 : i32
    %dma_start3A_454 = arith.constant 0 : i32
    %dma_start3A_455 = tpu.memref_slice %arg0[%dma_start3A_444, %dma_start3A_453, %dma_start3A_454] : memref<32x4000x64xf32, #tpu.memory_space<any>> -> memref<1x4000x64xf32, #tpu.memory_space<any>>
    %dma_start3A_456 = tpu.memref_squeeze %dma_start3A_455 : memref<1x4000x64xf32, #tpu.memory_space<any>> -> memref<4000x64xf32, #tpu.memory_space<any>>
    tpu.enqueue_dma source(%dma_start3A_456 : memref<4000x64xf32, #tpu.memory_space<any>>) target(%dma_start3A_452 : memref<4000x64xf32, #tpu.memory_space<vmem>>) target_semaphore(%dma_start3A_448 : memref<!tpu.dma_semaphore, #tpu.memory_space<semaphore_mem>>)
    %dma_wait3A_457 = arith.constant 8 : i32
    %dma_wait3A_458 = arith.constant 0 : i32
    %dma_wait3A_459 = arith.constant 0 : i32
    %dma_wait3A_460 = tpu.memref_slice %arg4[%dma_wait3A_459] : memref<8x!tpu.dma_semaphore, #tpu.memory_space<semaphore_mem>> -> memref<1x!tpu.dma_semaphore, #tpu.memory_space<semaphore_mem>>
    %dma_wait3A_461 = tpu.memref_squeeze %dma_wait3A_460 : memref<1x!tpu.dma_semaphore, #tpu.memory_space<semaphore_mem>> -> memref<!tpu.dma_semaphore, #tpu.memory_space<semaphore_mem>>
    %dma_wait3A_462 = arith.constant 0 : i32
    %dma_wait3A_463 = arith.constant 0 : i32
    %dma_wait3A_464 = tpu.memref_slice %arg3[%dma_wait3A_458, %dma_wait3A_462, %dma_wait3A_463] : memref<8x4000x64xf32, #tpu.memory_space<vmem>> -> memref<1x4000x64xf32, #tpu.memory_space<vmem>>
    %dma_wait3A_465 = tpu.memref_squeeze %dma_wait3A_464 : memref<1x4000x64xf32, #tpu.memory_space<vmem>> -> memref<4000x64xf32, #tpu.memory_space<vmem>>
    %dma_wait3A_466 = arith.constant 0 : i32
    %dma_wait3A_467 = arith.constant 0 : i32
    %dma_wait3A_468 = tpu.memref_slice %arg0[%dma_wait3A_457, %dma_wait3A_466, %dma_wait3A_467] : memref<32x4000x64xf32, #tpu.memory_space<any>> -> memref<1x4000x64xf32, #tpu.memory_space<any>>
    %dma_wait3A_469 = tpu.memref_squeeze %dma_wait3A_468 : memref<1x4000x64xf32, #tpu.memory_space<any>> -> memref<4000x64xf32, #tpu.memory_space<any>>
    tpu.wait_dma2 semaphore(%dma_wait3A_461 : memref<!tpu.dma_semaphore, #tpu.memory_space<semaphore_mem>>) src(%dma_wait3A_469 : memref<4000x64xf32, #tpu.memory_space<any>>) dst(%dma_wait3A_465 : memref<4000x64xf32, #tpu.memory_space<vmem>>)
    %get3A_470 = arith.constant 0 : index
    %get3A_471 = arith.constant 0 : index
    %get3A_472 = arith.constant 0 : index
    %get3A_473 = vector.load %arg3[%get3A_470, %get3A_471, %get3A_472] : memref<8x4000x64xf32, #tpu.memory_space<vmem>>, vector<1x4000x64xf32>
    %get3A_474 = vector.shape_cast %get3A_473 : vector<1x4000x64xf32> to vector<4000x64xf32>
    %get3A_475 = arith.constant 0 : index
    %get3A_476 = arith.constant 0 : index
    %get3A_477 = vector.load %arg1[%get3A_475, %get3A_476] : memref<128x4000xf32, #tpu.memory_space<vmem>>, vector<128x4000xf32>
    %dot_general3A_478 = arith.constant dense<0.000000e+00> : vector<128x64xf32>
    %dot_general3A_479 = tpu.matmul %get3A_477, %get3A_474, %dot_general3A_478 {dimension_numbers = #tpu.dot_dimension_numbers<[1], [0], [0], [1], [0, 0, 1, 1], [], []>, transpose_lhs_hint = false} : vector<128x4000xf32>, vector<4000x64xf32>, vector<128x64xf32> -> vector<128x64xf32>
    %tanh3A_480 = math.tanh %dot_general3A_479 : vector<128x64xf32>
    %transpose3A_481 = tpu.transpose %tanh3A_480, [1, 0] : vector<128x64xf32> -> vector<64x128xf32>
    %swap3A_482 = arith.constant 0 : index
    %swap3A_483 = arith.constant 8 : index
    %swap3A_484 = arith.constant 0 : index
    %swap3A_485 = arith.constant 0 : index
    %swap3A_486 = vector.load %arg2[%swap3A_482, %swap3A_483, %swap3A_484, %swap3A_485] : memref<64x32x1x128xf32, #tpu.memory_space<vmem>>, vector<64x1x1x128xf32>
    %swap3A_487 = vector.shape_cast %swap3A_486 : vector<64x1x1x128xf32> to vector<64x128xf32>
    %swap3A_488 = vector.shape_cast %transpose3A_481 : vector<64x128xf32> to vector<64x1x1x128xf32>
    tpu.vector_store %arg2[%swap3A_482, %swap3A_483, %swap3A_484, %swap3A_485], %swap3A_488 {strides = array<i32>} : memref<64x32x1x128xf32, #tpu.memory_space<vmem>>, vector<64x1x1x128xf32>,
    %dma_start3A_489 = arith.constant 16 : i32
    %dma_start3A_490 = arith.constant 0 : i32
    %dma_start3A_491 = arith.constant 0 : i32
    %dma_start3A_492 = tpu.memref_slice %arg4[%dma_start3A_491] : memref<8x!tpu.dma_semaphore, #tpu.memory_space<semaphore_mem>> -> memref<1x!tpu.dma_semaphore, #tpu.memory_space<semaphore_mem>>
    %dma_start3A_493 = tpu.memref_squeeze %dma_start3A_492 : memref<1x!tpu.dma_semaphore, #tpu.memory_space<semaphore_mem>> -> memref<!tpu.dma_semaphore, #tpu.memory_space<semaphore_mem>>
    %dma_start3A_494 = arith.constant 0 : i32
    %dma_start3A_495 = arith.constant 0 : i32
    %dma_start3A_496 = tpu.memref_slice %arg3[%dma_start3A_490, %dma_start3A_494, %dma_start3A_495] : memref<8x4000x64xf32, #tpu.memory_space<vmem>> -> memref<1x4000x64xf32, #tpu.memory_space<vmem>>
    %dma_start3A_497 = tpu.memref_squeeze %dma_start3A_496 : memref<1x4000x64xf32, #tpu.memory_space<vmem>> -> memref<4000x64xf32, #tpu.memory_space<vmem>>
    %dma_start3A_498 = arith.constant 0 : i32
    %dma_start3A_499 = arith.constant 0 : i32
    %dma_start3A_500 = tpu.memref_slice %arg0[%dma_start3A_489, %dma_start3A_498, %dma_start3A_499] : memref<32x4000x64xf32, #tpu.memory_space<any>> -> memref<1x4000x64xf32, #tpu.memory_space<any>>
    %dma_start3A_501 = tpu.memref_squeeze %dma_start3A_500 : memref<1x4000x64xf32, #tpu.memory_space<any>> -> memref<4000x64xf32, #tpu.memory_space<any>>
    tpu.enqueue_dma source(%dma_start3A_501 : memref<4000x64xf32, #tpu.memory_space<any>>) target(%dma_start3A_497 : memref<4000x64xf32, #tpu.memory_space<vmem>>) target_semaphore(%dma_start3A_493 : memref<!tpu.dma_semaphore, #tpu.memory_space<semaphore_mem>>)
    %dma_wait3A_502 = arith.constant 9 : i32
    %dma_wait3A_503 = arith.constant 1 : i32
    %dma_wait3A_504 = arith.constant 1 : i32
    %dma_wait3A_505 = tpu.memref_slice %arg4[%dma_wait3A_504] : memref<8x!tpu.dma_semaphore, #tpu.memory_space<semaphore_mem>> -> memref<1x!tpu.dma_semaphore, #tpu.memory_space<semaphore_mem>>
    %dma_wait3A_506 = tpu.memref_squeeze %dma_wait3A_505 : memref<1x!tpu.dma_semaphore, #tpu.memory_space<semaphore_mem>> -> memref<!tpu.dma_semaphore, #tpu.memory_space<semaphore_mem>>
    %dma_wait3A_507 = arith.constant 0 : i32
    %dma_wait3A_508 = arith.constant 0 : i32
    %dma_wait3A_509 = tpu.memref_slice %arg3[%dma_wait3A_503, %dma_wait3A_507, %dma_wait3A_508] : memref<8x4000x64xf32, #tpu.memory_space<vmem>> -> memref<1x4000x64xf32, #tpu.memory_space<vmem>>
    %dma_wait3A_510 = tpu.memref_squeeze %dma_wait3A_509 : memref<1x4000x64xf32, #tpu.memory_space<vmem>> -> memref<4000x64xf32, #tpu.memory_space<vmem>>
    %dma_wait3A_511 = arith.constant 0 : i32
    %dma_wait3A_512 = arith.constant 0 : i32
    %dma_wait3A_513 = tpu.memref_slice %arg0[%dma_wait3A_502, %dma_wait3A_511, %dma_wait3A_512] : memref<32x4000x64xf32, #tpu.memory_space<any>> -> memref<1x4000x64xf32, #tpu.memory_space<any>>
    %dma_wait3A_514 = tpu.memref_squeeze %dma_wait3A_513 : memref<1x4000x64xf32, #tpu.memory_space<any>> -> memref<4000x64xf32, #tpu.memory_space<any>>
    tpu.wait_dma2 semaphore(%dma_wait3A_506 : memref<!tpu.dma_semaphore, #tpu.memory_space<semaphore_mem>>) src(%dma_wait3A_514 : memref<4000x64xf32, #tpu.memory_space<any>>) dst(%dma_wait3A_510 : memref<4000x64xf32, #tpu.memory_space<vmem>>)
    %get3A_515 = arith.constant 1 : index
    %get3A_516 = arith.constant 0 : index
    %get3A_517 = arith.constant 0 : index
    %get3A_518 = vector.load %arg3[%get3A_515, %get3A_516, %get3A_517] : memref<8x4000x64xf32, #tpu.memory_space<vmem>>, vector<1x4000x64xf32>
    %get3A_519 = vector.shape_cast %get3A_518 : vector<1x4000x64xf32> to vector<4000x64xf32>
    %get3A_520 = arith.constant 0 : index
    %get3A_521 = arith.constant 0 : index
    %get3A_522 = vector.load %arg1[%get3A_520, %get3A_521] : memref<128x4000xf32, #tpu.memory_space<vmem>>, vector<128x4000xf32>
    %dot_general3A_523 = arith.constant dense<0.000000e+00> : vector<128x64xf32>
    %dot_general3A_524 = tpu.matmul %get3A_522, %get3A_519, %dot_general3A_523 {dimension_numbers = #tpu.dot_dimension_numbers<[1], [0], [0], [1], [0, 0, 1, 1], [], []>, transpose_lhs_hint = false} : vector<128x4000xf32>, vector<4000x64xf32>, vector<128x64xf32> -> vector<128x64xf32>
    %tanh3A_525 = math.tanh %dot_general3A_524 : vector<128x64xf32>
    %transpose3A_526 = tpu.transpose %tanh3A_525, [1, 0] : vector<128x64xf32> -> vector<64x128xf32>
    %swap3A_527 = arith.constant 0 : index
    %swap3A_528 = arith.constant 9 : index
    %swap3A_529 = arith.constant 0 : index
    %swap3A_530 = arith.constant 0 : index
    %swap3A_531 = vector.load %arg2[%swap3A_527, %swap3A_528, %swap3A_529, %swap3A_530] : memref<64x32x1x128xf32, #tpu.memory_space<vmem>>, vector<64x1x1x128xf32>
    %swap3A_532 = vector.shape_cast %swap3A_531 : vector<64x1x1x128xf32> to vector<64x128xf32>
    %swap3A_533 = vector.shape_cast %transpose3A_526 : vector<64x128xf32> to vector<64x1x1x128xf32>
    tpu.vector_store %arg2[%swap3A_527, %swap3A_528, %swap3A_529, %swap3A_530], %swap3A_533 {strides = array<i32>} : memref<64x32x1x128xf32, #tpu.memory_space<vmem>>, vector<64x1x1x128xf32>,
    %dma_start3A_534 = arith.constant 17 : i32
    %dma_start3A_535 = arith.constant 1 : i32
    %dma_start3A_536 = arith.constant 1 : i32
    %dma_start3A_537 = tpu.memref_slice %arg4[%dma_start3A_536] : memref<8x!tpu.dma_semaphore, #tpu.memory_space<semaphore_mem>> -> memref<1x!tpu.dma_semaphore, #tpu.memory_space<semaphore_mem>>
    %dma_start3A_538 = tpu.memref_squeeze %dma_start3A_537 : memref<1x!tpu.dma_semaphore, #tpu.memory_space<semaphore_mem>> -> memref<!tpu.dma_semaphore, #tpu.memory_space<semaphore_mem>>
    %dma_start3A_539 = arith.constant 0 : i32
    %dma_start3A_540 = arith.constant 0 : i32
    %dma_start3A_541 = tpu.memref_slice %arg3[%dma_start3A_535, %dma_start3A_539, %dma_start3A_540] : memref<8x4000x64xf32, #tpu.memory_space<vmem>> -> memref<1x4000x64xf32, #tpu.memory_space<vmem>>
    %dma_start3A_542 = tpu.memref_squeeze %dma_start3A_541 : memref<1x4000x64xf32, #tpu.memory_space<vmem>> -> memref<4000x64xf32, #tpu.memory_space<vmem>>
    %dma_start3A_543 = arith.constant 0 : i32
    %dma_start3A_544 = arith.constant 0 : i32
    %dma_start3A_545 = tpu.memref_slice %arg0[%dma_start3A_534, %dma_start3A_543, %dma_start3A_544] : memref<32x4000x64xf32, #tpu.memory_space<any>> -> memref<1x4000x64xf32, #tpu.memory_space<any>>
    %dma_start3A_546 = tpu.memref_squeeze %dma_start3A_545 : memref<1x4000x64xf32, #tpu.memory_space<any>> -> memref<4000x64xf32, #tpu.memory_space<any>>
    tpu.enqueue_dma source(%dma_start3A_546 : memref<4000x64xf32, #tpu.memory_space<any>>) target(%dma_start3A_542 : memref<4000x64xf32, #tpu.memory_space<vmem>>) target_semaphore(%dma_start3A_538 : memref<!tpu.dma_semaphore, #tpu.memory_space<semaphore_mem>>)
    %dma_wait3A_547 = arith.constant 10 : i32
    %dma_wait3A_548 = arith.constant 2 : i32
    %dma_wait3A_549 = arith.constant 2 : i32
    %dma_wait3A_550 = tpu.memref_slice %arg4[%dma_wait3A_549] : memref<8x!tpu.dma_semaphore, #tpu.memory_space<semaphore_mem>> -> memref<1x!tpu.dma_semaphore, #tpu.memory_space<semaphore_mem>>
    %dma_wait3A_551 = tpu.memref_squeeze %dma_wait3A_550 : memref<1x!tpu.dma_semaphore, #tpu.memory_space<semaphore_mem>> -> memref<!tpu.dma_semaphore, #tpu.memory_space<semaphore_mem>>
    %dma_wait3A_552 = arith.constant 0 : i32
    %dma_wait3A_553 = arith.constant 0 : i32
    %dma_wait3A_554 = tpu.memref_slice %arg3[%dma_wait3A_548, %dma_wait3A_552, %dma_wait3A_553] : memref<8x4000x64xf32, #tpu.memory_space<vmem>> -> memref<1x4000x64xf32, #tpu.memory_space<vmem>>
    %dma_wait3A_555 = tpu.memref_squeeze %dma_wait3A_554 : memref<1x4000x64xf32, #tpu.memory_space<vmem>> -> memref<4000x64xf32, #tpu.memory_space<vmem>>
    %dma_wait3A_556 = arith.constant 0 : i32
    %dma_wait3A_557 = arith.constant 0 : i32
    %dma_wait3A_558 = tpu.memref_slice %arg0[%dma_wait3A_547, %dma_wait3A_556, %dma_wait3A_557] : memref<32x4000x64xf32, #tpu.memory_space<any>> -> memref<1x4000x64xf32, #tpu.memory_space<any>>
    %dma_wait3A_559 = tpu.memref_squeeze %dma_wait3A_558 : memref<1x4000x64xf32, #tpu.memory_space<any>> -> memref<4000x64xf32, #tpu.memory_space<any>>
    tpu.wait_dma2 semaphore(%dma_wait3A_551 : memref<!tpu.dma_semaphore, #tpu.memory_space<semaphore_mem>>) src(%dma_wait3A_559 : memref<4000x64xf32, #tpu.memory_space<any>>) dst(%dma_wait3A_555 : memref<4000x64xf32, #tpu.memory_space<vmem>>)
    %get3A_560 = arith.constant 2 : index
    %get3A_561 = arith.constant 0 : index
    %get3A_562 = arith.constant 0 : index
    %get3A_563 = vector.load %arg3[%get3A_560, %get3A_561, %get3A_562] : memref<8x4000x64xf32, #tpu.memory_space<vmem>>, vector<1x4000x64xf32>
    %get3A_564 = vector.shape_cast %get3A_563 : vector<1x4000x64xf32> to vector<4000x64xf32>
    %get3A_565 = arith.constant 0 : index
    %get3A_566 = arith.constant 0 : index
    %get3A_567 = vector.load %arg1[%get3A_565, %get3A_566] : memref<128x4000xf32, #tpu.memory_space<vmem>>, vector<128x4000xf32>
    %dot_general3A_568 = arith.constant dense<0.000000e+00> : vector<128x64xf32>
    %dot_general3A_569 = tpu.matmul %get3A_567, %get3A_564, %dot_general3A_568 {dimension_numbers = #tpu.dot_dimension_numbers<[1], [0], [0], [1], [0, 0, 1, 1], [], []>, transpose_lhs_hint = false} : vector<128x4000xf32>, vector<4000x64xf32>, vector<128x64xf32> -> vector<128x64xf32>
    %tanh3A_570 = math.tanh %dot_general3A_569 : vector<128x64xf32>
    %transpose3A_571 = tpu.transpose %tanh3A_570, [1, 0] : vector<128x64xf32> -> vector<64x128xf32>
    %swap3A_572 = arith.constant 0 : index
    %swap3A_573 = arith.constant 10 : index
    %swap3A_574 = arith.constant 0 : index
    %swap3A_575 = arith.constant 0 : index
    %swap3A_576 = vector.load %arg2[%swap3A_572, %swap3A_573, %swap3A_574, %swap3A_575] : memref<64x32x1x128xf32, #tpu.memory_space<vmem>>, vector<64x1x1x128xf32>
    %swap3A_577 = vector.shape_cast %swap3A_576 : vector<64x1x1x128xf32> to vector<64x128xf32>
    %swap3A_578 = vector.shape_cast %transpose3A_571 : vector<64x128xf32> to vector<64x1x1x128xf32>
    tpu.vector_store %arg2[%swap3A_572, %swap3A_573, %swap3A_574, %swap3A_575], %swap3A_578 {strides = array<i32>} : memref<64x32x1x128xf32, #tpu.memory_space<vmem>>, vector<64x1x1x128xf32>,
    %dma_start3A_579 = arith.constant 18 : i32
    %dma_start3A_580 = arith.constant 2 : i32
    %dma_start3A_581 = arith.constant 2 : i32
    %dma_start3A_582 = tpu.memref_slice %arg4[%dma_start3A_581] : memref<8x!tpu.dma_semaphore, #tpu.memory_space<semaphore_mem>> -> memref<1x!tpu.dma_semaphore, #tpu.memory_space<semaphore_mem>>
    %dma_start3A_583 = tpu.memref_squeeze %dma_start3A_582 : memref<1x!tpu.dma_semaphore, #tpu.memory_space<semaphore_mem>> -> memref<!tpu.dma_semaphore, #tpu.memory_space<semaphore_mem>>
    %dma_start3A_584 = arith.constant 0 : i32
    %dma_start3A_585 = arith.constant 0 : i32
    %dma_start3A_586 = tpu.memref_slice %arg3[%dma_start3A_580, %dma_start3A_584, %dma_start3A_585] : memref<8x4000x64xf32, #tpu.memory_space<vmem>> -> memref<1x4000x64xf32, #tpu.memory_space<vmem>>
    %dma_start3A_587 = tpu.memref_squeeze %dma_start3A_586 : memref<1x4000x64xf32, #tpu.memory_space<vmem>> -> memref<4000x64xf32, #tpu.memory_space<vmem>>
    %dma_start3A_588 = arith.constant 0 : i32
    %dma_start3A_589 = arith.constant 0 : i32
    %dma_start3A_590 = tpu.memref_slice %arg0[%dma_start3A_579, %dma_start3A_588, %dma_start3A_589] : memref<32x4000x64xf32, #tpu.memory_space<any>> -> memref<1x4000x64xf32, #tpu.memory_space<any>>
    %dma_start3A_591 = tpu.memref_squeeze %dma_start3A_590 : memref<1x4000x64xf32, #tpu.memory_space<any>> -> memref<4000x64xf32, #tpu.memory_space<any>>
    tpu.enqueue_dma source(%dma_start3A_591 : memref<4000x64xf32, #tpu.memory_space<any>>) target(%dma_start3A_587 : memref<4000x64xf32, #tpu.memory_space<vmem>>) target_semaphore(%dma_start3A_583 : memref<!tpu.dma_semaphore, #tpu.memory_space<semaphore_mem>>)
    %dma_wait3A_592 = arith.constant 11 : i32
    %dma_wait3A_593 = arith.constant 3 : i32
    %dma_wait3A_594 = arith.constant 3 : i32
    %dma_wait3A_595 = tpu.memref_slice %arg4[%dma_wait3A_594] : memref<8x!tpu.dma_semaphore, #tpu.memory_space<semaphore_mem>> -> memref<1x!tpu.dma_semaphore, #tpu.memory_space<semaphore_mem>>
    %dma_wait3A_596 = tpu.memref_squeeze %dma_wait3A_595 : memref<1x!tpu.dma_semaphore, #tpu.memory_space<semaphore_mem>> -> memref<!tpu.dma_semaphore, #tpu.memory_space<semaphore_mem>>
    %dma_wait3A_597 = arith.constant 0 : i32
    %dma_wait3A_598 = arith.constant 0 : i32
    %dma_wait3A_599 = tpu.memref_slice %arg3[%dma_wait3A_593, %dma_wait3A_597, %dma_wait3A_598] : memref<8x4000x64xf32, #tpu.memory_space<vmem>> -> memref<1x4000x64xf32, #tpu.memory_space<vmem>>
    %dma_wait3A_600 = tpu.memref_squeeze %dma_wait3A_599 : memref<1x4000x64xf32, #tpu.memory_space<vmem>> -> memref<4000x64xf32, #tpu.memory_space<vmem>>
    %dma_wait3A_601 = arith.constant 0 : i32
    %dma_wait3A_602 = arith.constant 0 : i32
    %dma_wait3A_603 = tpu.memref_slice %arg0[%dma_wait3A_592, %dma_wait3A_601, %dma_wait3A_602] : memref<32x4000x64xf32, #tpu.memory_space<any>> -> memref<1x4000x64xf32, #tpu.memory_space<any>>
    %dma_wait3A_604 = tpu.memref_squeeze %dma_wait3A_603 : memref<1x4000x64xf32, #tpu.memory_space<any>> -> memref<4000x64xf32, #tpu.memory_space<any>>
    tpu.wait_dma2 semaphore(%dma_wait3A_596 : memref<!tpu.dma_semaphore, #tpu.memory_space<semaphore_mem>>) src(%dma_wait3A_604 : memref<4000x64xf32, #tpu.memory_space<any>>) dst(%dma_wait3A_600 : memref<4000x64xf32, #tpu.memory_space<vmem>>)
    %get3A_605 = arith.constant 3 : index
    %get3A_606 = arith.constant 0 : index
    %get3A_607 = arith.constant 0 : index
    %get3A_608 = vector.load %arg3[%get3A_605, %get3A_606, %get3A_607] : memref<8x4000x64xf32, #tpu.memory_space<vmem>>, vector<1x4000x64xf32>
    %get3A_609 = vector.shape_cast %get3A_608 : vector<1x4000x64xf32> to vector<4000x64xf32>
    %get3A_610 = arith.constant 0 : index
    %get3A_611 = arith.constant 0 : index
    %get3A_612 = vector.load %arg1[%get3A_610, %get3A_611] : memref<128x4000xf32, #tpu.memory_space<vmem>>, vector<128x4000xf32>
    %dot_general3A_613 = arith.constant dense<0.000000e+00> : vector<128x64xf32>
    %dot_general3A_614 = tpu.matmul %get3A_612, %get3A_609, %dot_general3A_613 {dimension_numbers = #tpu.dot_dimension_numbers<[1], [0], [0], [1], [0, 0, 1, 1], [], []>, transpose_lhs_hint = false} : vector<128x4000xf32>, vector<4000x64xf32>, vector<128x64xf32> -> vector<128x64xf32>
    %tanh3A_615 = math.tanh %dot_general3A_614 : vector<128x64xf32>
    %transpose3A_616 = tpu.transpose %tanh3A_615, [1, 0] : vector<128x64xf32> -> vector<64x128xf32>
    %swap3A_617 = arith.constant 0 : index
    %swap3A_618 = arith.constant 11 : index
    %swap3A_619 = arith.constant 0 : index
    %swap3A_620 = arith.constant 0 : index
    %swap3A_621 = vector.load %arg2[%swap3A_617, %swap3A_618, %swap3A_619, %swap3A_620] : memref<64x32x1x128xf32, #tpu.memory_space<vmem>>, vector<64x1x1x128xf32>
    %swap3A_622 = vector.shape_cast %swap3A_621 : vector<64x1x1x128xf32> to vector<64x128xf32>
    %swap3A_623 = vector.shape_cast %transpose3A_616 : vector<64x128xf32> to vector<64x1x1x128xf32>
    tpu.vector_store %arg2[%swap3A_617, %swap3A_618, %swap3A_619, %swap3A_620], %swap3A_623 {strides = array<i32>} : memref<64x32x1x128xf32, #tpu.memory_space<vmem>>, vector<64x1x1x128xf32>,
    %dma_start3A_624 = arith.constant 19 : i32
    %dma_start3A_625 = arith.constant 3 : i32
    %dma_start3A_626 = arith.constant 3 : i32
    %dma_start3A_627 = tpu.memref_slice %arg4[%dma_start3A_626] : memref<8x!tpu.dma_semaphore, #tpu.memory_space<semaphore_mem>> -> memref<1x!tpu.dma_semaphore, #tpu.memory_space<semaphore_mem>>
    %dma_start3A_628 = tpu.memref_squeeze %dma_start3A_627 : memref<1x!tpu.dma_semaphore, #tpu.memory_space<semaphore_mem>> -> memref<!tpu.dma_semaphore, #tpu.memory_space<semaphore_mem>>
    %dma_start3A_629 = arith.constant 0 : i32
    %dma_start3A_630 = arith.constant 0 : i32
    %dma_start3A_631 = tpu.memref_slice %arg3[%dma_start3A_625, %dma_start3A_629, %dma_start3A_630] : memref<8x4000x64xf32, #tpu.memory_space<vmem>> -> memref<1x4000x64xf32, #tpu.memory_space<vmem>>
    %dma_start3A_632 = tpu.memref_squeeze %dma_start3A_631 : memref<1x4000x64xf32, #tpu.memory_space<vmem>> -> memref<4000x64xf32, #tpu.memory_space<vmem>>
    %dma_start3A_633 = arith.constant 0 : i32
    %dma_start3A_634 = arith.constant 0 : i32
    %dma_start3A_635 = tpu.memref_slice %arg0[%dma_start3A_624, %dma_start3A_633, %dma_start3A_634] : memref<32x4000x64xf32, #tpu.memory_space<any>> -> memref<1x4000x64xf32, #tpu.memory_space<any>>
    %dma_start3A_636 = tpu.memref_squeeze %dma_start3A_635 : memref<1x4000x64xf32, #tpu.memory_space<any>> -> memref<4000x64xf32, #tpu.memory_space<any>>
    tpu.enqueue_dma source(%dma_start3A_636 : memref<4000x64xf32, #tpu.memory_space<any>>) target(%dma_start3A_632 : memref<4000x64xf32, #tpu.memory_space<vmem>>) target_semaphore(%dma_start3A_628 : memref<!tpu.dma_semaphore, #tpu.memory_space<semaphore_mem>>)
    %dma_wait3A_637 = arith.constant 12 : i32
    %dma_wait3A_638 = arith.constant 4 : i32
    %dma_wait3A_639 = arith.constant 4 : i32
    %dma_wait3A_640 = tpu.memref_slice %arg4[%dma_wait3A_639] : memref<8x!tpu.dma_semaphore, #tpu.memory_space<semaphore_mem>> -> memref<1x!tpu.dma_semaphore, #tpu.memory_space<semaphore_mem>>
    %dma_wait3A_641 = tpu.memref_squeeze %dma_wait3A_640 : memref<1x!tpu.dma_semaphore, #tpu.memory_space<semaphore_mem>> -> memref<!tpu.dma_semaphore, #tpu.memory_space<semaphore_mem>>
    %dma_wait3A_642 = arith.constant 0 : i32
    %dma_wait3A_643 = arith.constant 0 : i32
    %dma_wait3A_644 = tpu.memref_slice %arg3[%dma_wait3A_638, %dma_wait3A_642, %dma_wait3A_643] : memref<8x4000x64xf32, #tpu.memory_space<vmem>> -> memref<1x4000x64xf32, #tpu.memory_space<vmem>>
    %dma_wait3A_645 = tpu.memref_squeeze %dma_wait3A_644 : memref<1x4000x64xf32, #tpu.memory_space<vmem>> -> memref<4000x64xf32, #tpu.memory_space<vmem>>
    %dma_wait3A_646 = arith.constant 0 : i32
    %dma_wait3A_647 = arith.constant 0 : i32
    %dma_wait3A_648 = tpu.memref_slice %arg0[%dma_wait3A_637, %dma_wait3A_646, %dma_wait3A_647] : memref<32x4000x64xf32, #tpu.memory_space<any>> -> memref<1x4000x64xf32, #tpu.memory_space<any>>
    %dma_wait3A_649 = tpu.memref_squeeze %dma_wait3A_648 : memref<1x4000x64xf32, #tpu.memory_space<any>> -> memref<4000x64xf32, #tpu.memory_space<any>>
    tpu.wait_dma2 semaphore(%dma_wait3A_641 : memref<!tpu.dma_semaphore, #tpu.memory_space<semaphore_mem>>) src(%dma_wait3A_649 : memref<4000x64xf32, #tpu.memory_space<any>>) dst(%dma_wait3A_645 : memref<4000x64xf32, #tpu.memory_space<vmem>>)
    %get3A_650 = arith.constant 4 : index
    %get3A_651 = arith.constant 0 : index
    %get3A_652 = arith.constant 0 : index
    %get3A_653 = vector.load %arg3[%get3A_650, %get3A_651, %get3A_652] : memref<8x4000x64xf32, #tpu.memory_space<vmem>>, vector<1x4000x64xf32>
    %get3A_654 = vector.shape_cast %get3A_653 : vector<1x4000x64xf32> to vector<4000x64xf32>
    %get3A_655 = arith.constant 0 : index
    %get3A_656 = arith.constant 0 : index
    %get3A_657 = vector.load %arg1[%get3A_655, %get3A_656] : memref<128x4000xf32, #tpu.memory_space<vmem>>, vector<128x4000xf32>
    %dot_general3A_658 = arith.constant dense<0.000000e+00> : vector<128x64xf32>
    %dot_general3A_659 = tpu.matmul %get3A_657, %get3A_654, %dot_general3A_658 {dimension_numbers = #tpu.dot_dimension_numbers<[1], [0], [0], [1], [0, 0, 1, 1], [], []>, transpose_lhs_hint = false} : vector<128x4000xf32>, vector<4000x64xf32>, vector<128x64xf32> -> vector<128x64xf32>
    %tanh3A_660 = math.tanh %dot_general3A_659 : vector<128x64xf32>
    %transpose3A_661 = tpu.transpose %tanh3A_660, [1, 0] : vector<128x64xf32> -> vector<64x128xf32>
    %swap3A_662 = arith.constant 0 : index
    %swap3A_663 = arith.constant 12 : index
    %swap3A_664 = arith.constant 0 : index
    %swap3A_665 = arith.constant 0 : index
    %swap3A_666 = vector.load %arg2[%swap3A_662, %swap3A_663, %swap3A_664, %swap3A_665] : memref<64x32x1x128xf32, #tpu.memory_space<vmem>>, vector<64x1x1x128xf32>
    %swap3A_667 = vector.shape_cast %swap3A_666 : vector<64x1x1x128xf32> to vector<64x128xf32>
    %swap3A_668 = vector.shape_cast %transpose3A_661 : vector<64x128xf32> to vector<64x1x1x128xf32>
    tpu.vector_store %arg2[%swap3A_662, %swap3A_663, %swap3A_664, %swap3A_665], %swap3A_668 {strides = array<i32>} : memref<64x32x1x128xf32, #tpu.memory_space<vmem>>, vector<64x1x1x128xf32>,
    %dma_start3A_669 = arith.constant 20 : i32
    %dma_start3A_670 = arith.constant 4 : i32
    %dma_start3A_671 = arith.constant 4 : i32
    %dma_start3A_672 = tpu.memref_slice %arg4[%dma_start3A_671] : memref<8x!tpu.dma_semaphore, #tpu.memory_space<semaphore_mem>> -> memref<1x!tpu.dma_semaphore, #tpu.memory_space<semaphore_mem>>
    %dma_start3A_673 = tpu.memref_squeeze %dma_start3A_672 : memref<1x!tpu.dma_semaphore, #tpu.memory_space<semaphore_mem>> -> memref<!tpu.dma_semaphore, #tpu.memory_space<semaphore_mem>>
    %dma_start3A_674 = arith.constant 0 : i32
    %dma_start3A_675 = arith.constant 0 : i32
    %dma_start3A_676 = tpu.memref_slice %arg3[%dma_start3A_670, %dma_start3A_674, %dma_start3A_675] : memref<8x4000x64xf32, #tpu.memory_space<vmem>> -> memref<1x4000x64xf32, #tpu.memory_space<vmem>>
    %dma_start3A_677 = tpu.memref_squeeze %dma_start3A_676 : memref<1x4000x64xf32, #tpu.memory_space<vmem>> -> memref<4000x64xf32, #tpu.memory_space<vmem>>
    %dma_start3A_678 = arith.constant 0 : i32
    %dma_start3A_679 = arith.constant 0 : i32
    %dma_start3A_680 = tpu.memref_slice %arg0[%dma_start3A_669, %dma_start3A_678, %dma_start3A_679] : memref<32x4000x64xf32, #tpu.memory_space<any>> -> memref<1x4000x64xf32, #tpu.memory_space<any>>
    %dma_start3A_681 = tpu.memref_squeeze %dma_start3A_680 : memref<1x4000x64xf32, #tpu.memory_space<any>> -> memref<4000x64xf32, #tpu.memory_space<any>>
    tpu.enqueue_dma source(%dma_start3A_681 : memref<4000x64xf32, #tpu.memory_space<any>>) target(%dma_start3A_677 : memref<4000x64xf32, #tpu.memory_space<vmem>>) target_semaphore(%dma_start3A_673 : memref<!tpu.dma_semaphore, #tpu.memory_space<semaphore_mem>>)
    %dma_wait3A_682 = arith.constant 13 : i32
    %dma_wait3A_683 = arith.constant 5 : i32
    %dma_wait3A_684 = arith.constant 5 : i32
    %dma_wait3A_685 = tpu.memref_slice %arg4[%dma_wait3A_684] : memref<8x!tpu.dma_semaphore, #tpu.memory_space<semaphore_mem>> -> memref<1x!tpu.dma_semaphore, #tpu.memory_space<semaphore_mem>>
    %dma_wait3A_686 = tpu.memref_squeeze %dma_wait3A_685 : memref<1x!tpu.dma_semaphore, #tpu.memory_space<semaphore_mem>> -> memref<!tpu.dma_semaphore, #tpu.memory_space<semaphore_mem>>
    %dma_wait3A_687 = arith.constant 0 : i32
    %dma_wait3A_688 = arith.constant 0 : i32
    %dma_wait3A_689 = tpu.memref_slice %arg3[%dma_wait3A_683, %dma_wait3A_687, %dma_wait3A_688] : memref<8x4000x64xf32, #tpu.memory_space<vmem>> -> memref<1x4000x64xf32, #tpu.memory_space<vmem>>
    %dma_wait3A_690 = tpu.memref_squeeze %dma_wait3A_689 : memref<1x4000x64xf32, #tpu.memory_space<vmem>> -> memref<4000x64xf32, #tpu.memory_space<vmem>>
    %dma_wait3A_691 = arith.constant 0 : i32
    %dma_wait3A_692 = arith.constant 0 : i32
    %dma_wait3A_693 = tpu.memref_slice %arg0[%dma_wait3A_682, %dma_wait3A_691, %dma_wait3A_692] : memref<32x4000x64xf32, #tpu.memory_space<any>> -> memref<1x4000x64xf32, #tpu.memory_space<any>>
    %dma_wait3A_694 = tpu.memref_squeeze %dma_wait3A_693 : memref<1x4000x64xf32, #tpu.memory_space<any>> -> memref<4000x64xf32, #tpu.memory_space<any>>
    tpu.wait_dma2 semaphore(%dma_wait3A_686 : memref<!tpu.dma_semaphore, #tpu.memory_space<semaphore_mem>>) src(%dma_wait3A_694 : memref<4000x64xf32, #tpu.memory_space<any>>) dst(%dma_wait3A_690 : memref<4000x64xf32, #tpu.memory_space<vmem>>)
    %get3A_695 = arith.constant 5 : index
    %get3A_696 = arith.constant 0 : index
    %get3A_697 = arith.constant 0 : index
    %get3A_698 = vector.load %arg3[%get3A_695, %get3A_696, %get3A_697] : memref<8x4000x64xf32, #tpu.memory_space<vmem>>, vector<1x4000x64xf32>
    %get3A_699 = vector.shape_cast %get3A_698 : vector<1x4000x64xf32> to vector<4000x64xf32>
    %get3A_700 = arith.constant 0 : index
    %get3A_701 = arith.constant 0 : index
    %get3A_702 = vector.load %arg1[%get3A_700, %get3A_701] : memref<128x4000xf32, #tpu.memory_space<vmem>>, vector<128x4000xf32>
    %dot_general3A_703 = arith.constant dense<0.000000e+00> : vector<128x64xf32>
    %dot_general3A_704 = tpu.matmul %get3A_702, %get3A_699, %dot_general3A_703 {dimension_numbers = #tpu.dot_dimension_numbers<[1], [0], [0], [1], [0, 0, 1, 1], [], []>, transpose_lhs_hint = false} : vector<128x4000xf32>, vector<4000x64xf32>, vector<128x64xf32> -> vector<128x64xf32>
    %tanh3A_705 = math.tanh %dot_general3A_704 : vector<128x64xf32>
    %transpose3A_706 = tpu.transpose %tanh3A_705, [1, 0] : vector<128x64xf32> -> vector<64x128xf32>
    %swap3A_707 = arith.constant 0 : index
    %swap3A_708 = arith.constant 13 : index
    %swap3A_709 = arith.constant 0 : index
    %swap3A_710 = arith.constant 0 : index
    %swap3A_711 = vector.load %arg2[%swap3A_707, %swap3A_708, %swap3A_709, %swap3A_710] : memref<64x32x1x128xf32, #tpu.memory_space<vmem>>, vector<64x1x1x128xf32>
    %swap3A_712 = vector.shape_cast %swap3A_711 : vector<64x1x1x128xf32> to vector<64x128xf32>
    %swap3A_713 = vector.shape_cast %transpose3A_706 : vector<64x128xf32> to vector<64x1x1x128xf32>
    tpu.vector_store %arg2[%swap3A_707, %swap3A_708, %swap3A_709, %swap3A_710], %swap3A_713 {strides = array<i32>} : memref<64x32x1x128xf32, #tpu.memory_space<vmem>>, vector<64x1x1x128xf32>,
    %dma_start3A_714 = arith.constant 21 : i32
    %dma_start3A_715 = arith.constant 5 : i32
    %dma_start3A_716 = arith.constant 5 : i32
    %dma_start3A_717 = tpu.memref_slice %arg4[%dma_start3A_716] : memref<8x!tpu.dma_semaphore, #tpu.memory_space<semaphore_mem>> -> memref<1x!tpu.dma_semaphore, #tpu.memory_space<semaphore_mem>>
    %dma_start3A_718 = tpu.memref_squeeze %dma_start3A_717 : memref<1x!tpu.dma_semaphore, #tpu.memory_space<semaphore_mem>> -> memref<!tpu.dma_semaphore, #tpu.memory_space<semaphore_mem>>
    %dma_start3A_719 = arith.constant 0 : i32
    %dma_start3A_720 = arith.constant 0 : i32
    %dma_start3A_721 = tpu.memref_slice %arg3[%dma_start3A_715, %dma_start3A_719, %dma_start3A_720] : memref<8x4000x64xf32, #tpu.memory_space<vmem>> -> memref<1x4000x64xf32, #tpu.memory_space<vmem>>
    %dma_start3A_722 = tpu.memref_squeeze %dma_start3A_721 : memref<1x4000x64xf32, #tpu.memory_space<vmem>> -> memref<4000x64xf32, #tpu.memory_space<vmem>>
    %dma_start3A_723 = arith.constant 0 : i32
    %dma_start3A_724 = arith.constant 0 : i32
    %dma_start3A_725 = tpu.memref_slice %arg0[%dma_start3A_714, %dma_start3A_723, %dma_start3A_724] : memref<32x4000x64xf32, #tpu.memory_space<any>> -> memref<1x4000x64xf32, #tpu.memory_space<any>>
    %dma_start3A_726 = tpu.memref_squeeze %dma_start3A_725 : memref<1x4000x64xf32, #tpu.memory_space<any>> -> memref<4000x64xf32, #tpu.memory_space<any>>
    tpu.enqueue_dma source(%dma_start3A_726 : memref<4000x64xf32, #tpu.memory_space<any>>) target(%dma_start3A_722 : memref<4000x64xf32, #tpu.memory_space<vmem>>) target_semaphore(%dma_start3A_718 : memref<!tpu.dma_semaphore, #tpu.memory_space<semaphore_mem>>)
    %dma_wait3A_727 = arith.constant 14 : i32
    %dma_wait3A_728 = arith.constant 6 : i32
    %dma_wait3A_729 = arith.constant 6 : i32
    %dma_wait3A_730 = tpu.memref_slice %arg4[%dma_wait3A_729] : memref<8x!tpu.dma_semaphore, #tpu.memory_space<semaphore_mem>> -> memref<1x!tpu.dma_semaphore, #tpu.memory_space<semaphore_mem>>
    %dma_wait3A_731 = tpu.memref_squeeze %dma_wait3A_730 : memref<1x!tpu.dma_semaphore, #tpu.memory_space<semaphore_mem>> -> memref<!tpu.dma_semaphore, #tpu.memory_space<semaphore_mem>>
    %dma_wait3A_732 = arith.constant 0 : i32
    %dma_wait3A_733 = arith.constant 0 : i32
    %dma_wait3A_734 = tpu.memref_slice %arg3[%dma_wait3A_728, %dma_wait3A_732, %dma_wait3A_733] : memref<8x4000x64xf32, #tpu.memory_space<vmem>> -> memref<1x4000x64xf32, #tpu.memory_space<vmem>>
    %dma_wait3A_735 = tpu.memref_squeeze %dma_wait3A_734 : memref<1x4000x64xf32, #tpu.memory_space<vmem>> -> memref<4000x64xf32, #tpu.memory_space<vmem>>
    %dma_wait3A_736 = arith.constant 0 : i32
    %dma_wait3A_737 = arith.constant 0 : i32
    %dma_wait3A_738 = tpu.memref_slice %arg0[%dma_wait3A_727, %dma_wait3A_736, %dma_wait3A_737] : memref<32x4000x64xf32, #tpu.memory_space<any>> -> memref<1x4000x64xf32, #tpu.memory_space<any>>
    %dma_wait3A_739 = tpu.memref_squeeze %dma_wait3A_738 : memref<1x4000x64xf32, #tpu.memory_space<any>> -> memref<4000x64xf32, #tpu.memory_space<any>>
    tpu.wait_dma2 semaphore(%dma_wait3A_731 : memref<!tpu.dma_semaphore, #tpu.memory_space<semaphore_mem>>) src(%dma_wait3A_739 : memref<4000x64xf32, #tpu.memory_space<any>>) dst(%dma_wait3A_735 : memref<4000x64xf32, #tpu.memory_space<vmem>>)
    %get3A_740 = arith.constant 6 : index
    %get3A_741 = arith.constant 0 : index
    %get3A_742 = arith.constant 0 : index
    %get3A_743 = vector.load %arg3[%get3A_740, %get3A_741, %get3A_742] : memref<8x4000x64xf32, #tpu.memory_space<vmem>>, vector<1x4000x64xf32>
    %get3A_744 = vector.shape_cast %get3A_743 : vector<1x4000x64xf32> to vector<4000x64xf32>
    %get3A_745 = arith.constant 0 : index
    %get3A_746 = arith.constant 0 : index
    %get3A_747 = vector.load %arg1[%get3A_745, %get3A_746] : memref<128x4000xf32, #tpu.memory_space<vmem>>, vector<128x4000xf32>
    %dot_general3A_748 = arith.constant dense<0.000000e+00> : vector<128x64xf32>
    %dot_general3A_749 = tpu.matmul %get3A_747, %get3A_744, %dot_general3A_748 {dimension_numbers = #tpu.dot_dimension_numbers<[1], [0], [0], [1], [0, 0, 1, 1], [], []>, transpose_lhs_hint = false} : vector<128x4000xf32>, vector<4000x64xf32>, vector<128x64xf32> -> vector<128x64xf32>
    %tanh3A_750 = math.tanh %dot_general3A_749 : vector<128x64xf32>
    %transpose3A_751 = tpu.transpose %tanh3A_750, [1, 0] : vector<128x64xf32> -> vector<64x128xf32>
    %swap3A_752 = arith.constant 0 : index
    %swap3A_753 = arith.constant 14 : index
    %swap3A_754 = arith.constant 0 : index
    %swap3A_755 = arith.constant 0 : index
    %swap3A_756 = vector.load %arg2[%swap3A_752, %swap3A_753, %swap3A_754, %swap3A_755] : memref<64x32x1x128xf32, #tpu.memory_space<vmem>>, vector<64x1x1x128xf32>
    %swap3A_757 = vector.shape_cast %swap3A_756 : vector<64x1x1x128xf32> to vector<64x128xf32>
    %swap3A_758 = vector.shape_cast %transpose3A_751 : vector<64x128xf32> to vector<64x1x1x128xf32>
    tpu.vector_store %arg2[%swap3A_752, %swap3A_753, %swap3A_754, %swap3A_755], %swap3A_758 {strides = array<i32>} : memref<64x32x1x128xf32, #tpu.memory_space<vmem>>, vector<64x1x1x128xf32>,
    %dma_start3A_759 = arith.constant 22 : i32
    %dma_start3A_760 = arith.constant 6 : i32
    %dma_start3A_761 = arith.constant 6 : i32
    %dma_start3A_762 = tpu.memref_slice %arg4[%dma_start3A_761] : memref<8x!tpu.dma_semaphore, #tpu.memory_space<semaphore_mem>> -> memref<1x!tpu.dma_semaphore, #tpu.memory_space<semaphore_mem>>
    %dma_start3A_763 = tpu.memref_squeeze %dma_start3A_762 : memref<1x!tpu.dma_semaphore, #tpu.memory_space<semaphore_mem>> -> memref<!tpu.dma_semaphore, #tpu.memory_space<semaphore_mem>>
    %dma_start3A_764 = arith.constant 0 : i32
    %dma_start3A_765 = arith.constant 0 : i32
    %dma_start3A_766 = tpu.memref_slice %arg3[%dma_start3A_760, %dma_start3A_764, %dma_start3A_765] : memref<8x4000x64xf32, #tpu.memory_space<vmem>> -> memref<1x4000x64xf32, #tpu.memory_space<vmem>>
    %dma_start3A_767 = tpu.memref_squeeze %dma_start3A_766 : memref<1x4000x64xf32, #tpu.memory_space<vmem>> -> memref<4000x64xf32, #tpu.memory_space<vmem>>
    %dma_start3A_768 = arith.constant 0 : i32
    %dma_start3A_769 = arith.constant 0 : i32
    %dma_start3A_770 = tpu.memref_slice %arg0[%dma_start3A_759, %dma_start3A_768, %dma_start3A_769] : memref<32x4000x64xf32, #tpu.memory_space<any>> -> memref<1x4000x64xf32, #tpu.memory_space<any>>
    %dma_start3A_771 = tpu.memref_squeeze %dma_start3A_770 : memref<1x4000x64xf32, #tpu.memory_space<any>> -> memref<4000x64xf32, #tpu.memory_space<any>>
    tpu.enqueue_dma source(%dma_start3A_771 : memref<4000x64xf32, #tpu.memory_space<any>>) target(%dma_start3A_767 : memref<4000x64xf32, #tpu.memory_space<vmem>>) target_semaphore(%dma_start3A_763 : memref<!tpu.dma_semaphore, #tpu.memory_space<semaphore_mem>>)
    %dma_wait3A_772 = arith.constant 15 : i32
    %dma_wait3A_773 = arith.constant 7 : i32
    %dma_wait3A_774 = arith.constant 7 : i32
    %dma_wait3A_775 = tpu.memref_slice %arg4[%dma_wait3A_774] : memref<8x!tpu.dma_semaphore, #tpu.memory_space<semaphore_mem>> -> memref<1x!tpu.dma_semaphore, #tpu.memory_space<semaphore_mem>>
    %dma_wait3A_776 = tpu.memref_squeeze %dma_wait3A_775 : memref<1x!tpu.dma_semaphore, #tpu.memory_space<semaphore_mem>> -> memref<!tpu.dma_semaphore, #tpu.memory_space<semaphore_mem>>
    %dma_wait3A_777 = arith.constant 0 : i32
    %dma_wait3A_778 = arith.constant 0 : i32
    %dma_wait3A_779 = tpu.memref_slice %arg3[%dma_wait3A_773, %dma_wait3A_777, %dma_wait3A_778] : memref<8x4000x64xf32, #tpu.memory_space<vmem>> -> memref<1x4000x64xf32, #tpu.memory_space<vmem>>
    %dma_wait3A_780 = tpu.memref_squeeze %dma_wait3A_779 : memref<1x4000x64xf32, #tpu.memory_space<vmem>> -> memref<4000x64xf32, #tpu.memory_space<vmem>>
    %dma_wait3A_781 = arith.constant 0 : i32
    %dma_wait3A_782 = arith.constant 0 : i32
    %dma_wait3A_783 = tpu.memref_slice %arg0[%dma_wait3A_772, %dma_wait3A_781, %dma_wait3A_782] : memref<32x4000x64xf32, #tpu.memory_space<any>> -> memref<1x4000x64xf32, #tpu.memory_space<any>>
    %dma_wait3A_784 = tpu.memref_squeeze %dma_wait3A_783 : memref<1x4000x64xf32, #tpu.memory_space<any>> -> memref<4000x64xf32, #tpu.memory_space<any>>
    tpu.wait_dma2 semaphore(%dma_wait3A_776 : memref<!tpu.dma_semaphore, #tpu.memory_space<semaphore_mem>>) src(%dma_wait3A_784 : memref<4000x64xf32, #tpu.memory_space<any>>) dst(%dma_wait3A_780 : memref<4000x64xf32, #tpu.memory_space<vmem>>)
    %get3A_785 = arith.constant 7 : index
    %get3A_786 = arith.constant 0 : index
    %get3A_787 = arith.constant 0 : index
    %get3A_788 = vector.load %arg3[%get3A_785, %get3A_786, %get3A_787] : memref<8x4000x64xf32, #tpu.memory_space<vmem>>, vector<1x4000x64xf32>
    %get3A_789 = vector.shape_cast %get3A_788 : vector<1x4000x64xf32> to vector<4000x64xf32>
    %get3A_790 = arith.constant 0 : index
    %get3A_791 = arith.constant 0 : index
    %get3A_792 = vector.load %arg1[%get3A_790, %get3A_791] : memref<128x4000xf32, #tpu.memory_space<vmem>>, vector<128x4000xf32>
    %dot_general3A_793 = arith.constant dense<0.000000e+00> : vector<128x64xf32>
    %dot_general3A_794 = tpu.matmul %get3A_792, %get3A_789, %dot_general3A_793 {dimension_numbers = #tpu.dot_dimension_numbers<[1], [0], [0], [1], [0, 0, 1, 1], [], []>, transpose_lhs_hint = false} : vector<128x4000xf32>, vector<4000x64xf32>, vector<128x64xf32> -> vector<128x64xf32>
    %tanh3A_795 = math.tanh %dot_general3A_794 : vector<128x64xf32>
    %transpose3A_796 = tpu.transpose %tanh3A_795, [1, 0] : vector<128x64xf32> -> vector<64x128xf32>
    %swap3A_797 = arith.constant 0 : index
    %swap3A_798 = arith.constant 15 : index
    %swap3A_799 = arith.constant 0 : index
    %swap3A_800 = arith.constant 0 : index
    %swap3A_801 = vector.load %arg2[%swap3A_797, %swap3A_798, %swap3A_799, %swap3A_800] : memref<64x32x1x128xf32, #tpu.memory_space<vmem>>, vector<64x1x1x128xf32>
    %swap3A_802 = vector.shape_cast %swap3A_801 : vector<64x1x1x128xf32> to vector<64x128xf32>
    %swap3A_803 = vector.shape_cast %transpose3A_796 : vector<64x128xf32> to vector<64x1x1x128xf32>
    tpu.vector_store %arg2[%swap3A_797, %swap3A_798, %swap3A_799, %swap3A_800], %swap3A_803 {strides = array<i32>} : memref<64x32x1x128xf32, #tpu.memory_space<vmem>>, vector<64x1x1x128xf32>,
    %dma_start3A_804 = arith.constant 23 : i32
    %dma_start3A_805 = arith.constant 7 : i32
    %dma_start3A_806 = arith.constant 7 : i32
    %dma_start3A_807 = tpu.memref_slice %arg4[%dma_start3A_806] : memref<8x!tpu.dma_semaphore, #tpu.memory_space<semaphore_mem>> -> memref<1x!tpu.dma_semaphore, #tpu.memory_space<semaphore_mem>>
    %dma_start3A_808 = tpu.memref_squeeze %dma_start3A_807 : memref<1x!tpu.dma_semaphore, #tpu.memory_space<semaphore_mem>> -> memref<!tpu.dma_semaphore, #tpu.memory_space<semaphore_mem>>
    %dma_start3A_809 = arith.constant 0 : i32
    %dma_start3A_810 = arith.constant 0 : i32
    %dma_start3A_811 = tpu.memref_slice %arg3[%dma_start3A_805, %dma_start3A_809, %dma_start3A_810] : memref<8x4000x64xf32, #tpu.memory_space<vmem>> -> memref<1x4000x64xf32, #tpu.memory_space<vmem>>
    %dma_start3A_812 = tpu.memref_squeeze %dma_start3A_811 : memref<1x4000x64xf32, #tpu.memory_space<vmem>> -> memref<4000x64xf32, #tpu.memory_space<vmem>>
    %dma_start3A_813 = arith.constant 0 : i32
    %dma_start3A_814 = arith.constant 0 : i32
    %dma_start3A_815 = tpu.memref_slice %arg0[%dma_start3A_804, %dma_start3A_813, %dma_start3A_814] : memref<32x4000x64xf32, #tpu.memory_space<any>> -> memref<1x4000x64xf32, #tpu.memory_space<any>>
    %dma_start3A_816 = tpu.memref_squeeze %dma_start3A_815 : memref<1x4000x64xf32, #tpu.memory_space<any>> -> memref<4000x64xf32, #tpu.memory_space<any>>
    tpu.enqueue_dma source(%dma_start3A_816 : memref<4000x64xf32, #tpu.memory_space<any>>) target(%dma_start3A_812 : memref<4000x64xf32, #tpu.memory_space<vmem>>) target_semaphore(%dma_start3A_808 : memref<!tpu.dma_semaphore, #tpu.memory_space<semaphore_mem>>)
    %dma_wait3A_817 = arith.constant 16 : i32
    %dma_wait3A_818 = arith.constant 0 : i32
    %dma_wait3A_819 = arith.constant 0 : i32
    %dma_wait3A_820 = tpu.memref_slice %arg4[%dma_wait3A_819] : memref<8x!tpu.dma_semaphore, #tpu.memory_space<semaphore_mem>> -> memref<1x!tpu.dma_semaphore, #tpu.memory_space<semaphore_mem>>
    %dma_wait3A_821 = tpu.memref_squeeze %dma_wait3A_820 : memref<1x!tpu.dma_semaphore, #tpu.memory_space<semaphore_mem>> -> memref<!tpu.dma_semaphore, #tpu.memory_space<semaphore_mem>>
    %dma_wait3A_822 = arith.constant 0 : i32
    %dma_wait3A_823 = arith.constant 0 : i32
    %dma_wait3A_824 = tpu.memref_slice %arg3[%dma_wait3A_818, %dma_wait3A_822, %dma_wait3A_823] : memref<8x4000x64xf32, #tpu.memory_space<vmem>> -> memref<1x4000x64xf32, #tpu.memory_space<vmem>>
    %dma_wait3A_825 = tpu.memref_squeeze %dma_wait3A_824 : memref<1x4000x64xf32, #tpu.memory_space<vmem>> -> memref<4000x64xf32, #tpu.memory_space<vmem>>
    %dma_wait3A_826 = arith.constant 0 : i32
    %dma_wait3A_827 = arith.constant 0 : i32
    %dma_wait3A_828 = tpu.memref_slice %arg0[%dma_wait3A_817, %dma_wait3A_826, %dma_wait3A_827] : memref<32x4000x64xf32, #tpu.memory_space<any>> -> memref<1x4000x64xf32, #tpu.memory_space<any>>
    %dma_wait3A_829 = tpu.memref_squeeze %dma_wait3A_828 : memref<1x4000x64xf32, #tpu.memory_space<any>> -> memref<4000x64xf32, #tpu.memory_space<any>>
    tpu.wait_dma2 semaphore(%dma_wait3A_821 : memref<!tpu.dma_semaphore, #tpu.memory_space<semaphore_mem>>) src(%dma_wait3A_829 : memref<4000x64xf32, #tpu.memory_space<any>>) dst(%dma_wait3A_825 : memref<4000x64xf32, #tpu.memory_space<vmem>>)
    %get3A_830 = arith.constant 0 : index
    %get3A_831 = arith.constant 0 : index
    %get3A_832 = arith.constant 0 : index
    %get3A_833 = vector.load %arg3[%get3A_830, %get3A_831, %get3A_832] : memref<8x4000x64xf32, #tpu.memory_space<vmem>>, vector<1x4000x64xf32>
    %get3A_834 = vector.shape_cast %get3A_833 : vector<1x4000x64xf32> to vector<4000x64xf32>
    %get3A_835 = arith.constant 0 : index
    %get3A_836 = arith.constant 0 : index
    %get3A_837 = vector.load %arg1[%get3A_835, %get3A_836] : memref<128x4000xf32, #tpu.memory_space<vmem>>, vector<128x4000xf32>
    %dot_general3A_838 = arith.constant dense<0.000000e+00> : vector<128x64xf32>
    %dot_general3A_839 = tpu.matmul %get3A_837, %get3A_834, %dot_general3A_838 {dimension_numbers = #tpu.dot_dimension_numbers<[1], [0], [0], [1], [0, 0, 1, 1], [], []>, transpose_lhs_hint = false} : vector<128x4000xf32>, vector<4000x64xf32>, vector<128x64xf32> -> vector<128x64xf32>
    %tanh3A_840 = math.tanh %dot_general3A_839 : vector<128x64xf32>
    %transpose3A_841 = tpu.transpose %tanh3A_840, [1, 0] : vector<128x64xf32> -> vector<64x128xf32>
    %swap3A_842 = arith.constant 0 : index
    %swap3A_843 = arith.constant 16 : index
    %swap3A_844 = arith.constant 0 : index
    %swap3A_845 = arith.constant 0 : index
    %swap3A_846 = vector.load %arg2[%swap3A_842, %swap3A_843, %swap3A_844, %swap3A_845] : memref<64x32x1x128xf32, #tpu.memory_space<vmem>>, vector<64x1x1x128xf32>
    %swap3A_847 = vector.shape_cast %swap3A_846 : vector<64x1x1x128xf32> to vector<64x128xf32>
    %swap3A_848 = vector.shape_cast %transpose3A_841 : vector<64x128xf32> to vector<64x1x1x128xf32>
    tpu.vector_store %arg2[%swap3A_842, %swap3A_843, %swap3A_844, %swap3A_845], %swap3A_848 {strides = array<i32>} : memref<64x32x1x128xf32, #tpu.memory_space<vmem>>, vector<64x1x1x128xf32>,
    %dma_start3A_849 = arith.constant 24 : i32
    %dma_start3A_850 = arith.constant 0 : i32
    %dma_start3A_851 = arith.constant 0 : i32
    %dma_start3A_852 = tpu.memref_slice %arg4[%dma_start3A_851] : memref<8x!tpu.dma_semaphore, #tpu.memory_space<semaphore_mem>> -> memref<1x!tpu.dma_semaphore, #tpu.memory_space<semaphore_mem>>
    %dma_start3A_853 = tpu.memref_squeeze %dma_start3A_852 : memref<1x!tpu.dma_semaphore, #tpu.memory_space<semaphore_mem>> -> memref<!tpu.dma_semaphore, #tpu.memory_space<semaphore_mem>>
    %dma_start3A_854 = arith.constant 0 : i32
    %dma_start3A_855 = arith.constant 0 : i32
    %dma_start3A_856 = tpu.memref_slice %arg3[%dma_start3A_850, %dma_start3A_854, %dma_start3A_855] : memref<8x4000x64xf32, #tpu.memory_space<vmem>> -> memref<1x4000x64xf32, #tpu.memory_space<vmem>>
    %dma_start3A_857 = tpu.memref_squeeze %dma_start3A_856 : memref<1x4000x64xf32, #tpu.memory_space<vmem>> -> memref<4000x64xf32, #tpu.memory_space<vmem>>
    %dma_start3A_858 = arith.constant 0 : i32
    %dma_start3A_859 = arith.constant 0 : i32
    %dma_start3A_860 = tpu.memref_slice %arg0[%dma_start3A_849, %dma_start3A_858, %dma_start3A_859] : memref<32x4000x64xf32, #tpu.memory_space<any>> -> memref<1x4000x64xf32, #tpu.memory_space<any>>
    %dma_start3A_861 = tpu.memref_squeeze %dma_start3A_860 : memref<1x4000x64xf32, #tpu.memory_space<any>> -> memref<4000x64xf32, #tpu.memory_space<any>>
    tpu.enqueue_dma source(%dma_start3A_861 : memref<4000x64xf32, #tpu.memory_space<any>>) target(%dma_start3A_857 : memref<4000x64xf32, #tpu.memory_space<vmem>>) target_semaphore(%dma_start3A_853 : memref<!tpu.dma_semaphore, #tpu.memory_space<semaphore_mem>>)
    %dma_wait3A_862 = arith.constant 17 : i32
    %dma_wait3A_863 = arith.constant 1 : i32
    %dma_wait3A_864 = arith.constant 1 : i32
    %dma_wait3A_865 = tpu.memref_slice %arg4[%dma_wait3A_864] : memref<8x!tpu.dma_semaphore, #tpu.memory_space<semaphore_mem>> -> memref<1x!tpu.dma_semaphore, #tpu.memory_space<semaphore_mem>>
    %dma_wait3A_866 = tpu.memref_squeeze %dma_wait3A_865 : memref<1x!tpu.dma_semaphore, #tpu.memory_space<semaphore_mem>> -> memref<!tpu.dma_semaphore, #tpu.memory_space<semaphore_mem>>
    %dma_wait3A_867 = arith.constant 0 : i32
    %dma_wait3A_868 = arith.constant 0 : i32
    %dma_wait3A_869 = tpu.memref_slice %arg3[%dma_wait3A_863, %dma_wait3A_867, %dma_wait3A_868] : memref<8x4000x64xf32, #tpu.memory_space<vmem>> -> memref<1x4000x64xf32, #tpu.memory_space<vmem>>
    %dma_wait3A_870 = tpu.memref_squeeze %dma_wait3A_869 : memref<1x4000x64xf32, #tpu.memory_space<vmem>> -> memref<4000x64xf32, #tpu.memory_space<vmem>>
    %dma_wait3A_871 = arith.constant 0 : i32
    %dma_wait3A_872 = arith.constant 0 : i32
    %dma_wait3A_873 = tpu.memref_slice %arg0[%dma_wait3A_862, %dma_wait3A_871, %dma_wait3A_872] : memref<32x4000x64xf32, #tpu.memory_space<any>> -> memref<1x4000x64xf32, #tpu.memory_space<any>>
    %dma_wait3A_874 = tpu.memref_squeeze %dma_wait3A_873 : memref<1x4000x64xf32, #tpu.memory_space<any>> -> memref<4000x64xf32, #tpu.memory_space<any>>
    tpu.wait_dma2 semaphore(%dma_wait3A_866 : memref<!tpu.dma_semaphore, #tpu.memory_space<semaphore_mem>>) src(%dma_wait3A_874 : memref<4000x64xf32, #tpu.memory_space<any>>) dst(%dma_wait3A_870 : memref<4000x64xf32, #tpu.memory_space<vmem>>)
    %get3A_875 = arith.constant 1 : index
    %get3A_876 = arith.constant 0 : index
    %get3A_877 = arith.constant 0 : index
    %get3A_878 = vector.load %arg3[%get3A_875, %get3A_876, %get3A_877] : memref<8x4000x64xf32, #tpu.memory_space<vmem>>, vector<1x4000x64xf32>
    %get3A_879 = vector.shape_cast %get3A_878 : vector<1x4000x64xf32> to vector<4000x64xf32>
    %get3A_880 = arith.constant 0 : index
    %get3A_881 = arith.constant 0 : index
    %get3A_882 = vector.load %arg1[%get3A_880, %get3A_881] : memref<128x4000xf32, #tpu.memory_space<vmem>>, vector<128x4000xf32>
    %dot_general3A_883 = arith.constant dense<0.000000e+00> : vector<128x64xf32>
    %dot_general3A_884 = tpu.matmul %get3A_882, %get3A_879, %dot_general3A_883 {dimension_numbers = #tpu.dot_dimension_numbers<[1], [0], [0], [1], [0, 0, 1, 1], [], []>, transpose_lhs_hint = false} : vector<128x4000xf32>, vector<4000x64xf32>, vector<128x64xf32> -> vector<128x64xf32>
    %tanh3A_885 = math.tanh %dot_general3A_884 : vector<128x64xf32>
    %transpose3A_886 = tpu.transpose %tanh3A_885, [1, 0] : vector<128x64xf32> -> vector<64x128xf32>
    %swap3A_887 = arith.constant 0 : index
    %swap3A_888 = arith.constant 17 : index
    %swap3A_889 = arith.constant 0 : index
    %swap3A_890 = arith.constant 0 : index
    %swap3A_891 = vector.load %arg2[%swap3A_887, %swap3A_888, %swap3A_889, %swap3A_890] : memref<64x32x1x128xf32, #tpu.memory_space<vmem>>, vector<64x1x1x128xf32>
    %swap3A_892 = vector.shape_cast %swap3A_891 : vector<64x1x1x128xf32> to vector<64x128xf32>
    %swap3A_893 = vector.shape_cast %transpose3A_886 : vector<64x128xf32> to vector<64x1x1x128xf32>
    tpu.vector_store %arg2[%swap3A_887, %swap3A_888, %swap3A_889, %swap3A_890], %swap3A_893 {strides = array<i32>} : memref<64x32x1x128xf32, #tpu.memory_space<vmem>>, vector<64x1x1x128xf32>,
    %dma_start3A_894 = arith.constant 25 : i32
    %dma_start3A_895 = arith.constant 1 : i32
    %dma_start3A_896 = arith.constant 1 : i32
    %dma_start3A_897 = tpu.memref_slice %arg4[%dma_start3A_896] : memref<8x!tpu.dma_semaphore, #tpu.memory_space<semaphore_mem>> -> memref<1x!tpu.dma_semaphore, #tpu.memory_space<semaphore_mem>>
    %dma_start3A_898 = tpu.memref_squeeze %dma_start3A_897 : memref<1x!tpu.dma_semaphore, #tpu.memory_space<semaphore_mem>> -> memref<!tpu.dma_semaphore, #tpu.memory_space<semaphore_mem>>
    %dma_start3A_899 = arith.constant 0 : i32
    %dma_start3A_900 = arith.constant 0 : i32
    %dma_start3A_901 = tpu.memref_slice %arg3[%dma_start3A_895, %dma_start3A_899, %dma_start3A_900] : memref<8x4000x64xf32, #tpu.memory_space<vmem>> -> memref<1x4000x64xf32, #tpu.memory_space<vmem>>
    %dma_start3A_902 = tpu.memref_squeeze %dma_start3A_901 : memref<1x4000x64xf32, #tpu.memory_space<vmem>> -> memref<4000x64xf32, #tpu.memory_space<vmem>>
    %dma_start3A_903 = arith.constant 0 : i32
    %dma_start3A_904 = arith.constant 0 : i32
    %dma_start3A_905 = tpu.memref_slice %arg0[%dma_start3A_894, %dma_start3A_903, %dma_start3A_904] : memref<32x4000x64xf32, #tpu.memory_space<any>> -> memref<1x4000x64xf32, #tpu.memory_space<any>>
    %dma_start3A_906 = tpu.memref_squeeze %dma_start3A_905 : memref<1x4000x64xf32, #tpu.memory_space<any>> -> memref<4000x64xf32, #tpu.memory_space<any>>
    tpu.enqueue_dma source(%dma_start3A_906 : memref<4000x64xf32, #tpu.memory_space<any>>) target(%dma_start3A_902 : memref<4000x64xf32, #tpu.memory_space<vmem>>) target_semaphore(%dma_start3A_898 : memref<!tpu.dma_semaphore, #tpu.memory_space<semaphore_mem>>)
    %dma_wait3A_907 = arith.constant 18 : i32
    %dma_wait3A_908 = arith.constant 2 : i32
    %dma_wait3A_909 = arith.constant 2 : i32
    %dma_wait3A_910 = tpu.memref_slice %arg4[%dma_wait3A_909] : memref<8x!tpu.dma_semaphore, #tpu.memory_space<semaphore_mem>> -> memref<1x!tpu.dma_semaphore, #tpu.memory_space<semaphore_mem>>
    %dma_wait3A_911 = tpu.memref_squeeze %dma_wait3A_910 : memref<1x!tpu.dma_semaphore, #tpu.memory_space<semaphore_mem>> -> memref<!tpu.dma_semaphore, #tpu.memory_space<semaphore_mem>>
    %dma_wait3A_912 = arith.constant 0 : i32
    %dma_wait3A_913 = arith.constant 0 : i32
    %dma_wait3A_914 = tpu.memref_slice %arg3[%dma_wait3A_908, %dma_wait3A_912, %dma_wait3A_913] : memref<8x4000x64xf32, #tpu.memory_space<vmem>> -> memref<1x4000x64xf32, #tpu.memory_space<vmem>>
    %dma_wait3A_915 = tpu.memref_squeeze %dma_wait3A_914 : memref<1x4000x64xf32, #tpu.memory_space<vmem>> -> memref<4000x64xf32, #tpu.memory_space<vmem>>
    %dma_wait3A_916 = arith.constant 0 : i32
    %dma_wait3A_917 = arith.constant 0 : i32
    %dma_wait3A_918 = tpu.memref_slice %arg0[%dma_wait3A_907, %dma_wait3A_916, %dma_wait3A_917] : memref<32x4000x64xf32, #tpu.memory_space<any>> -> memref<1x4000x64xf32, #tpu.memory_space<any>>
    %dma_wait3A_919 = tpu.memref_squeeze %dma_wait3A_918 : memref<1x4000x64xf32, #tpu.memory_space<any>> -> memref<4000x64xf32, #tpu.memory_space<any>>
    tpu.wait_dma2 semaphore(%dma_wait3A_911 : memref<!tpu.dma_semaphore, #tpu.memory_space<semaphore_mem>>) src(%dma_wait3A_919 : memref<4000x64xf32, #tpu.memory_space<any>>) dst(%dma_wait3A_915 : memref<4000x64xf32, #tpu.memory_space<vmem>>)
    %get3A_920 = arith.constant 2 : index
    %get3A_921 = arith.constant 0 : index
    %get3A_922 = arith.constant 0 : index
    %get3A_923 = vector.load %arg3[%get3A_920, %get3A_921, %get3A_922] : memref<8x4000x64xf32, #tpu.memory_space<vmem>>, vector<1x4000x64xf32>
    %get3A_924 = vector.shape_cast %get3A_923 : vector<1x4000x64xf32> to vector<4000x64xf32>
    %get3A_925 = arith.constant 0 : index
    %get3A_926 = arith.constant 0 : index
    %get3A_927 = vector.load %arg1[%get3A_925, %get3A_926] : memref<128x4000xf32, #tpu.memory_space<vmem>>, vector<128x4000xf32>
    %dot_general3A_928 = arith.constant dense<0.000000e+00> : vector<128x64xf32>
    %dot_general3A_929 = tpu.matmul %get3A_927, %get3A_924, %dot_general3A_928 {dimension_numbers = #tpu.dot_dimension_numbers<[1], [0], [0], [1], [0, 0, 1, 1], [], []>, transpose_lhs_hint = false} : vector<128x4000xf32>, vector<4000x64xf32>, vector<128x64xf32> -> vector<128x64xf32>
    %tanh3A_930 = math.tanh %dot_general3A_929 : vector<128x64xf32>
    %transpose3A_931 = tpu.transpose %tanh3A_930, [1, 0] : vector<128x64xf32> -> vector<64x128xf32>
    %swap3A_932 = arith.constant 0 : index
    %swap3A_933 = arith.constant 18 : index
    %swap3A_934 = arith.constant 0 : index
    %swap3A_935 = arith.constant 0 : index
    %swap3A_936 = vector.load %arg2[%swap3A_932, %swap3A_933, %swap3A_934, %swap3A_935] : memref<64x32x1x128xf32, #tpu.memory_space<vmem>>, vector<64x1x1x128xf32>
    %swap3A_937 = vector.shape_cast %swap3A_936 : vector<64x1x1x128xf32> to vector<64x128xf32>
    %swap3A_938 = vector.shape_cast %transpose3A_931 : vector<64x128xf32> to vector<64x1x1x128xf32>
    tpu.vector_store %arg2[%swap3A_932, %swap3A_933, %swap3A_934, %swap3A_935], %swap3A_938 {strides = array<i32>} : memref<64x32x1x128xf32, #tpu.memory_space<vmem>>, vector<64x1x1x128xf32>,
    %dma_start3A_939 = arith.constant 26 : i32
    %dma_start3A_940 = arith.constant 2 : i32
    %dma_start3A_941 = arith.constant 2 : i32
    %dma_start3A_942 = tpu.memref_slice %arg4[%dma_start3A_941] : memref<8x!tpu.dma_semaphore, #tpu.memory_space<semaphore_mem>> -> memref<1x!tpu.dma_semaphore, #tpu.memory_space<semaphore_mem>>
    %dma_start3A_943 = tpu.memref_squeeze %dma_start3A_942 : memref<1x!tpu.dma_semaphore, #tpu.memory_space<semaphore_mem>> -> memref<!tpu.dma_semaphore, #tpu.memory_space<semaphore_mem>>
    %dma_start3A_944 = arith.constant 0 : i32
    %dma_start3A_945 = arith.constant 0 : i32
    %dma_start3A_946 = tpu.memref_slice %arg3[%dma_start3A_940, %dma_start3A_944, %dma_start3A_945] : memref<8x4000x64xf32, #tpu.memory_space<vmem>> -> memref<1x4000x64xf32, #tpu.memory_space<vmem>>
    %dma_start3A_947 = tpu.memref_squeeze %dma_start3A_946 : memref<1x4000x64xf32, #tpu.memory_space<vmem>> -> memref<4000x64xf32, #tpu.memory_space<vmem>>
    %dma_start3A_948 = arith.constant 0 : i32
    %dma_start3A_949 = arith.constant 0 : i32
    %dma_start3A_950 = tpu.memref_slice %arg0[%dma_start3A_939, %dma_start3A_948, %dma_start3A_949] : memref<32x4000x64xf32, #tpu.memory_space<any>> -> memref<1x4000x64xf32, #tpu.memory_space<any>>
    %dma_start3A_951 = tpu.memref_squeeze %dma_start3A_950 : memref<1x4000x64xf32, #tpu.memory_space<any>> -> memref<4000x64xf32, #tpu.memory_space<any>>
    tpu.enqueue_dma source(%dma_start3A_951 : memref<4000x64xf32, #tpu.memory_space<any>>) target(%dma_start3A_947 : memref<4000x64xf32, #tpu.memory_space<vmem>>) target_semaphore(%dma_start3A_943 : memref<!tpu.dma_semaphore, #tpu.memory_space<semaphore_mem>>)
    %dma_wait3A_952 = arith.constant 19 : i32
    %dma_wait3A_953 = arith.constant 3 : i32
    %dma_wait3A_954 = arith.constant 3 : i32
    %dma_wait3A_955 = tpu.memref_slice %arg4[%dma_wait3A_954] : memref<8x!tpu.dma_semaphore, #tpu.memory_space<semaphore_mem>> -> memref<1x!tpu.dma_semaphore, #tpu.memory_space<semaphore_mem>>
    %dma_wait3A_956 = tpu.memref_squeeze %dma_wait3A_955 : memref<1x!tpu.dma_semaphore, #tpu.memory_space<semaphore_mem>> -> memref<!tpu.dma_semaphore, #tpu.memory_space<semaphore_mem>>
    %dma_wait3A_957 = arith.constant 0 : i32
    %dma_wait3A_958 = arith.constant 0 : i32
    %dma_wait3A_959 = tpu.memref_slice %arg3[%dma_wait3A_953, %dma_wait3A_957, %dma_wait3A_958] : memref<8x4000x64xf32, #tpu.memory_space<vmem>> -> memref<1x4000x64xf32, #tpu.memory_space<vmem>>
    %dma_wait3A_960 = tpu.memref_squeeze %dma_wait3A_959 : memref<1x4000x64xf32, #tpu.memory_space<vmem>> -> memref<4000x64xf32, #tpu.memory_space<vmem>>
    %dma_wait3A_961 = arith.constant 0 : i32
    %dma_wait3A_962 = arith.constant 0 : i32
    %dma_wait3A_963 = tpu.memref_slice %arg0[%dma_wait3A_952, %dma_wait3A_961, %dma_wait3A_962] : memref<32x4000x64xf32, #tpu.memory_space<any>> -> memref<1x4000x64xf32, #tpu.memory_space<any>>
    %dma_wait3A_964 = tpu.memref_squeeze %dma_wait3A_963 : memref<1x4000x64xf32, #tpu.memory_space<any>> -> memref<4000x64xf32, #tpu.memory_space<any>>
    tpu.wait_dma2 semaphore(%dma_wait3A_956 : memref<!tpu.dma_semaphore, #tpu.memory_space<semaphore_mem>>) src(%dma_wait3A_964 : memref<4000x64xf32, #tpu.memory_space<any>>) dst(%dma_wait3A_960 : memref<4000x64xf32, #tpu.memory_space<vmem>>)
    %get3A_965 = arith.constant 3 : index
    %get3A_966 = arith.constant 0 : index
    %get3A_967 = arith.constant 0 : index
    %get3A_968 = vector.load %arg3[%get3A_965, %get3A_966, %get3A_967] : memref<8x4000x64xf32, #tpu.memory_space<vmem>>, vector<1x4000x64xf32>
    %get3A_969 = vector.shape_cast %get3A_968 : vector<1x4000x64xf32> to vector<4000x64xf32>
    %get3A_970 = arith.constant 0 : index
    %get3A_971 = arith.constant 0 : index
    %get3A_972 = vector.load %arg1[%get3A_970, %get3A_971] : memref<128x4000xf32, #tpu.memory_space<vmem>>, vector<128x4000xf32>
    %dot_general3A_973 = arith.constant dense<0.000000e+00> : vector<128x64xf32>
    %dot_general3A_974 = tpu.matmul %get3A_972, %get3A_969, %dot_general3A_973 {dimension_numbers = #tpu.dot_dimension_numbers<[1], [0], [0], [1], [0, 0, 1, 1], [], []>, transpose_lhs_hint = false} : vector<128x4000xf32>, vector<4000x64xf32>, vector<128x64xf32> -> vector<128x64xf32>
    %tanh3A_975 = math.tanh %dot_general3A_974 : vector<128x64xf32>
    %transpose3A_976 = tpu.transpose %tanh3A_975, [1, 0] : vector<128x64xf32> -> vector<64x128xf32>
    %swap3A_977 = arith.constant 0 : index
    %swap3A_978 = arith.constant 19 : index
    %swap3A_979 = arith.constant 0 : index
    %swap3A_980 = arith.constant 0 : index
    %swap3A_981 = vector.load %arg2[%swap3A_977, %swap3A_978, %swap3A_979, %swap3A_980] : memref<64x32x1x128xf32, #tpu.memory_space<vmem>>, vector<64x1x1x128xf32>
    %swap3A_982 = vector.shape_cast %swap3A_981 : vector<64x1x1x128xf32> to vector<64x128xf32>
    %swap3A_983 = vector.shape_cast %transpose3A_976 : vector<64x128xf32> to vector<64x1x1x128xf32>
    tpu.vector_store %arg2[%swap3A_977, %swap3A_978, %swap3A_979, %swap3A_980], %swap3A_983 {strides = array<i32>} : memref<64x32x1x128xf32, #tpu.memory_space<vmem>>, vector<64x1x1x128xf32>,
    %dma_start3A_984 = arith.constant 27 : i32
    %dma_start3A_985 = arith.constant 3 : i32
    %dma_start3A_986 = arith.constant 3 : i32
    %dma_start3A_987 = tpu.memref_slice %arg4[%dma_start3A_986] : memref<8x!tpu.dma_semaphore, #tpu.memory_space<semaphore_mem>> -> memref<1x!tpu.dma_semaphore, #tpu.memory_space<semaphore_mem>>
    %dma_start3A_988 = tpu.memref_squeeze %dma_start3A_987 : memref<1x!tpu.dma_semaphore, #tpu.memory_space<semaphore_mem>> -> memref<!tpu.dma_semaphore, #tpu.memory_space<semaphore_mem>>
    %dma_start3A_989 = arith.constant 0 : i32
    %dma_start3A_990 = arith.constant 0 : i32
    %dma_start3A_991 = tpu.memref_slice %arg3[%dma_start3A_985, %dma_start3A_989, %dma_start3A_990] : memref<8x4000x64xf32, #tpu.memory_space<vmem>> -> memref<1x4000x64xf32, #tpu.memory_space<vmem>>
    %dma_start3A_992 = tpu.memref_squeeze %dma_start3A_991 : memref<1x4000x64xf32, #tpu.memory_space<vmem>> -> memref<4000x64xf32, #tpu.memory_space<vmem>>
    %dma_start3A_993 = arith.constant 0 : i32
    %dma_start3A_994 = arith.constant 0 : i32
    %dma_start3A_995 = tpu.memref_slice %arg0[%dma_start3A_984, %dma_start3A_993, %dma_start3A_994] : memref<32x4000x64xf32, #tpu.memory_space<any>> -> memref<1x4000x64xf32, #tpu.memory_space<any>>
    %dma_start3A_996 = tpu.memref_squeeze %dma_start3A_995 : memref<1x4000x64xf32, #tpu.memory_space<any>> -> memref<4000x64xf32, #tpu.memory_space<any>>
    tpu.enqueue_dma source(%dma_start3A_996 : memref<4000x64xf32, #tpu.memory_space<any>>) target(%dma_start3A_992 : memref<4000x64xf32, #tpu.memory_space<vmem>>) target_semaphore(%dma_start3A_988 : memref<!tpu.dma_semaphore, #tpu.memory_space<semaphore_mem>>)
    %dma_wait3A_997 = arith.constant 20 : i32
    %dma_wait3A_998 = arith.constant 4 : i32
    %dma_wait3A_999 = arith.constant 4 : i32
    %dma_wait3A_1000 = tpu.memref_slice %arg4[%dma_wait3A_999] : memref<8x!tpu.dma_semaphore, #tpu.memory_space<semaphore_mem>> -> memref<1x!tpu.dma_semaphore, #tpu.memory_space<semaphore_mem>>
    %dma_wait3A_1001 = tpu.memref_squeeze %dma_wait3A_1000 : memref<1x!tpu.dma_semaphore, #tpu.memory_space<semaphore_mem>> -> memref<!tpu.dma_semaphore, #tpu.memory_space<semaphore_mem>>
    %dma_wait3A_1002 = arith.constant 0 : i32
    %dma_wait3A_1003 = arith.constant 0 : i32
    %dma_wait3A_1004 = tpu.memref_slice %arg3[%dma_wait3A_998, %dma_wait3A_1002, %dma_wait3A_1003] : memref<8x4000x64xf32, #tpu.memory_space<vmem>> -> memref<1x4000x64xf32, #tpu.memory_space<vmem>>
    %dma_wait3A_1005 = tpu.memref_squeeze %dma_wait3A_1004 : memref<1x4000x64xf32, #tpu.memory_space<vmem>> -> memref<4000x64xf32, #tpu.memory_space<vmem>>
    %dma_wait3A_1006 = arith.constant 0 : i32
    %dma_wait3A_1007 = arith.constant 0 : i32
    %dma_wait3A_1008 = tpu.memref_slice %arg0[%dma_wait3A_997, %dma_wait3A_1006, %dma_wait3A_1007] : memref<32x4000x64xf32, #tpu.memory_space<any>> -> memref<1x4000x64xf32, #tpu.memory_space<any>>
    %dma_wait3A_1009 = tpu.memref_squeeze %dma_wait3A_1008 : memref<1x4000x64xf32, #tpu.memory_space<any>> -> memref<4000x64xf32, #tpu.memory_space<any>>
    tpu.wait_dma2 semaphore(%dma_wait3A_1001 : memref<!tpu.dma_semaphore, #tpu.memory_space<semaphore_mem>>) src(%dma_wait3A_1009 : memref<4000x64xf32, #tpu.memory_space<any>>) dst(%dma_wait3A_1005 : memref<4000x64xf32, #tpu.memory_space<vmem>>)
    %get3A_1010 = arith.constant 4 : index
    %get3A_1011 = arith.constant 0 : index
    %get3A_1012 = arith.constant 0 : index
    %get3A_1013 = vector.load %arg3[%get3A_1010, %get3A_1011, %get3A_1012] : memref<8x4000x64xf32, #tpu.memory_space<vmem>>, vector<1x4000x64xf32>
    %get3A_1014 = vector.shape_cast %get3A_1013 : vector<1x4000x64xf32> to vector<4000x64xf32>
    %get3A_1015 = arith.constant 0 : index
    %get3A_1016 = arith.constant 0 : index
    %get3A_1017 = vector.load %arg1[%get3A_1015, %get3A_1016] : memref<128x4000xf32, #tpu.memory_space<vmem>>, vector<128x4000xf32>
    %dot_general3A_1018 = arith.constant dense<0.000000e+00> : vector<128x64xf32>
    %dot_general3A_1019 = tpu.matmul %get3A_1017, %get3A_1014, %dot_general3A_1018 {dimension_numbers = #tpu.dot_dimension_numbers<[1], [0], [0], [1], [0, 0, 1, 1], [], []>, transpose_lhs_hint = false} : vector<128x4000xf32>, vector<4000x64xf32>, vector<128x64xf32> -> vector<128x64xf32>
    %tanh3A_1020 = math.tanh %dot_general3A_1019 : vector<128x64xf32>
    %transpose3A_1021 = tpu.transpose %tanh3A_1020, [1, 0] : vector<128x64xf32> -> vector<64x128xf32>
    %swap3A_1022 = arith.constant 0 : index
    %swap3A_1023 = arith.constant 20 : index
    %swap3A_1024 = arith.constant 0 : index
    %swap3A_1025 = arith.constant 0 : index
    %swap3A_1026 = vector.load %arg2[%swap3A_1022, %swap3A_1023, %swap3A_1024, %swap3A_1025] : memref<64x32x1x128xf32, #tpu.memory_space<vmem>>, vector<64x1x1x128xf32>
    %swap3A_1027 = vector.shape_cast %swap3A_1026 : vector<64x1x1x128xf32> to vector<64x128xf32>
    %swap3A_1028 = vector.shape_cast %transpose3A_1021 : vector<64x128xf32> to vector<64x1x1x128xf32>
    tpu.vector_store %arg2[%swap3A_1022, %swap3A_1023, %swap3A_1024, %swap3A_1025], %swap3A_1028 {strides = array<i32>} : memref<64x32x1x128xf32, #tpu.memory_space<vmem>>, vector<64x1x1x128xf32>,
    %dma_start3A_1029 = arith.constant 28 : i32
    %dma_start3A_1030 = arith.constant 4 : i32
    %dma_start3A_1031 = arith.constant 4 : i32
    %dma_start3A_1032 = tpu.memref_slice %arg4[%dma_start3A_1031] : memref<8x!tpu.dma_semaphore, #tpu.memory_space<semaphore_mem>> -> memref<1x!tpu.dma_semaphore, #tpu.memory_space<semaphore_mem>>
    %dma_start3A_1033 = tpu.memref_squeeze %dma_start3A_1032 : memref<1x!tpu.dma_semaphore, #tpu.memory_space<semaphore_mem>> -> memref<!tpu.dma_semaphore, #tpu.memory_space<semaphore_mem>>
    %dma_start3A_1034 = arith.constant 0 : i32
    %dma_start3A_1035 = arith.constant 0 : i32
    %dma_start3A_1036 = tpu.memref_slice %arg3[%dma_start3A_1030, %dma_start3A_1034, %dma_start3A_1035] : memref<8x4000x64xf32, #tpu.memory_space<vmem>> -> memref<1x4000x64xf32, #tpu.memory_space<vmem>>
    %dma_start3A_1037 = tpu.memref_squeeze %dma_start3A_1036 : memref<1x4000x64xf32, #tpu.memory_space<vmem>> -> memref<4000x64xf32, #tpu.memory_space<vmem>>
    %dma_start3A_1038 = arith.constant 0 : i32
    %dma_start3A_1039 = arith.constant 0 : i32
    %dma_start3A_1040 = tpu.memref_slice %arg0[%dma_start3A_1029, %dma_start3A_1038, %dma_start3A_1039] : memref<32x4000x64xf32, #tpu.memory_space<any>> -> memref<1x4000x64xf32, #tpu.memory_space<any>>
    %dma_start3A_1041 = tpu.memref_squeeze %dma_start3A_1040 : memref<1x4000x64xf32, #tpu.memory_space<any>> -> memref<4000x64xf32, #tpu.memory_space<any>>
    tpu.enqueue_dma source(%dma_start3A_1041 : memref<4000x64xf32, #tpu.memory_space<any>>) target(%dma_start3A_1037 : memref<4000x64xf32, #tpu.memory_space<vmem>>) target_semaphore(%dma_start3A_1033 : memref<!tpu.dma_semaphore, #tpu.memory_space<semaphore_mem>>)
    %dma_wait3A_1042 = arith.constant 21 : i32
    %dma_wait3A_1043 = arith.constant 5 : i32
    %dma_wait3A_1044 = arith.constant 5 : i32
    %dma_wait3A_1045 = tpu.memref_slice %arg4[%dma_wait3A_1044] : memref<8x!tpu.dma_semaphore, #tpu.memory_space<semaphore_mem>> -> memref<1x!tpu.dma_semaphore, #tpu.memory_space<semaphore_mem>>
    %dma_wait3A_1046 = tpu.memref_squeeze %dma_wait3A_1045 : memref<1x!tpu.dma_semaphore, #tpu.memory_space<semaphore_mem>> -> memref<!tpu.dma_semaphore, #tpu.memory_space<semaphore_mem>>
    %dma_wait3A_1047 = arith.constant 0 : i32
    %dma_wait3A_1048 = arith.constant 0 : i32
    %dma_wait3A_1049 = tpu.memref_slice %arg3[%dma_wait3A_1043, %dma_wait3A_1047, %dma_wait3A_1048] : memref<8x4000x64xf32, #tpu.memory_space<vmem>> -> memref<1x4000x64xf32, #tpu.memory_space<vmem>>
    %dma_wait3A_1050 = tpu.memref_squeeze %dma_wait3A_1049 : memref<1x4000x64xf32, #tpu.memory_space<vmem>> -> memref<4000x64xf32, #tpu.memory_space<vmem>>
    %dma_wait3A_1051 = arith.constant 0 : i32
    %dma_wait3A_1052 = arith.constant 0 : i32
    %dma_wait3A_1053 = tpu.memref_slice %arg0[%dma_wait3A_1042, %dma_wait3A_1051, %dma_wait3A_1052] : memref<32x4000x64xf32, #tpu.memory_space<any>> -> memref<1x4000x64xf32, #tpu.memory_space<any>>
    %dma_wait3A_1054 = tpu.memref_squeeze %dma_wait3A_1053 : memref<1x4000x64xf32, #tpu.memory_space<any>> -> memref<4000x64xf32, #tpu.memory_space<any>>
    tpu.wait_dma2 semaphore(%dma_wait3A_1046 : memref<!tpu.dma_semaphore, #tpu.memory_space<semaphore_mem>>) src(%dma_wait3A_1054 : memref<4000x64xf32, #tpu.memory_space<any>>) dst(%dma_wait3A_1050 : memref<4000x64xf32, #tpu.memory_space<vmem>>)
    %get3A_1055 = arith.constant 5 : index
    %get3A_1056 = arith.constant 0 : index
    %get3A_1057 = arith.constant 0 : index
    %get3A_1058 = vector.load %arg3[%get3A_1055, %get3A_1056, %get3A_1057] : memref<8x4000x64xf32, #tpu.memory_space<vmem>>, vector<1x4000x64xf32>
    %get3A_1059 = vector.shape_cast %get3A_1058 : vector<1x4000x64xf32> to vector<4000x64xf32>
    %get3A_1060 = arith.constant 0 : index
    %get3A_1061 = arith.constant 0 : index
    %get3A_1062 = vector.load %arg1[%get3A_1060, %get3A_1061] : memref<128x4000xf32, #tpu.memory_space<vmem>>, vector<128x4000xf32>
    %dot_general3A_1063 = arith.constant dense<0.000000e+00> : vector<128x64xf32>
    %dot_general3A_1064 = tpu.matmul %get3A_1062, %get3A_1059, %dot_general3A_1063 {dimension_numbers = #tpu.dot_dimension_numbers<[1], [0], [0], [1], [0, 0, 1, 1], [], []>, transpose_lhs_hint = false} : vector<128x4000xf32>, vector<4000x64xf32>, vector<128x64xf32> -> vector<128x64xf32>
    %tanh3A_1065 = math.tanh %dot_general3A_1064 : vector<128x64xf32>
    %transpose3A_1066 = tpu.transpose %tanh3A_1065, [1, 0] : vector<128x64xf32> -> vector<64x128xf32>
    %swap3A_1067 = arith.constant 0 : index
    %swap3A_1068 = arith.constant 21 : index
    %swap3A_1069 = arith.constant 0 : index
    %swap3A_1070 = arith.constant 0 : index
    %swap3A_1071 = vector.load %arg2[%swap3A_1067, %swap3A_1068, %swap3A_1069, %swap3A_1070] : memref<64x32x1x128xf32, #tpu.memory_space<vmem>>, vector<64x1x1x128xf32>
    %swap3A_1072 = vector.shape_cast %swap3A_1071 : vector<64x1x1x128xf32> to vector<64x128xf32>
    %swap3A_1073 = vector.shape_cast %transpose3A_1066 : vector<64x128xf32> to vector<64x1x1x128xf32>
    tpu.vector_store %arg2[%swap3A_1067, %swap3A_1068, %swap3A_1069, %swap3A_1070], %swap3A_1073 {strides = array<i32>} : memref<64x32x1x128xf32, #tpu.memory_space<vmem>>, vector<64x1x1x128xf32>,
    %dma_start3A_1074 = arith.constant 29 : i32
    %dma_start3A_1075 = arith.constant 5 : i32
    %dma_start3A_1076 = arith.constant 5 : i32
    %dma_start3A_1077 = tpu.memref_slice %arg4[%dma_start3A_1076] : memref<8x!tpu.dma_semaphore, #tpu.memory_space<semaphore_mem>> -> memref<1x!tpu.dma_semaphore, #tpu.memory_space<semaphore_mem>>
    %dma_start3A_1078 = tpu.memref_squeeze %dma_start3A_1077 : memref<1x!tpu.dma_semaphore, #tpu.memory_space<semaphore_mem>> -> memref<!tpu.dma_semaphore, #tpu.memory_space<semaphore_mem>>
    %dma_start3A_1079 = arith.constant 0 : i32
    %dma_start3A_1080 = arith.constant 0 : i32
    %dma_start3A_1081 = tpu.memref_slice %arg3[%dma_start3A_1075, %dma_start3A_1079, %dma_start3A_1080] : memref<8x4000x64xf32, #tpu.memory_space<vmem>> -> memref<1x4000x64xf32, #tpu.memory_space<vmem>>
    %dma_start3A_1082 = tpu.memref_squeeze %dma_start3A_1081 : memref<1x4000x64xf32, #tpu.memory_space<vmem>> -> memref<4000x64xf32, #tpu.memory_space<vmem>>
    %dma_start3A_1083 = arith.constant 0 : i32
    %dma_start3A_1084 = arith.constant 0 : i32
    %dma_start3A_1085 = tpu.memref_slice %arg0[%dma_start3A_1074, %dma_start3A_1083, %dma_start3A_1084] : memref<32x4000x64xf32, #tpu.memory_space<any>> -> memref<1x4000x64xf32, #tpu.memory_space<any>>
    %dma_start3A_1086 = tpu.memref_squeeze %dma_start3A_1085 : memref<1x4000x64xf32, #tpu.memory_space<any>> -> memref<4000x64xf32, #tpu.memory_space<any>>
    tpu.enqueue_dma source(%dma_start3A_1086 : memref<4000x64xf32, #tpu.memory_space<any>>) target(%dma_start3A_1082 : memref<4000x64xf32, #tpu.memory_space<vmem>>) target_semaphore(%dma_start3A_1078 : memref<!tpu.dma_semaphore, #tpu.memory_space<semaphore_mem>>)
    %dma_wait3A_1087 = arith.constant 22 : i32
    %dma_wait3A_1088 = arith.constant 6 : i32
    %dma_wait3A_1089 = arith.constant 6 : i32
    %dma_wait3A_1090 = tpu.memref_slice %arg4[%dma_wait3A_1089] : memref<8x!tpu.dma_semaphore, #tpu.memory_space<semaphore_mem>> -> memref<1x!tpu.dma_semaphore, #tpu.memory_space<semaphore_mem>>
    %dma_wait3A_1091 = tpu.memref_squeeze %dma_wait3A_1090 : memref<1x!tpu.dma_semaphore, #tpu.memory_space<semaphore_mem>> -> memref<!tpu.dma_semaphore, #tpu.memory_space<semaphore_mem>>
    %dma_wait3A_1092 = arith.constant 0 : i32
    %dma_wait3A_1093 = arith.constant 0 : i32
    %dma_wait3A_1094 = tpu.memref_slice %arg3[%dma_wait3A_1088, %dma_wait3A_1092, %dma_wait3A_1093] : memref<8x4000x64xf32, #tpu.memory_space<vmem>> -> memref<1x4000x64xf32, #tpu.memory_space<vmem>>
    %dma_wait3A_1095 = tpu.memref_squeeze %dma_wait3A_1094 : memref<1x4000x64xf32, #tpu.memory_space<vmem>> -> memref<4000x64xf32, #tpu.memory_space<vmem>>
    %dma_wait3A_1096 = arith.constant 0 : i32
    %dma_wait3A_1097 = arith.constant 0 : i32
    %dma_wait3A_1098 = tpu.memref_slice %arg0[%dma_wait3A_1087, %dma_wait3A_1096, %dma_wait3A_1097] : memref<32x4000x64xf32, #tpu.memory_space<any>> -> memref<1x4000x64xf32, #tpu.memory_space<any>>
    %dma_wait3A_1099 = tpu.memref_squeeze %dma_wait3A_1098 : memref<1x4000x64xf32, #tpu.memory_space<any>> -> memref<4000x64xf32, #tpu.memory_space<any>>
    tpu.wait_dma2 semaphore(%dma_wait3A_1091 : memref<!tpu.dma_semaphore, #tpu.memory_space<semaphore_mem>>) src(%dma_wait3A_1099 : memref<4000x64xf32, #tpu.memory_space<any>>) dst(%dma_wait3A_1095 : memref<4000x64xf32, #tpu.memory_space<vmem>>)
    %get3A_1100 = arith.constant 6 : index
    %get3A_1101 = arith.constant 0 : index
    %get3A_1102 = arith.constant 0 : index
    %get3A_1103 = vector.load %arg3[%get3A_1100, %get3A_1101, %get3A_1102] : memref<8x4000x64xf32, #tpu.memory_space<vmem>>, vector<1x4000x64xf32>
    %get3A_1104 = vector.shape_cast %get3A_1103 : vector<1x4000x64xf32> to vector<4000x64xf32>
    %get3A_1105 = arith.constant 0 : index
    %get3A_1106 = arith.constant 0 : index
    %get3A_1107 = vector.load %arg1[%get3A_1105, %get3A_1106] : memref<128x4000xf32, #tpu.memory_space<vmem>>, vector<128x4000xf32>
    %dot_general3A_1108 = arith.constant dense<0.000000e+00> : vector<128x64xf32>
    %dot_general3A_1109 = tpu.matmul %get3A_1107, %get3A_1104, %dot_general3A_1108 {dimension_numbers = #tpu.dot_dimension_numbers<[1], [0], [0], [1], [0, 0, 1, 1], [], []>, transpose_lhs_hint = false} : vector<128x4000xf32>, vector<4000x64xf32>, vector<128x64xf32> -> vector<128x64xf32>
    %tanh3A_1110 = math.tanh %dot_general3A_1109 : vector<128x64xf32>
    %transpose3A_1111 = tpu.transpose %tanh3A_1110, [1, 0] : vector<128x64xf32> -> vector<64x128xf32>
    %swap3A_1112 = arith.constant 0 : index
    %swap3A_1113 = arith.constant 22 : index
    %swap3A_1114 = arith.constant 0 : index
    %swap3A_1115 = arith.constant 0 : index
    %swap3A_1116 = vector.load %arg2[%swap3A_1112, %swap3A_1113, %swap3A_1114, %swap3A_1115] : memref<64x32x1x128xf32, #tpu.memory_space<vmem>>, vector<64x1x1x128xf32>
    %swap3A_1117 = vector.shape_cast %swap3A_1116 : vector<64x1x1x128xf32> to vector<64x128xf32>
    %swap3A_1118 = vector.shape_cast %transpose3A_1111 : vector<64x128xf32> to vector<64x1x1x128xf32>
    tpu.vector_store %arg2[%swap3A_1112, %swap3A_1113, %swap3A_1114, %swap3A_1115], %swap3A_1118 {strides = array<i32>} : memref<64x32x1x128xf32, #tpu.memory_space<vmem>>, vector<64x1x1x128xf32>,
    %dma_start3A_1119 = arith.constant 30 : i32
    %dma_start3A_1120 = arith.constant 6 : i32
    %dma_start3A_1121 = arith.constant 6 : i32
    %dma_start3A_1122 = tpu.memref_slice %arg4[%dma_start3A_1121] : memref<8x!tpu.dma_semaphore, #tpu.memory_space<semaphore_mem>> -> memref<1x!tpu.dma_semaphore, #tpu.memory_space<semaphore_mem>>
    %dma_start3A_1123 = tpu.memref_squeeze %dma_start3A_1122 : memref<1x!tpu.dma_semaphore, #tpu.memory_space<semaphore_mem>> -> memref<!tpu.dma_semaphore, #tpu.memory_space<semaphore_mem>>
    %dma_start3A_1124 = arith.constant 0 : i32
    %dma_start3A_1125 = arith.constant 0 : i32
    %dma_start3A_1126 = tpu.memref_slice %arg3[%dma_start3A_1120, %dma_start3A_1124, %dma_start3A_1125] : memref<8x4000x64xf32, #tpu.memory_space<vmem>> -> memref<1x4000x64xf32, #tpu.memory_space<vmem>>
    %dma_start3A_1127 = tpu.memref_squeeze %dma_start3A_1126 : memref<1x4000x64xf32, #tpu.memory_space<vmem>> -> memref<4000x64xf32, #tpu.memory_space<vmem>>
    %dma_start3A_1128 = arith.constant 0 : i32
    %dma_start3A_1129 = arith.constant 0 : i32
    %dma_start3A_1130 = tpu.memref_slice %arg0[%dma_start3A_1119, %dma_start3A_1128, %dma_start3A_1129] : memref<32x4000x64xf32, #tpu.memory_space<any>> -> memref<1x4000x64xf32, #tpu.memory_space<any>>
    %dma_start3A_1131 = tpu.memref_squeeze %dma_start3A_1130 : memref<1x4000x64xf32, #tpu.memory_space<any>> -> memref<4000x64xf32, #tpu.memory_space<any>>
    tpu.enqueue_dma source(%dma_start3A_1131 : memref<4000x64xf32, #tpu.memory_space<any>>) target(%dma_start3A_1127 : memref<4000x64xf32, #tpu.memory_space<vmem>>) target_semaphore(%dma_start3A_1123 : memref<!tpu.dma_semaphore, #tpu.memory_space<semaphore_mem>>)
    %dma_wait3A_1132 = arith.constant 23 : i32
    %dma_wait3A_1133 = arith.constant 7 : i32
    %dma_wait3A_1134 = arith.constant 7 : i32
    %dma_wait3A_1135 = tpu.memref_slice %arg4[%dma_wait3A_1134] : memref<8x!tpu.dma_semaphore, #tpu.memory_space<semaphore_mem>> -> memref<1x!tpu.dma_semaphore, #tpu.memory_space<semaphore_mem>>
    %dma_wait3A_1136 = tpu.memref_squeeze %dma_wait3A_1135 : memref<1x!tpu.dma_semaphore, #tpu.memory_space<semaphore_mem>> -> memref<!tpu.dma_semaphore, #tpu.memory_space<semaphore_mem>>
    %dma_wait3A_1137 = arith.constant 0 : i32
    %dma_wait3A_1138 = arith.constant 0 : i32
    %dma_wait3A_1139 = tpu.memref_slice %arg3[%dma_wait3A_1133, %dma_wait3A_1137, %dma_wait3A_1138] : memref<8x4000x64xf32, #tpu.memory_space<vmem>> -> memref<1x4000x64xf32, #tpu.memory_space<vmem>>
    %dma_wait3A_1140 = tpu.memref_squeeze %dma_wait3A_1139 : memref<1x4000x64xf32, #tpu.memory_space<vmem>> -> memref<4000x64xf32, #tpu.memory_space<vmem>>
    %dma_wait3A_1141 = arith.constant 0 : i32
    %dma_wait3A_1142 = arith.constant 0 : i32
    %dma_wait3A_1143 = tpu.memref_slice %arg0[%dma_wait3A_1132, %dma_wait3A_1141, %dma_wait3A_1142] : memref<32x4000x64xf32, #tpu.memory_space<any>> -> memref<1x4000x64xf32, #tpu.memory_space<any>>
    %dma_wait3A_1144 = tpu.memref_squeeze %dma_wait3A_1143 : memref<1x4000x64xf32, #tpu.memory_space<any>> -> memref<4000x64xf32, #tpu.memory_space<any>>
    tpu.wait_dma2 semaphore(%dma_wait3A_1136 : memref<!tpu.dma_semaphore, #tpu.memory_space<semaphore_mem>>) src(%dma_wait3A_1144 : memref<4000x64xf32, #tpu.memory_space<any>>) dst(%dma_wait3A_1140 : memref<4000x64xf32, #tpu.memory_space<vmem>>)
    %get3A_1145 = arith.constant 7 : index
    %get3A_1146 = arith.constant 0 : index
    %get3A_1147 = arith.constant 0 : index
    %get3A_1148 = vector.load %arg3[%get3A_1145, %get3A_1146, %get3A_1147] : memref<8x4000x64xf32, #tpu.memory_space<vmem>>, vector<1x4000x64xf32>
    %get3A_1149 = vector.shape_cast %get3A_1148 : vector<1x4000x64xf32> to vector<4000x64xf32>
    %get3A_1150 = arith.constant 0 : index
    %get3A_1151 = arith.constant 0 : index
    %get3A_1152 = vector.load %arg1[%get3A_1150, %get3A_1151] : memref<128x4000xf32, #tpu.memory_space<vmem>>, vector<128x4000xf32>
    %dot_general3A_1153 = arith.constant dense<0.000000e+00> : vector<128x64xf32>
    %dot_general3A_1154 = tpu.matmul %get3A_1152, %get3A_1149, %dot_general3A_1153 {dimension_numbers = #tpu.dot_dimension_numbers<[1], [0], [0], [1], [0, 0, 1, 1], [], []>, transpose_lhs_hint = false} : vector<128x4000xf32>, vector<4000x64xf32>, vector<128x64xf32> -> vector<128x64xf32>
    %tanh3A_1155 = math.tanh %dot_general3A_1154 : vector<128x64xf32>
    %transpose3A_1156 = tpu.transpose %tanh3A_1155, [1, 0] : vector<128x64xf32> -> vector<64x128xf32>
    %swap3A_1157 = arith.constant 0 : index
    %swap3A_1158 = arith.constant 23 : index
    %swap3A_1159 = arith.constant 0 : index
    %swap3A_1160 = arith.constant 0 : index
    %swap3A_1161 = vector.load %arg2[%swap3A_1157, %swap3A_1158, %swap3A_1159, %swap3A_1160] : memref<64x32x1x128xf32, #tpu.memory_space<vmem>>, vector<64x1x1x128xf32>
    %swap3A_1162 = vector.shape_cast %swap3A_1161 : vector<64x1x1x128xf32> to vector<64x128xf32>
    %swap3A_1163 = vector.shape_cast %transpose3A_1156 : vector<64x128xf32> to vector<64x1x1x128xf32>
    tpu.vector_store %arg2[%swap3A_1157, %swap3A_1158, %swap3A_1159, %swap3A_1160], %swap3A_1163 {strides = array<i32>} : memref<64x32x1x128xf32, #tpu.memory_space<vmem>>, vector<64x1x1x128xf32>,
    %dma_start3A_1164 = arith.constant 31 : i32
    %dma_start3A_1165 = arith.constant 7 : i32
    %dma_start3A_1166 = arith.constant 7 : i32
    %dma_start3A_1167 = tpu.memref_slice %arg4[%dma_start3A_1166] : memref<8x!tpu.dma_semaphore, #tpu.memory_space<semaphore_mem>> -> memref<1x!tpu.dma_semaphore, #tpu.memory_space<semaphore_mem>>
    %dma_start3A_1168 = tpu.memref_squeeze %dma_start3A_1167 : memref<1x!tpu.dma_semaphore, #tpu.memory_space<semaphore_mem>> -> memref<!tpu.dma_semaphore, #tpu.memory_space<semaphore_mem>>
    %dma_start3A_1169 = arith.constant 0 : i32
    %dma_start3A_1170 = arith.constant 0 : i32
    %dma_start3A_1171 = tpu.memref_slice %arg3[%dma_start3A_1165, %dma_start3A_1169, %dma_start3A_1170] : memref<8x4000x64xf32, #tpu.memory_space<vmem>> -> memref<1x4000x64xf32, #tpu.memory_space<vmem>>
    %dma_start3A_1172 = tpu.memref_squeeze %dma_start3A_1171 : memref<1x4000x64xf32, #tpu.memory_space<vmem>> -> memref<4000x64xf32, #tpu.memory_space<vmem>>
    %dma_start3A_1173 = arith.constant 0 : i32
    %dma_start3A_1174 = arith.constant 0 : i32
    %dma_start3A_1175 = tpu.memref_slice %arg0[%dma_start3A_1164, %dma_start3A_1173, %dma_start3A_1174] : memref<32x4000x64xf32, #tpu.memory_space<any>> -> memref<1x4000x64xf32, #tpu.memory_space<any>>
    %dma_start3A_1176 = tpu.memref_squeeze %dma_start3A_1175 : memref<1x4000x64xf32, #tpu.memory_space<any>> -> memref<4000x64xf32, #tpu.memory_space<any>>
    tpu.enqueue_dma source(%dma_start3A_1176 : memref<4000x64xf32, #tpu.memory_space<any>>) target(%dma_start3A_1172 : memref<4000x64xf32, #tpu.memory_space<vmem>>) target_semaphore(%dma_start3A_1168 : memref<!tpu.dma_semaphore, #tpu.memory_space<semaphore_mem>>)
    %dma_wait3A_1177 = arith.constant 24 : i32
    %dma_wait3A_1178 = arith.constant 0 : i32
    %dma_wait3A_1179 = arith.constant 0 : i32
    %dma_wait3A_1180 = tpu.memref_slice %arg4[%dma_wait3A_1179] : memref<8x!tpu.dma_semaphore, #tpu.memory_space<semaphore_mem>> -> memref<1x!tpu.dma_semaphore, #tpu.memory_space<semaphore_mem>>
    %dma_wait3A_1181 = tpu.memref_squeeze %dma_wait3A_1180 : memref<1x!tpu.dma_semaphore, #tpu.memory_space<semaphore_mem>> -> memref<!tpu.dma_semaphore, #tpu.memory_space<semaphore_mem>>
    %dma_wait3A_1182 = arith.constant 0 : i32
    %dma_wait3A_1183 = arith.constant 0 : i32
    %dma_wait3A_1184 = tpu.memref_slice %arg3[%dma_wait3A_1178, %dma_wait3A_1182, %dma_wait3A_1183] : memref<8x4000x64xf32, #tpu.memory_space<vmem>> -> memref<1x4000x64xf32, #tpu.memory_space<vmem>>
    %dma_wait3A_1185 = tpu.memref_squeeze %dma_wait3A_1184 : memref<1x4000x64xf32, #tpu.memory_space<vmem>> -> memref<4000x64xf32, #tpu.memory_space<vmem>>
    %dma_wait3A_1186 = arith.constant 0 : i32
    %dma_wait3A_1187 = arith.constant 0 : i32
    %dma_wait3A_1188 = tpu.memref_slice %arg0[%dma_wait3A_1177, %dma_wait3A_1186, %dma_wait3A_1187] : memref<32x4000x64xf32, #tpu.memory_space<any>> -> memref<1x4000x64xf32, #tpu.memory_space<any>>
    %dma_wait3A_1189 = tpu.memref_squeeze %dma_wait3A_1188 : memref<1x4000x64xf32, #tpu.memory_space<any>> -> memref<4000x64xf32, #tpu.memory_space<any>>
    tpu.wait_dma2 semaphore(%dma_wait3A_1181 : memref<!tpu.dma_semaphore, #tpu.memory_space<semaphore_mem>>) src(%dma_wait3A_1189 : memref<4000x64xf32, #tpu.memory_space<any>>) dst(%dma_wait3A_1185 : memref<4000x64xf32, #tpu.memory_space<vmem>>)
    %get3A_1190 = arith.constant 0 : index
    %get3A_1191 = arith.constant 0 : index
    %get3A_1192 = arith.constant 0 : index
    %get3A_1193 = vector.load %arg3[%get3A_1190, %get3A_1191, %get3A_1192] : memref<8x4000x64xf32, #tpu.memory_space<vmem>>, vector<1x4000x64xf32>
    %get3A_1194 = vector.shape_cast %get3A_1193 : vector<1x4000x64xf32> to vector<4000x64xf32>
    %get3A_1195 = arith.constant 0 : index
    %get3A_1196 = arith.constant 0 : index
    %get3A_1197 = vector.load %arg1[%get3A_1195, %get3A_1196] : memref<128x4000xf32, #tpu.memory_space<vmem>>, vector<128x4000xf32>
    %dot_general3A_1198 = arith.constant dense<0.000000e+00> : vector<128x64xf32>
    %dot_general3A_1199 = tpu.matmul %get3A_1197, %get3A_1194, %dot_general3A_1198 {dimension_numbers = #tpu.dot_dimension_numbers<[1], [0], [0], [1], [0, 0, 1, 1], [], []>, transpose_lhs_hint = false} : vector<128x4000xf32>, vector<4000x64xf32>, vector<128x64xf32> -> vector<128x64xf32>
    %tanh3A_1200 = math.tanh %dot_general3A_1199 : vector<128x64xf32>
    %transpose3A_1201 = tpu.transpose %tanh3A_1200, [1, 0] : vector<128x64xf32> -> vector<64x128xf32>
    %swap3A_1202 = arith.constant 0 : index
    %swap3A_1203 = arith.constant 24 : index
    %swap3A_1204 = arith.constant 0 : index
    %swap3A_1205 = arith.constant 0 : index
    %swap3A_1206 = vector.load %arg2[%swap3A_1202, %swap3A_1203, %swap3A_1204, %swap3A_1205] : memref<64x32x1x128xf32, #tpu.memory_space<vmem>>, vector<64x1x1x128xf32>
    %swap3A_1207 = vector.shape_cast %swap3A_1206 : vector<64x1x1x128xf32> to vector<64x128xf32>
    %swap3A_1208 = vector.shape_cast %transpose3A_1201 : vector<64x128xf32> to vector<64x1x1x128xf32>
    tpu.vector_store %arg2[%swap3A_1202, %swap3A_1203, %swap3A_1204, %swap3A_1205], %swap3A_1208 {strides = array<i32>} : memref<64x32x1x128xf32, #tpu.memory_space<vmem>>, vector<64x1x1x128xf32>,
    %dma_wait3A_1209 = arith.constant 25 : i32
    %dma_wait3A_1210 = arith.constant 1 : i32
    %dma_wait3A_1211 = arith.constant 1 : i32
    %dma_wait3A_1212 = tpu.memref_slice %arg4[%dma_wait3A_1211] : memref<8x!tpu.dma_semaphore, #tpu.memory_space<semaphore_mem>> -> memref<1x!tpu.dma_semaphore, #tpu.memory_space<semaphore_mem>>
    %dma_wait3A_1213 = tpu.memref_squeeze %dma_wait3A_1212 : memref<1x!tpu.dma_semaphore, #tpu.memory_space<semaphore_mem>> -> memref<!tpu.dma_semaphore, #tpu.memory_space<semaphore_mem>>
    %dma_wait3A_1214 = arith.constant 0 : i32
    %dma_wait3A_1215 = arith.constant 0 : i32
    %dma_wait3A_1216 = tpu.memref_slice %arg3[%dma_wait3A_1210, %dma_wait3A_1214, %dma_wait3A_1215] : memref<8x4000x64xf32, #tpu.memory_space<vmem>> -> memref<1x4000x64xf32, #tpu.memory_space<vmem>>
    %dma_wait3A_1217 = tpu.memref_squeeze %dma_wait3A_1216 : memref<1x4000x64xf32, #tpu.memory_space<vmem>> -> memref<4000x64xf32, #tpu.memory_space<vmem>>
    %dma_wait3A_1218 = arith.constant 0 : i32
    %dma_wait3A_1219 = arith.constant 0 : i32
    %dma_wait3A_1220 = tpu.memref_slice %arg0[%dma_wait3A_1209, %dma_wait3A_1218, %dma_wait3A_1219] : memref<32x4000x64xf32, #tpu.memory_space<any>> -> memref<1x4000x64xf32, #tpu.memory_space<any>>
    %dma_wait3A_1221 = tpu.memref_squeeze %dma_wait3A_1220 : memref<1x4000x64xf32, #tpu.memory_space<any>> -> memref<4000x64xf32, #tpu.memory_space<any>>
    tpu.wait_dma2 semaphore(%dma_wait3A_1213 : memref<!tpu.dma_semaphore, #tpu.memory_space<semaphore_mem>>) src(%dma_wait3A_1221 : memref<4000x64xf32, #tpu.memory_space<any>>) dst(%dma_wait3A_1217 : memref<4000x64xf32, #tpu.memory_space<vmem>>)
    %get3A_1222 = arith.constant 1 : index
    %get3A_1223 = arith.constant 0 : index
    %get3A_1224 = arith.constant 0 : index
    %get3A_1225 = vector.load %arg3[%get3A_1222, %get3A_1223, %get3A_1224] : memref<8x4000x64xf32, #tpu.memory_space<vmem>>, vector<1x4000x64xf32>
    %get3A_1226 = vector.shape_cast %get3A_1225 : vector<1x4000x64xf32> to vector<4000x64xf32>
    %get3A_1227 = arith.constant 0 : index
    %get3A_1228 = arith.constant 0 : index
    %get3A_1229 = vector.load %arg1[%get3A_1227, %get3A_1228] : memref<128x4000xf32, #tpu.memory_space<vmem>>, vector<128x4000xf32>
    %dot_general3A_1230 = arith.constant dense<0.000000e+00> : vector<128x64xf32>
    %dot_general3A_1231 = tpu.matmul %get3A_1229, %get3A_1226, %dot_general3A_1230 {dimension_numbers = #tpu.dot_dimension_numbers<[1], [0], [0], [1], [0, 0, 1, 1], [], []>, transpose_lhs_hint = false} : vector<128x4000xf32>, vector<4000x64xf32>, vector<128x64xf32> -> vector<128x64xf32>
    %tanh3A_1232 = math.tanh %dot_general3A_1231 : vector<128x64xf32>
    %transpose3A_1233 = tpu.transpose %tanh3A_1232, [1, 0] : vector<128x64xf32> -> vector<64x128xf32>
    %swap3A_1234 = arith.constant 0 : index
    %swap3A_1235 = arith.constant 25 : index
    %swap3A_1236 = arith.constant 0 : index
    %swap3A_1237 = arith.constant 0 : index
    %swap3A_1238 = vector.load %arg2[%swap3A_1234, %swap3A_1235, %swap3A_1236, %swap3A_1237] : memref<64x32x1x128xf32, #tpu.memory_space<vmem>>, vector<64x1x1x128xf32>
    %swap3A_1239 = vector.shape_cast %swap3A_1238 : vector<64x1x1x128xf32> to vector<64x128xf32>
    %swap3A_1240 = vector.shape_cast %transpose3A_1233 : vector<64x128xf32> to vector<64x1x1x128xf32>
    tpu.vector_store %arg2[%swap3A_1234, %swap3A_1235, %swap3A_1236, %swap3A_1237], %swap3A_1240 {strides = array<i32>} : memref<64x32x1x128xf32, #tpu.memory_space<vmem>>, vector<64x1x1x128xf32>,
    %dma_wait3A_1241 = arith.constant 26 : i32
    %dma_wait3A_1242 = arith.constant 2 : i32
    %dma_wait3A_1243 = arith.constant 2 : i32
    %dma_wait3A_1244 = tpu.memref_slice %arg4[%dma_wait3A_1243] : memref<8x!tpu.dma_semaphore, #tpu.memory_space<semaphore_mem>> -> memref<1x!tpu.dma_semaphore, #tpu.memory_space<semaphore_mem>>
    %dma_wait3A_1245 = tpu.memref_squeeze %dma_wait3A_1244 : memref<1x!tpu.dma_semaphore, #tpu.memory_space<semaphore_mem>> -> memref<!tpu.dma_semaphore, #tpu.memory_space<semaphore_mem>>
    %dma_wait3A_1246 = arith.constant 0 : i32
    %dma_wait3A_1247 = arith.constant 0 : i32
    %dma_wait3A_1248 = tpu.memref_slice %arg3[%dma_wait3A_1242, %dma_wait3A_1246, %dma_wait3A_1247] : memref<8x4000x64xf32, #tpu.memory_space<vmem>> -> memref<1x4000x64xf32, #tpu.memory_space<vmem>>
    %dma_wait3A_1249 = tpu.memref_squeeze %dma_wait3A_1248 : memref<1x4000x64xf32, #tpu.memory_space<vmem>> -> memref<4000x64xf32, #tpu.memory_space<vmem>>
    %dma_wait3A_1250 = arith.constant 0 : i32
    %dma_wait3A_1251 = arith.constant 0 : i32
    %dma_wait3A_1252 = tpu.memref_slice %arg0[%dma_wait3A_1241, %dma_wait3A_1250, %dma_wait3A_1251] : memref<32x4000x64xf32, #tpu.memory_space<any>> -> memref<1x4000x64xf32, #tpu.memory_space<any>>
    %dma_wait3A_1253 = tpu.memref_squeeze %dma_wait3A_1252 : memref<1x4000x64xf32, #tpu.memory_space<any>> -> memref<4000x64xf32, #tpu.memory_space<any>>
    tpu.wait_dma2 semaphore(%dma_wait3A_1245 : memref<!tpu.dma_semaphore, #tpu.memory_space<semaphore_mem>>) src(%dma_wait3A_1253 : memref<4000x64xf32, #tpu.memory_space<any>>) dst(%dma_wait3A_1249 : memref<4000x64xf32, #tpu.memory_space<vmem>>)
    %get3A_1254 = arith.constant 2 : index
    %get3A_1255 = arith.constant 0 : index
    %get3A_1256 = arith.constant 0 : index
    %get3A_1257 = vector.load %arg3[%get3A_1254, %get3A_1255, %get3A_1256] : memref<8x4000x64xf32, #tpu.memory_space<vmem>>, vector<1x4000x64xf32>
    %get3A_1258 = vector.shape_cast %get3A_1257 : vector<1x4000x64xf32> to vector<4000x64xf32>
    %get3A_1259 = arith.constant 0 : index
    %get3A_1260 = arith.constant 0 : index
    %get3A_1261 = vector.load %arg1[%get3A_1259, %get3A_1260] : memref<128x4000xf32, #tpu.memory_space<vmem>>, vector<128x4000xf32>
    %dot_general3A_1262 = arith.constant dense<0.000000e+00> : vector<128x64xf32>
    %dot_general3A_1263 = tpu.matmul %get3A_1261, %get3A_1258, %dot_general3A_1262 {dimension_numbers = #tpu.dot_dimension_numbers<[1], [0], [0], [1], [0, 0, 1, 1], [], []>, transpose_lhs_hint = false} : vector<128x4000xf32>, vector<4000x64xf32>, vector<128x64xf32> -> vector<128x64xf32>
    %tanh3A_1264 = math.tanh %dot_general3A_1263 : vector<128x64xf32>
    %transpose3A_1265 = tpu.transpose %tanh3A_1264, [1, 0] : vector<128x64xf32> -> vector<64x128xf32>
    %swap3A_1266 = arith.constant 0 : index
    %swap3A_1267 = arith.constant 26 : index
    %swap3A_1268 = arith.constant 0 : index
    %swap3A_1269 = arith.constant 0 : index
    %swap3A_1270 = vector.load %arg2[%swap3A_1266, %swap3A_1267, %swap3A_1268, %swap3A_1269] : memref<64x32x1x128xf32, #tpu.memory_space<vmem>>, vector<64x1x1x128xf32>
    %swap3A_1271 = vector.shape_cast %swap3A_1270 : vector<64x1x1x128xf32> to vector<64x128xf32>
    %swap3A_1272 = vector.shape_cast %transpose3A_1265 : vector<64x128xf32> to vector<64x1x1x128xf32>
    tpu.vector_store %arg2[%swap3A_1266, %swap3A_1267, %swap3A_1268, %swap3A_1269], %swap3A_1272 {strides = array<i32>} : memref<64x32x1x128xf32, #tpu.memory_space<vmem>>, vector<64x1x1x128xf32>,
    %dma_wait3A_1273 = arith.constant 27 : i32
    %dma_wait3A_1274 = arith.constant 3 : i32
    %dma_wait3A_1275 = arith.constant 3 : i32
    %dma_wait3A_1276 = tpu.memref_slice %arg4[%dma_wait3A_1275] : memref<8x!tpu.dma_semaphore, #tpu.memory_space<semaphore_mem>> -> memref<1x!tpu.dma_semaphore, #tpu.memory_space<semaphore_mem>>
    %dma_wait3A_1277 = tpu.memref_squeeze %dma_wait3A_1276 : memref<1x!tpu.dma_semaphore, #tpu.memory_space<semaphore_mem>> -> memref<!tpu.dma_semaphore, #tpu.memory_space<semaphore_mem>>
    %dma_wait3A_1278 = arith.constant 0 : i32
    %dma_wait3A_1279 = arith.constant 0 : i32
    %dma_wait3A_1280 = tpu.memref_slice %arg3[%dma_wait3A_1274, %dma_wait3A_1278, %dma_wait3A_1279] : memref<8x4000x64xf32, #tpu.memory_space<vmem>> -> memref<1x4000x64xf32, #tpu.memory_space<vmem>>
    %dma_wait3A_1281 = tpu.memref_squeeze %dma_wait3A_1280 : memref<1x4000x64xf32, #tpu.memory_space<vmem>> -> memref<4000x64xf32, #tpu.memory_space<vmem>>
    %dma_wait3A_1282 = arith.constant 0 : i32
    %dma_wait3A_1283 = arith.constant 0 : i32
    %dma_wait3A_1284 = tpu.memref_slice %arg0[%dma_wait3A_1273, %dma_wait3A_1282, %dma_wait3A_1283] : memref<32x4000x64xf32, #tpu.memory_space<any>> -> memref<1x4000x64xf32, #tpu.memory_space<any>>
    %dma_wait3A_1285 = tpu.memref_squeeze %dma_wait3A_1284 : memref<1x4000x64xf32, #tpu.memory_space<any>> -> memref<4000x64xf32, #tpu.memory_space<any>>
    tpu.wait_dma2 semaphore(%dma_wait3A_1277 : memref<!tpu.dma_semaphore, #tpu.memory_space<semaphore_mem>>) src(%dma_wait3A_1285 : memref<4000x64xf32, #tpu.memory_space<any>>) dst(%dma_wait3A_1281 : memref<4000x64xf32, #tpu.memory_space<vmem>>)
    %get3A_1286 = arith.constant 3 : index
    %get3A_1287 = arith.constant 0 : index
    %get3A_1288 = arith.constant 0 : index
    %get3A_1289 = vector.load %arg3[%get3A_1286, %get3A_1287, %get3A_1288] : memref<8x4000x64xf32, #tpu.memory_space<vmem>>, vector<1x4000x64xf32>
    %get3A_1290 = vector.shape_cast %get3A_1289 : vector<1x4000x64xf32> to vector<4000x64xf32>
    %get3A_1291 = arith.constant 0 : index
    %get3A_1292 = arith.constant 0 : index
    %get3A_1293 = vector.load %arg1[%get3A_1291, %get3A_1292] : memref<128x4000xf32, #tpu.memory_space<vmem>>, vector<128x4000xf32>
    %dot_general3A_1294 = arith.constant dense<0.000000e+00> : vector<128x64xf32>
    %dot_general3A_1295 = tpu.matmul %get3A_1293, %get3A_1290, %dot_general3A_1294 {dimension_numbers = #tpu.dot_dimension_numbers<[1], [0], [0], [1], [0, 0, 1, 1], [], []>, transpose_lhs_hint = false} : vector<128x4000xf32>, vector<4000x64xf32>, vector<128x64xf32> -> vector<128x64xf32>
    %tanh3A_1296 = math.tanh %dot_general3A_1295 : vector<128x64xf32>
    %transpose3A_1297 = tpu.transpose %tanh3A_1296, [1, 0] : vector<128x64xf32> -> vector<64x128xf32>
    %swap3A_1298 = arith.constant 0 : index
    %swap3A_1299 = arith.constant 27 : index
    %swap3A_1300 = arith.constant 0 : index
    %swap3A_1301 = arith.constant 0 : index
    %swap3A_1302 = vector.load %arg2[%swap3A_1298, %swap3A_1299, %swap3A_1300, %swap3A_1301] : memref<64x32x1x128xf32, #tpu.memory_space<vmem>>, vector<64x1x1x128xf32>
    %swap3A_1303 = vector.shape_cast %swap3A_1302 : vector<64x1x1x128xf32> to vector<64x128xf32>
    %swap3A_1304 = vector.shape_cast %transpose3A_1297 : vector<64x128xf32> to vector<64x1x1x128xf32>
    tpu.vector_store %arg2[%swap3A_1298, %swap3A_1299, %swap3A_1300, %swap3A_1301], %swap3A_1304 {strides = array<i32>} : memref<64x32x1x128xf32, #tpu.memory_space<vmem>>, vector<64x1x1x128xf32>,
    %dma_wait3A_1305 = arith.constant 28 : i32
    %dma_wait3A_1306 = arith.constant 4 : i32
    %dma_wait3A_1307 = arith.constant 4 : i32
    %dma_wait3A_1308 = tpu.memref_slice %arg4[%dma_wait3A_1307] : memref<8x!tpu.dma_semaphore, #tpu.memory_space<semaphore_mem>> -> memref<1x!tpu.dma_semaphore, #tpu.memory_space<semaphore_mem>>
    %dma_wait3A_1309 = tpu.memref_squeeze %dma_wait3A_1308 : memref<1x!tpu.dma_semaphore, #tpu.memory_space<semaphore_mem>> -> memref<!tpu.dma_semaphore, #tpu.memory_space<semaphore_mem>>
    %dma_wait3A_1310 = arith.constant 0 : i32
    %dma_wait3A_1311 = arith.constant 0 : i32
    %dma_wait3A_1312 = tpu.memref_slice %arg3[%dma_wait3A_1306, %dma_wait3A_1310, %dma_wait3A_1311] : memref<8x4000x64xf32, #tpu.memory_space<vmem>> -> memref<1x4000x64xf32, #tpu.memory_space<vmem>>
    %dma_wait3A_1313 = tpu.memref_squeeze %dma_wait3A_1312 : memref<1x4000x64xf32, #tpu.memory_space<vmem>> -> memref<4000x64xf32, #tpu.memory_space<vmem>>
    %dma_wait3A_1314 = arith.constant 0 : i32
    %dma_wait3A_1315 = arith.constant 0 : i32
    %dma_wait3A_1316 = tpu.memref_slice %arg0[%dma_wait3A_1305, %dma_wait3A_1314, %dma_wait3A_1315] : memref<32x4000x64xf32, #tpu.memory_space<any>> -> memref<1x4000x64xf32, #tpu.memory_space<any>>
    %dma_wait3A_1317 = tpu.memref_squeeze %dma_wait3A_1316 : memref<1x4000x64xf32, #tpu.memory_space<any>> -> memref<4000x64xf32, #tpu.memory_space<any>>
    tpu.wait_dma2 semaphore(%dma_wait3A_1309 : memref<!tpu.dma_semaphore, #tpu.memory_space<semaphore_mem>>) src(%dma_wait3A_1317 : memref<4000x64xf32, #tpu.memory_space<any>>) dst(%dma_wait3A_1313 : memref<4000x64xf32, #tpu.memory_space<vmem>>)
    %get3A_1318 = arith.constant 4 : index
    %get3A_1319 = arith.constant 0 : index
    %get3A_1320 = arith.constant 0 : index
    %get3A_1321 = vector.load %arg3[%get3A_1318, %get3A_1319, %get3A_1320] : memref<8x4000x64xf32, #tpu.memory_space<vmem>>, vector<1x4000x64xf32>
    %get3A_1322 = vector.shape_cast %get3A_1321 : vector<1x4000x64xf32> to vector<4000x64xf32>
    %get3A_1323 = arith.constant 0 : index
    %get3A_1324 = arith.constant 0 : index
    %get3A_1325 = vector.load %arg1[%get3A_1323, %get3A_1324] : memref<128x4000xf32, #tpu.memory_space<vmem>>, vector<128x4000xf32>
    %dot_general3A_1326 = arith.constant dense<0.000000e+00> : vector<128x64xf32>
    %dot_general3A_1327 = tpu.matmul %get3A_1325, %get3A_1322, %dot_general3A_1326 {dimension_numbers = #tpu.dot_dimension_numbers<[1], [0], [0], [1], [0, 0, 1, 1], [], []>, transpose_lhs_hint = false} : vector<128x4000xf32>, vector<4000x64xf32>, vector<128x64xf32> -> vector<128x64xf32>
    %tanh3A_1328 = math.tanh %dot_general3A_1327 : vector<128x64xf32>
    %transpose3A_1329 = tpu.transpose %tanh3A_1328, [1, 0] : vector<128x64xf32> -> vector<64x128xf32>
    %swap3A_1330 = arith.constant 0 : index
    %swap3A_1331 = arith.constant 28 : index
    %swap3A_1332 = arith.constant 0 : index
    %swap3A_1333 = arith.constant 0 : index
    %swap3A_1334 = vector.load %arg2[%swap3A_1330, %swap3A_1331, %swap3A_1332, %swap3A_1333] : memref<64x32x1x128xf32, #tpu.memory_space<vmem>>, vector<64x1x1x128xf32>
    %swap3A_1335 = vector.shape_cast %swap3A_1334 : vector<64x1x1x128xf32> to vector<64x128xf32>
    %swap3A_1336 = vector.shape_cast %transpose3A_1329 : vector<64x128xf32> to vector<64x1x1x128xf32>
    tpu.vector_store %arg2[%swap3A_1330, %swap3A_1331, %swap3A_1332, %swap3A_1333], %swap3A_1336 {strides = array<i32>} : memref<64x32x1x128xf32, #tpu.memory_space<vmem>>, vector<64x1x1x128xf32>,
    %dma_wait3A_1337 = arith.constant 29 : i32
    %dma_wait3A_1338 = arith.constant 5 : i32
    %dma_wait3A_1339 = arith.constant 5 : i32
    %dma_wait3A_1340 = tpu.memref_slice %arg4[%dma_wait3A_1339] : memref<8x!tpu.dma_semaphore, #tpu.memory_space<semaphore_mem>> -> memref<1x!tpu.dma_semaphore, #tpu.memory_space<semaphore_mem>>
    %dma_wait3A_1341 = tpu.memref_squeeze %dma_wait3A_1340 : memref<1x!tpu.dma_semaphore, #tpu.memory_space<semaphore_mem>> -> memref<!tpu.dma_semaphore, #tpu.memory_space<semaphore_mem>>
    %dma_wait3A_1342 = arith.constant 0 : i32
    %dma_wait3A_1343 = arith.constant 0 : i32
    %dma_wait3A_1344 = tpu.memref_slice %arg3[%dma_wait3A_1338, %dma_wait3A_1342, %dma_wait3A_1343] : memref<8x4000x64xf32, #tpu.memory_space<vmem>> -> memref<1x4000x64xf32, #tpu.memory_space<vmem>>
    %dma_wait3A_1345 = tpu.memref_squeeze %dma_wait3A_1344 : memref<1x4000x64xf32, #tpu.memory_space<vmem>> -> memref<4000x64xf32, #tpu.memory_space<vmem>>
    %dma_wait3A_1346 = arith.constant 0 : i32
    %dma_wait3A_1347 = arith.constant 0 : i32
    %dma_wait3A_1348 = tpu.memref_slice %arg0[%dma_wait3A_1337, %dma_wait3A_1346, %dma_wait3A_1347] : memref<32x4000x64xf32, #tpu.memory_space<any>> -> memref<1x4000x64xf32, #tpu.memory_space<any>>
    %dma_wait3A_1349 = tpu.memref_squeeze %dma_wait3A_1348 : memref<1x4000x64xf32, #tpu.memory_space<any>> -> memref<4000x64xf32, #tpu.memory_space<any>>
    tpu.wait_dma2 semaphore(%dma_wait3A_1341 : memref<!tpu.dma_semaphore, #tpu.memory_space<semaphore_mem>>) src(%dma_wait3A_1349 : memref<4000x64xf32, #tpu.memory_space<any>>) dst(%dma_wait3A_1345 : memref<4000x64xf32, #tpu.memory_space<vmem>>)
    %get3A_1350 = arith.constant 5 : index
    %get3A_1351 = arith.constant 0 : index
    %get3A_1352 = arith.constant 0 : index
    %get3A_1353 = vector.load %arg3[%get3A_1350, %get3A_1351, %get3A_1352] : memref<8x4000x64xf32, #tpu.memory_space<vmem>>, vector<1x4000x64xf32>
    %get3A_1354 = vector.shape_cast %get3A_1353 : vector<1x4000x64xf32> to vector<4000x64xf32>
    %get3A_1355 = arith.constant 0 : index
    %get3A_1356 = arith.constant 0 : index
    %get3A_1357 = vector.load %arg1[%get3A_1355, %get3A_1356] : memref<128x4000xf32, #tpu.memory_space<vmem>>, vector<128x4000xf32>
    %dot_general3A_1358 = arith.constant dense<0.000000e+00> : vector<128x64xf32>
    %dot_general3A_1359 = tpu.matmul %get3A_1357, %get3A_1354, %dot_general3A_1358 {dimension_numbers = #tpu.dot_dimension_numbers<[1], [0], [0], [1], [0, 0, 1, 1], [], []>, transpose_lhs_hint = false} : vector<128x4000xf32>, vector<4000x64xf32>, vector<128x64xf32> -> vector<128x64xf32>
    %tanh3A_1360 = math.tanh %dot_general3A_1359 : vector<128x64xf32>
    %transpose3A_1361 = tpu.transpose %tanh3A_1360, [1, 0] : vector<128x64xf32> -> vector<64x128xf32>
    %swap3A_1362 = arith.constant 0 : index
    %swap3A_1363 = arith.constant 29 : index
    %swap3A_1364 = arith.constant 0 : index
    %swap3A_1365 = arith.constant 0 : index
    %swap3A_1366 = vector.load %arg2[%swap3A_1362, %swap3A_1363, %swap3A_1364, %swap3A_1365] : memref<64x32x1x128xf32, #tpu.memory_space<vmem>>, vector<64x1x1x128xf32>
    %swap3A_1367 = vector.shape_cast %swap3A_1366 : vector<64x1x1x128xf32> to vector<64x128xf32>
    %swap3A_1368 = vector.shape_cast %transpose3A_1361 : vector<64x128xf32> to vector<64x1x1x128xf32>
    tpu.vector_store %arg2[%swap3A_1362, %swap3A_1363, %swap3A_1364, %swap3A_1365], %swap3A_1368 {strides = array<i32>} : memref<64x32x1x128xf32, #tpu.memory_space<vmem>>, vector<64x1x1x128xf32>,
    %dma_wait3A_1369 = arith.constant 30 : i32
    %dma_wait3A_1370 = arith.constant 6 : i32
    %dma_wait3A_1371 = arith.constant 6 : i32
    %dma_wait3A_1372 = tpu.memref_slice %arg4[%dma_wait3A_1371] : memref<8x!tpu.dma_semaphore, #tpu.memory_space<semaphore_mem>> -> memref<1x!tpu.dma_semaphore, #tpu.memory_space<semaphore_mem>>
    %dma_wait3A_1373 = tpu.memref_squeeze %dma_wait3A_1372 : memref<1x!tpu.dma_semaphore, #tpu.memory_space<semaphore_mem>> -> memref<!tpu.dma_semaphore, #tpu.memory_space<semaphore_mem>>
    %dma_wait3A_1374 = arith.constant 0 : i32
    %dma_wait3A_1375 = arith.constant 0 : i32
    %dma_wait3A_1376 = tpu.memref_slice %arg3[%dma_wait3A_1370, %dma_wait3A_1374, %dma_wait3A_1375] : memref<8x4000x64xf32, #tpu.memory_space<vmem>> -> memref<1x4000x64xf32, #tpu.memory_space<vmem>>
    %dma_wait3A_1377 = tpu.memref_squeeze %dma_wait3A_1376 : memref<1x4000x64xf32, #tpu.memory_space<vmem>> -> memref<4000x64xf32, #tpu.memory_space<vmem>>
    %dma_wait3A_1378 = arith.constant 0 : i32
    %dma_wait3A_1379 = arith.constant 0 : i32
    %dma_wait3A_1380 = tpu.memref_slice %arg0[%dma_wait3A_1369, %dma_wait3A_1378, %dma_wait3A_1379] : memref<32x4000x64xf32, #tpu.memory_space<any>> -> memref<1x4000x64xf32, #tpu.memory_space<any>>
    %dma_wait3A_1381 = tpu.memref_squeeze %dma_wait3A_1380 : memref<1x4000x64xf32, #tpu.memory_space<any>> -> memref<4000x64xf32, #tpu.memory_space<any>>
    tpu.wait_dma2 semaphore(%dma_wait3A_1373 : memref<!tpu.dma_semaphore, #tpu.memory_space<semaphore_mem>>) src(%dma_wait3A_1381 : memref<4000x64xf32, #tpu.memory_space<any>>) dst(%dma_wait3A_1377 : memref<4000x64xf32, #tpu.memory_space<vmem>>)
    %get3A_1382 = arith.constant 6 : index
    %get3A_1383 = arith.constant 0 : index
    %get3A_1384 = arith.constant 0 : index
    %get3A_1385 = vector.load %arg3[%get3A_1382, %get3A_1383, %get3A_1384] : memref<8x4000x64xf32, #tpu.memory_space<vmem>>, vector<1x4000x64xf32>
    %get3A_1386 = vector.shape_cast %get3A_1385 : vector<1x4000x64xf32> to vector<4000x64xf32>
    %get3A_1387 = arith.constant 0 : index
    %get3A_1388 = arith.constant 0 : index
    %get3A_1389 = vector.load %arg1[%get3A_1387, %get3A_1388] : memref<128x4000xf32, #tpu.memory_space<vmem>>, vector<128x4000xf32>
    %dot_general3A_1390 = arith.constant dense<0.000000e+00> : vector<128x64xf32>
    %dot_general3A_1391 = tpu.matmul %get3A_1389, %get3A_1386, %dot_general3A_1390 {dimension_numbers = #tpu.dot_dimension_numbers<[1], [0], [0], [1], [0, 0, 1, 1], [], []>, transpose_lhs_hint = false} : vector<128x4000xf32>, vector<4000x64xf32>, vector<128x64xf32> -> vector<128x64xf32>
    %tanh3A_1392 = math.tanh %dot_general3A_1391 : vector<128x64xf32>
    %transpose3A_1393 = tpu.transpose %tanh3A_1392, [1, 0] : vector<128x64xf32> -> vector<64x128xf32>
    %swap3A_1394 = arith.constant 0 : index
    %swap3A_1395 = arith.constant 30 : index
    %swap3A_1396 = arith.constant 0 : index
    %swap3A_1397 = arith.constant 0 : index
    %swap3A_1398 = vector.load %arg2[%swap3A_1394, %swap3A_1395, %swap3A_1396, %swap3A_1397] : memref<64x32x1x128xf32, #tpu.memory_space<vmem>>, vector<64x1x1x128xf32>
    %swap3A_1399 = vector.shape_cast %swap3A_1398 : vector<64x1x1x128xf32> to vector<64x128xf32>
    %swap3A_1400 = vector.shape_cast %transpose3A_1393 : vector<64x128xf32> to vector<64x1x1x128xf32>
    tpu.vector_store %arg2[%swap3A_1394, %swap3A_1395, %swap3A_1396, %swap3A_1397], %swap3A_1400 {strides = array<i32>} : memref<64x32x1x128xf32, #tpu.memory_space<vmem>>, vector<64x1x1x128xf32>,
    %dma_wait3A_1401 = arith.constant 31 : i32
    %dma_wait3A_1402 = arith.constant 7 : i32
    %dma_wait3A_1403 = arith.constant 7 : i32
    %dma_wait3A_1404 = tpu.memref_slice %arg4[%dma_wait3A_1403] : memref<8x!tpu.dma_semaphore, #tpu.memory_space<semaphore_mem>> -> memref<1x!tpu.dma_semaphore, #tpu.memory_space<semaphore_mem>>
    %dma_wait3A_1405 = tpu.memref_squeeze %dma_wait3A_1404 : memref<1x!tpu.dma_semaphore, #tpu.memory_space<semaphore_mem>> -> memref<!tpu.dma_semaphore, #tpu.memory_space<semaphore_mem>>
    %dma_wait3A_1406 = arith.constant 0 : i32
    %dma_wait3A_1407 = arith.constant 0 : i32
    %dma_wait3A_1408 = tpu.memref_slice %arg3[%dma_wait3A_1402, %dma_wait3A_1406, %dma_wait3A_1407] : memref<8x4000x64xf32, #tpu.memory_space<vmem>> -> memref<1x4000x64xf32, #tpu.memory_space<vmem>>
    %dma_wait3A_1409 = tpu.memref_squeeze %dma_wait3A_1408 : memref<1x4000x64xf32, #tpu.memory_space<vmem>> -> memref<4000x64xf32, #tpu.memory_space<vmem>>
    %dma_wait3A_1410 = arith.constant 0 : i32
    %dma_wait3A_1411 = arith.constant 0 : i32
    %dma_wait3A_1412 = tpu.memref_slice %arg0[%dma_wait3A_1401, %dma_wait3A_1410, %dma_wait3A_1411] : memref<32x4000x64xf32, #tpu.memory_space<any>> -> memref<1x4000x64xf32, #tpu.memory_space<any>>
    %dma_wait3A_1413 = tpu.memref_squeeze %dma_wait3A_1412 : memref<1x4000x64xf32, #tpu.memory_space<any>> -> memref<4000x64xf32, #tpu.memory_space<any>>
    tpu.wait_dma2 semaphore(%dma_wait3A_1405 : memref<!tpu.dma_semaphore, #tpu.memory_space<semaphore_mem>>) src(%dma_wait3A_1413 : memref<4000x64xf32, #tpu.memory_space<any>>) dst(%dma_wait3A_1409 : memref<4000x64xf32, #tpu.memory_space<vmem>>)
    %get3A_1414 = arith.constant 7 : index
    %get3A_1415 = arith.constant 0 : index
    %get3A_1416 = arith.constant 0 : index
    %get3A_1417 = vector.load %arg3[%get3A_1414, %get3A_1415, %get3A_1416] : memref<8x4000x64xf32, #tpu.memory_space<vmem>>, vector<1x4000x64xf32>
    %get3A_1418 = vector.shape_cast %get3A_1417 : vector<1x4000x64xf32> to vector<4000x64xf32>
    %get3A_1419 = arith.constant 0 : index
    %get3A_1420 = arith.constant 0 : index
    %get3A_1421 = vector.load %arg1[%get3A_1419, %get3A_1420] : memref<128x4000xf32, #tpu.memory_space<vmem>>, vector<128x4000xf32>
    %dot_general3A_1422 = arith.constant dense<0.000000e+00> : vector<128x64xf32>
    %dot_general3A_1423 = tpu.matmul %get3A_1421, %get3A_1418, %dot_general3A_1422 {dimension_numbers = #tpu.dot_dimension_numbers<[1], [0], [0], [1], [0, 0, 1, 1], [], []>, transpose_lhs_hint = false} : vector<128x4000xf32>, vector<4000x64xf32>, vector<128x64xf32> -> vector<128x64xf32>
    %tanh3A_1424 = math.tanh %dot_general3A_1423 : vector<128x64xf32>
    %transpose3A_1425 = tpu.transpose %tanh3A_1424, [1, 0] : vector<128x64xf32> -> vector<64x128xf32>
    %swap3A_1426 = arith.constant 0 : index
    %swap3A_1427 = arith.constant 31 : index
    %swap3A_1428 = arith.constant 0 : index
    %swap3A_1429 = arith.constant 0 : index
    %swap3A_1430 = vector.load %arg2[%swap3A_1426, %swap3A_1427, %swap3A_1428, %swap3A_1429] : memref<64x32x1x128xf32, #tpu.memory_space<vmem>>, vector<64x1x1x128xf32>
    %swap3A_1431 = vector.shape_cast %swap3A_1430 : vector<64x1x1x128xf32> to vector<64x128xf32>
    %swap3A_1432 = vector.shape_cast %transpose3A_1425 : vector<64x128xf32> to vector<64x1x1x128xf32>
    tpu.vector_store %arg2[%swap3A_1426, %swap3A_1427, %swap3A_1428, %swap3A_1429], %swap3A_1432 {strides = array<i32>} : memref<64x32x1x128xf32, #tpu.memory_space<vmem>>, vector<64x1x1x128xf32>,
    return
  }
}

module attributes {stable_mosaic.version = 14 : i64} {
  func.func @_step_kernel(%arg0: i32, %arg1: memref<8x32x1x128xf32, #tpu.memory_space<vmem>>, %arg2: memref<8x128x64xf32, #tpu.memory_space<vmem>>, %arg3: memref<8x1x64xf32, #tpu.memory_space<vmem>>, %arg4: memref<32x8x1x64xf32, #tpu.memory_space<vmem>>, %arg5: memref<32x8x1x64xf32, #tpu.memory_space<vmem>>, %arg6: memref<32x8x1x64xf32, #tpu.memory_space<vmem>>) attributes {dimension_semantics = [#tpu.dimension_semantics<arbitrary>], iteration_bounds = array<i64: 8>, scalar_prefetch = 0 : i64, scratch_operands = 0 : i64, tpu.core_type = #tpu.core_type<tc>, window_params = [{transform_indices = @transform_0, window_bounds = array<i64: 8, 32, 1, 128>}, {transform_indices = @transform_1, window_bounds = array<i64: 8, 128, 64>}, {transform_indices = @transform_2, window_bounds = array<i64: 8, 1, 64>}, {transform_indices = @transform_3, window_bounds = array<i64: 32, 8, 1, 64>}, {transform_indices = @transform_4, window_bounds = array<i64: 32, 8, 1, 64>}, {transform_indices = @transform_5, window_bounds = array<i64: 32, 8, 1, 64>}]} {
    %get3A = arith.constant 0 : index
    %get3A_0 = arith.constant 0 : index
    %get3A_1 = arith.constant 0 : index
    %get3A_2 = arith.constant 0 : index
    %get3A_3 = vector.load %arg1[%get3A, %get3A_0, %get3A_1, %get3A_2] : memref<8x32x1x128xf32, #tpu.memory_space<vmem>>, vector<1x32x1x128xf32>
    %get3A_4 = vector.shape_cast %get3A_3 : vector<1x32x1x128xf32> to vector<32x128xf32>
    %get3A_5 = arith.constant 0 : index
    %get3A_6 = arith.constant 0 : index
    %get3A_7 = arith.constant 0 : index
    %get3A_8 = vector.load %arg2[%get3A_5, %get3A_6, %get3A_7] : memref<8x128x64xf32, #tpu.memory_space<vmem>>, vector<1x128x64xf32>
    %get3A_9 = vector.shape_cast %get3A_8 : vector<1x128x64xf32> to vector<128x64xf32>
    %dot_general3A = arith.constant dense<0.000000e+00> : vector<32x64xf32>
    %dot_general3A_10 = tpu.matmul %get3A_4, %get3A_9, %dot_general3A {dimension_numbers = #tpu.dot_dimension_numbers<[1], [0], [0], [1], [0, 0, 1, 1], [], []>, transpose_lhs_hint = false} : vector<32x128xf32>, vector<128x64xf32>, vector<32x64xf32> -> vector<32x64xf32>
    %get3A_11 = arith.constant 0 : index
    %get3A_12 = arith.constant 0 : index
    %get3A_13 = arith.constant 0 : index
    %get3A_14 = vector.load %arg3[%get3A_11, %get3A_12, %get3A_13] : memref<8x1x64xf32, #tpu.memory_space<vmem>>, vector<1x1x64xf32>
    %get3A_15 = vector.shape_cast %get3A_14 : vector<1x1x64xf32> to vector<1x64xf32>
    %add3A = vector.broadcast %get3A_15 : vector<1x64xf32> to vector<32x64xf32>
    %add3A_16 = arith.addf %dot_general3A_10, %add3A : vector<32x64xf32>
    %get3A_17 = arith.constant 1 : index
    %get3A_18 = arith.constant 0 : index
    %get3A_19 = arith.constant 0 : index
    %get3A_20 = arith.constant 0 : index
    %get3A_21 = vector.load %arg1[%get3A_17, %get3A_18, %get3A_19, %get3A_20] : memref<8x32x1x128xf32, #tpu.memory_space<vmem>>, vector<1x32x1x128xf32>
    %get3A_22 = vector.shape_cast %get3A_21 : vector<1x32x1x128xf32> to vector<32x128xf32>
    %get3A_23 = arith.constant 1 : index
    %get3A_24 = arith.constant 0 : index
    %get3A_25 = arith.constant 0 : index
    %get3A_26 = vector.load %arg2[%get3A_23, %get3A_24, %get3A_25] : memref<8x128x64xf32, #tpu.memory_space<vmem>>, vector<1x128x64xf32>
    %get3A_27 = vector.shape_cast %get3A_26 : vector<1x128x64xf32> to vector<128x64xf32>
    %dot_general3A_28 = arith.constant dense<0.000000e+00> : vector<32x64xf32>
    %dot_general3A_29 = tpu.matmul %get3A_22, %get3A_27, %dot_general3A_28 {dimension_numbers = #tpu.dot_dimension_numbers<[1], [0], [0], [1], [0, 0, 1, 1], [], []>, transpose_lhs_hint = false} : vector<32x128xf32>, vector<128x64xf32>, vector<32x64xf32> -> vector<32x64xf32>
    %get3A_30 = arith.constant 1 : index
    %get3A_31 = arith.constant 0 : index
    %get3A_32 = arith.constant 0 : index
    %get3A_33 = vector.load %arg3[%get3A_30, %get3A_31, %get3A_32] : memref<8x1x64xf32, #tpu.memory_space<vmem>>, vector<1x1x64xf32>
    %get3A_34 = vector.shape_cast %get3A_33 : vector<1x1x64xf32> to vector<1x64xf32>
    %add3A_35 = vector.broadcast %get3A_34 : vector<1x64xf32> to vector<32x64xf32>
    %add3A_36 = arith.addf %dot_general3A_29, %add3A_35 : vector<32x64xf32>
    %get3A_37 = arith.constant 2 : index
    %get3A_38 = arith.constant 0 : index
    %get3A_39 = arith.constant 0 : index
    %get3A_40 = arith.constant 0 : index
    %get3A_41 = vector.load %arg1[%get3A_37, %get3A_38, %get3A_39, %get3A_40] : memref<8x32x1x128xf32, #tpu.memory_space<vmem>>, vector<1x32x1x128xf32>
    %get3A_42 = vector.shape_cast %get3A_41 : vector<1x32x1x128xf32> to vector<32x128xf32>
    %get3A_43 = arith.constant 2 : index
    %get3A_44 = arith.constant 0 : index
    %get3A_45 = arith.constant 0 : index
    %get3A_46 = vector.load %arg2[%get3A_43, %get3A_44, %get3A_45] : memref<8x128x64xf32, #tpu.memory_space<vmem>>, vector<1x128x64xf32>
    %get3A_47 = vector.shape_cast %get3A_46 : vector<1x128x64xf32> to vector<128x64xf32>
    %dot_general3A_48 = arith.constant dense<0.000000e+00> : vector<32x64xf32>
    %dot_general3A_49 = tpu.matmul %get3A_42, %get3A_47, %dot_general3A_48 {dimension_numbers = #tpu.dot_dimension_numbers<[1], [0], [0], [1], [0, 0, 1, 1], [], []>, transpose_lhs_hint = false} : vector<32x128xf32>, vector<128x64xf32>, vector<32x64xf32> -> vector<32x64xf32>
    %get3A_50 = arith.constant 2 : index
    %get3A_51 = arith.constant 0 : index
    %get3A_52 = arith.constant 0 : index
    %get3A_53 = vector.load %arg3[%get3A_50, %get3A_51, %get3A_52] : memref<8x1x64xf32, #tpu.memory_space<vmem>>, vector<1x1x64xf32>
    %get3A_54 = vector.shape_cast %get3A_53 : vector<1x1x64xf32> to vector<1x64xf32>
    %add3A_55 = vector.broadcast %get3A_54 : vector<1x64xf32> to vector<32x64xf32>
    %add3A_56 = arith.addf %dot_general3A_49, %add3A_55 : vector<32x64xf32>
    %get3A_57 = arith.constant 3 : index
    %get3A_58 = arith.constant 0 : index
    %get3A_59 = arith.constant 0 : index
    %get3A_60 = arith.constant 0 : index
    %get3A_61 = vector.load %arg1[%get3A_57, %get3A_58, %get3A_59, %get3A_60] : memref<8x32x1x128xf32, #tpu.memory_space<vmem>>, vector<1x32x1x128xf32>
    %get3A_62 = vector.shape_cast %get3A_61 : vector<1x32x1x128xf32> to vector<32x128xf32>
    %get3A_63 = arith.constant 3 : index
    %get3A_64 = arith.constant 0 : index
    %get3A_65 = arith.constant 0 : index
    %get3A_66 = vector.load %arg2[%get3A_63, %get3A_64, %get3A_65] : memref<8x128x64xf32, #tpu.memory_space<vmem>>, vector<1x128x64xf32>
    %get3A_67 = vector.shape_cast %get3A_66 : vector<1x128x64xf32> to vector<128x64xf32>
    %dot_general3A_68 = arith.constant dense<0.000000e+00> : vector<32x64xf32>
    %dot_general3A_69 = tpu.matmul %get3A_62, %get3A_67, %dot_general3A_68 {dimension_numbers = #tpu.dot_dimension_numbers<[1], [0], [0], [1], [0, 0, 1, 1], [], []>, transpose_lhs_hint = false} : vector<32x128xf32>, vector<128x64xf32>, vector<32x64xf32> -> vector<32x64xf32>
    %get3A_70 = arith.constant 3 : index
    %get3A_71 = arith.constant 0 : index
    %get3A_72 = arith.constant 0 : index
    %get3A_73 = vector.load %arg3[%get3A_70, %get3A_71, %get3A_72] : memref<8x1x64xf32, #tpu.memory_space<vmem>>, vector<1x1x64xf32>
    %get3A_74 = vector.shape_cast %get3A_73 : vector<1x1x64xf32> to vector<1x64xf32>
    %add3A_75 = vector.broadcast %get3A_74 : vector<1x64xf32> to vector<32x64xf32>
    %add3A_76 = arith.addf %dot_general3A_69, %add3A_75 : vector<32x64xf32>
    %get3A_77 = arith.constant 4 : index
    %get3A_78 = arith.constant 0 : index
    %get3A_79 = arith.constant 0 : index
    %get3A_80 = arith.constant 0 : index
    %get3A_81 = vector.load %arg1[%get3A_77, %get3A_78, %get3A_79, %get3A_80] : memref<8x32x1x128xf32, #tpu.memory_space<vmem>>, vector<1x32x1x128xf32>
    %get3A_82 = vector.shape_cast %get3A_81 : vector<1x32x1x128xf32> to vector<32x128xf32>
    %get3A_83 = arith.constant 4 : index
    %get3A_84 = arith.constant 0 : index
    %get3A_85 = arith.constant 0 : index
    %get3A_86 = vector.load %arg2[%get3A_83, %get3A_84, %get3A_85] : memref<8x128x64xf32, #tpu.memory_space<vmem>>, vector<1x128x64xf32>
    %get3A_87 = vector.shape_cast %get3A_86 : vector<1x128x64xf32> to vector<128x64xf32>
    %dot_general3A_88 = arith.constant dense<0.000000e+00> : vector<32x64xf32>
    %dot_general3A_89 = tpu.matmul %get3A_82, %get3A_87, %dot_general3A_88 {dimension_numbers = #tpu.dot_dimension_numbers<[1], [0], [0], [1], [0, 0, 1, 1], [], []>, transpose_lhs_hint = false} : vector<32x128xf32>, vector<128x64xf32>, vector<32x64xf32> -> vector<32x64xf32>
    %get3A_90 = arith.constant 4 : index
    %get3A_91 = arith.constant 0 : index
    %get3A_92 = arith.constant 0 : index
    %get3A_93 = vector.load %arg3[%get3A_90, %get3A_91, %get3A_92] : memref<8x1x64xf32, #tpu.memory_space<vmem>>, vector<1x1x64xf32>
    %get3A_94 = vector.shape_cast %get3A_93 : vector<1x1x64xf32> to vector<1x64xf32>
    %add3A_95 = vector.broadcast %get3A_94 : vector<1x64xf32> to vector<32x64xf32>
    %add3A_96 = arith.addf %dot_general3A_89, %add3A_95 : vector<32x64xf32>
    %get3A_97 = arith.constant 5 : index
    %get3A_98 = arith.constant 0 : index
    %get3A_99 = arith.constant 0 : index
    %get3A_100 = arith.constant 0 : index
    %get3A_101 = vector.load %arg1[%get3A_97, %get3A_98, %get3A_99, %get3A_100] : memref<8x32x1x128xf32, #tpu.memory_space<vmem>>, vector<1x32x1x128xf32>
    %get3A_102 = vector.shape_cast %get3A_101 : vector<1x32x1x128xf32> to vector<32x128xf32>
    %get3A_103 = arith.constant 5 : index
    %get3A_104 = arith.constant 0 : index
    %get3A_105 = arith.constant 0 : index
    %get3A_106 = vector.load %arg2[%get3A_103, %get3A_104, %get3A_105] : memref<8x128x64xf32, #tpu.memory_space<vmem>>, vector<1x128x64xf32>
    %get3A_107 = vector.shape_cast %get3A_106 : vector<1x128x64xf32> to vector<128x64xf32>
    %dot_general3A_108 = arith.constant dense<0.000000e+00> : vector<32x64xf32>
    %dot_general3A_109 = tpu.matmul %get3A_102, %get3A_107, %dot_general3A_108 {dimension_numbers = #tpu.dot_dimension_numbers<[1], [0], [0], [1], [0, 0, 1, 1], [], []>, transpose_lhs_hint = false} : vector<32x128xf32>, vector<128x64xf32>, vector<32x64xf32> -> vector<32x64xf32>
    %get3A_110 = arith.constant 5 : index
    %get3A_111 = arith.constant 0 : index
    %get3A_112 = arith.constant 0 : index
    %get3A_113 = vector.load %arg3[%get3A_110, %get3A_111, %get3A_112] : memref<8x1x64xf32, #tpu.memory_space<vmem>>, vector<1x1x64xf32>
    %get3A_114 = vector.shape_cast %get3A_113 : vector<1x1x64xf32> to vector<1x64xf32>
    %add3A_115 = vector.broadcast %get3A_114 : vector<1x64xf32> to vector<32x64xf32>
    %add3A_116 = arith.addf %dot_general3A_109, %add3A_115 : vector<32x64xf32>
    %get3A_117 = arith.constant 6 : index
    %get3A_118 = arith.constant 0 : index
    %get3A_119 = arith.constant 0 : index
    %get3A_120 = arith.constant 0 : index
    %get3A_121 = vector.load %arg1[%get3A_117, %get3A_118, %get3A_119, %get3A_120] : memref<8x32x1x128xf32, #tpu.memory_space<vmem>>, vector<1x32x1x128xf32>
    %get3A_122 = vector.shape_cast %get3A_121 : vector<1x32x1x128xf32> to vector<32x128xf32>
    %get3A_123 = arith.constant 6 : index
    %get3A_124 = arith.constant 0 : index
    %get3A_125 = arith.constant 0 : index
    %get3A_126 = vector.load %arg2[%get3A_123, %get3A_124, %get3A_125] : memref<8x128x64xf32, #tpu.memory_space<vmem>>, vector<1x128x64xf32>
    %get3A_127 = vector.shape_cast %get3A_126 : vector<1x128x64xf32> to vector<128x64xf32>
    %dot_general3A_128 = arith.constant dense<0.000000e+00> : vector<32x64xf32>
    %dot_general3A_129 = tpu.matmul %get3A_122, %get3A_127, %dot_general3A_128 {dimension_numbers = #tpu.dot_dimension_numbers<[1], [0], [0], [1], [0, 0, 1, 1], [], []>, transpose_lhs_hint = false} : vector<32x128xf32>, vector<128x64xf32>, vector<32x64xf32> -> vector<32x64xf32>
    %get3A_130 = arith.constant 6 : index
    %get3A_131 = arith.constant 0 : index
    %get3A_132 = arith.constant 0 : index
    %get3A_133 = vector.load %arg3[%get3A_130, %get3A_131, %get3A_132] : memref<8x1x64xf32, #tpu.memory_space<vmem>>, vector<1x1x64xf32>
    %get3A_134 = vector.shape_cast %get3A_133 : vector<1x1x64xf32> to vector<1x64xf32>
    %add3A_135 = vector.broadcast %get3A_134 : vector<1x64xf32> to vector<32x64xf32>
    %add3A_136 = arith.addf %dot_general3A_129, %add3A_135 : vector<32x64xf32>
    %get3A_137 = arith.constant 7 : index
    %get3A_138 = arith.constant 0 : index
    %get3A_139 = arith.constant 0 : index
    %get3A_140 = arith.constant 0 : index
    %get3A_141 = vector.load %arg1[%get3A_137, %get3A_138, %get3A_139, %get3A_140] : memref<8x32x1x128xf32, #tpu.memory_space<vmem>>, vector<1x32x1x128xf32>
    %get3A_142 = vector.shape_cast %get3A_141 : vector<1x32x1x128xf32> to vector<32x128xf32>
    %get3A_143 = arith.constant 7 : index
    %get3A_144 = arith.constant 0 : index
    %get3A_145 = arith.constant 0 : index
    %get3A_146 = vector.load %arg2[%get3A_143, %get3A_144, %get3A_145] : memref<8x128x64xf32, #tpu.memory_space<vmem>>, vector<1x128x64xf32>
    %get3A_147 = vector.shape_cast %get3A_146 : vector<1x128x64xf32> to vector<128x64xf32>
    %dot_general3A_148 = arith.constant dense<0.000000e+00> : vector<32x64xf32>
    %dot_general3A_149 = tpu.matmul %get3A_142, %get3A_147, %dot_general3A_148 {dimension_numbers = #tpu.dot_dimension_numbers<[1], [0], [0], [1], [0, 0, 1, 1], [], []>, transpose_lhs_hint = false} : vector<32x128xf32>, vector<128x64xf32>, vector<32x64xf32> -> vector<32x64xf32>
    %get3A_150 = arith.constant 7 : index
    %get3A_151 = arith.constant 0 : index
    %get3A_152 = arith.constant 0 : index
    %get3A_153 = vector.load %arg3[%get3A_150, %get3A_151, %get3A_152] : memref<8x1x64xf32, #tpu.memory_space<vmem>>, vector<1x1x64xf32>
    %get3A_154 = vector.shape_cast %get3A_153 : vector<1x1x64xf32> to vector<1x64xf32>
    %add3A_155 = vector.broadcast %get3A_154 : vector<1x64xf32> to vector<32x64xf32>
    %add3A_156 = arith.addf %dot_general3A_149, %add3A_155 : vector<32x64xf32>
    %stack3A = vector.shape_cast %add3A_16 : vector<32x64xf32> to vector<32x1x64xf32>
    %stack3A_157 = vector.shape_cast %add3A_36 : vector<32x64xf32> to vector<32x1x64xf32>
    %stack3A_158 = vector.shape_cast %add3A_56 : vector<32x64xf32> to vector<32x1x64xf32>
    %stack3A_159 = vector.shape_cast %add3A_76 : vector<32x64xf32> to vector<32x1x64xf32>
    %stack3A_160 = vector.shape_cast %add3A_96 : vector<32x64xf32> to vector<32x1x64xf32>
    %stack3A_161 = vector.shape_cast %add3A_116 : vector<32x64xf32> to vector<32x1x64xf32>
    %stack3A_162 = vector.shape_cast %add3A_136 : vector<32x64xf32> to vector<32x1x64xf32>
    %stack3A_163 = vector.shape_cast %add3A_156 : vector<32x64xf32> to vector<32x1x64xf32>
    %stack3A_164 = tpu.concatenate %stack3A, %stack3A_157, %stack3A_158, %stack3A_159, %stack3A_160, %stack3A_161, %stack3A_162, %stack3A_163 in 1 : vector<32x1x64xf32>, vector<32x1x64xf32>, vector<32x1x64xf32>, vector<32x1x64xf32>, vector<32x1x64xf32>, vector<32x1x64xf32>, vector<32x1x64xf32>, vector<32x1x64xf32> -> vector<32x8x64xf32>
    %logistic3A = arith.negf %stack3A_164 : vector<32x8x64xf32>
    %logistic3A_165 = math.exp %logistic3A : vector<32x8x64xf32>
    %logistic3A_166 = arith.constant 1.000000e+00 : f32
    %logistic3A_167 = vector.broadcast %logistic3A_166 : f32 to vector<32x8x64xf32>
    %logistic3A_168 = arith.addf %logistic3A_167, %logistic3A_165 : vector<32x8x64xf32>
    %logistic3A_169 = arith.divf %logistic3A_167, %logistic3A_168 : vector<32x8x64xf32>
    %jit3A = arith.constant 9.99999974E-5 : f32
    %jit3A_170 = arith.constant 0.999899983 : f32
    %max3A = vector.broadcast %jit3A : f32 to vector<32x8x64xf32>
    %max3A_171 = arith.maximumf %max3A, %logistic3A_169 : vector<32x8x64xf32>
    %min3A = vector.broadcast %jit3A_170 : f32 to vector<32x8x64xf32>
    %min3A_172 = arith.minimumf %min3A, %max3A_171 : vector<32x8x64xf32>
    %iota3A = tpu.iota {dimensions = array<i32: 2>} : vector<32x8x64xi32>
    %broadcast_in_dim3A = arith.constant false
    %broadcast_in_dim3A_173 = vector.broadcast %broadcast_in_dim3A : i1 to vector<32x8x64xi1>
    %reduce_max3A = arith.constant dense<0xFF800000> : vector<32x8xf32>
    %reduce_max3A_174 = vector.multi_reduction <maximumf>, %min3A_172, %reduce_max3A [2] : vector<32x8x64xf32> to vector<32x8xf32>
    %broadcast_in_dim3A_175 = vector.shape_cast %reduce_max3A_174 : vector<32x8xf32> to vector<32x8x1xf32>
    %eq3A = vector.broadcast %broadcast_in_dim3A_175 : vector<32x8x1xf32> to vector<32x8x64xf32>
    %eq3A_176 = arith.cmpf oeq, %min3A_172, %eq3A : vector<32x8x64xf32>
    %jit3A_177 = arith.constant 64 : i32
    %broadcast_in_dim3A_178 = vector.broadcast %jit3A_177 : i32 to vector<32x8x64xi32>
    %select_n3A = arith.select %eq3A_176, %iota3A, %broadcast_in_dim3A_178 : vector<32x8x64xi1>, vector<32x8x64xi32>
    %reduce_min3A = arith.constant dense<2147483647> : vector<32x8xi32>
    %reduce_min3A_179 = vector.multi_reduction <minsi>, %select_n3A, %reduce_min3A [2] : vector<32x8x64xi32> to vector<32x8xi32>
    %broadcast_in_dim3A_180 = vector.shape_cast %reduce_min3A_179 : vector<32x8xi32> to vector<32x8x1xi32>
    %eq3A_181 = vector.broadcast %broadcast_in_dim3A_180 : vector<32x8x1xi32> to vector<32x8x64xi32>
    %eq3A_182 = arith.cmpi eq, %iota3A, %eq3A_181 : vector<32x8x64xi32>
    %or3A = arith.ori %broadcast_in_dim3A_173, %eq3A_182 : vector<32x8x64xi1>
    %jit3A_183 = arith.constant -1.000000e+00 : f32
    %broadcast_in_dim3A_184 = vector.broadcast %jit3A_183 : f32 to vector<32x8x64xf32>
    %select_n3A_185 = arith.select %eq3A_182, %broadcast_in_dim3A_184, %min3A_172 : vector<32x8x64xi1>, vector<32x8x64xf32>
    %reduce_max3A_186 = arith.constant dense<0xFF800000> : vector<32x8xf32>
    %reduce_max3A_187 = vector.multi_reduction <maximumf>, %select_n3A_185, %reduce_max3A_186 [2] : vector<32x8x64xf32> to vector<32x8xf32>
    %broadcast_in_dim3A_188 = vector.shape_cast %reduce_max3A_187 : vector<32x8xf32> to vector<32x8x1xf32>
    %eq3A_189 = vector.broadcast %broadcast_in_dim3A_188 : vector<32x8x1xf32> to vector<32x8x64xf32>
    %eq3A_190 = arith.cmpf oeq, %select_n3A_185, %eq3A_189 : vector<32x8x64xf32>
    %jit3A_191 = arith.constant 64 : i32
    %broadcast_in_dim3A_192 = vector.broadcast %jit3A_191 : i32 to vector<32x8x64xi32>
    %select_n3A_193 = arith.select %eq3A_190, %iota3A, %broadcast_in_dim3A_192 : vector<32x8x64xi1>, vector<32x8x64xi32>
    %reduce_min3A_194 = arith.constant dense<2147483647> : vector<32x8xi32>
    %reduce_min3A_195 = vector.multi_reduction <minsi>, %select_n3A_193, %reduce_min3A_194 [2] : vector<32x8x64xi32> to vector<32x8xi32>
    %broadcast_in_dim3A_196 = vector.shape_cast %reduce_min3A_195 : vector<32x8xi32> to vector<32x8x1xi32>
    %eq3A_197 = vector.broadcast %broadcast_in_dim3A_196 : vector<32x8x1xi32> to vector<32x8x64xi32>
    %eq3A_198 = arith.cmpi eq, %iota3A, %eq3A_197 : vector<32x8x64xi32>
    %or3A_199 = arith.ori %or3A, %eq3A_198 : vector<32x8x64xi1>
    %jit3A_200 = arith.constant -1.000000e+00 : f32
    %broadcast_in_dim3A_201 = vector.broadcast %jit3A_200 : f32 to vector<32x8x64xf32>
    %select_n3A_202 = arith.select %eq3A_198, %broadcast_in_dim3A_201, %select_n3A_185 : vector<32x8x64xi1>, vector<32x8x64xf32>
    %reduce_max3A_203 = arith.constant dense<0xFF800000> : vector<32x8xf32>
    %reduce_max3A_204 = vector.multi_reduction <maximumf>, %select_n3A_202, %reduce_max3A_203 [2] : vector<32x8x64xf32> to vector<32x8xf32>
    %broadcast_in_dim3A_205 = vector.shape_cast %reduce_max3A_204 : vector<32x8xf32> to vector<32x8x1xf32>
    %eq3A_206 = vector.broadcast %broadcast_in_dim3A_205 : vector<32x8x1xf32> to vector<32x8x64xf32>
    %eq3A_207 = arith.cmpf oeq, %select_n3A_202, %eq3A_206 : vector<32x8x64xf32>
    %jit3A_208 = arith.constant 64 : i32
    %broadcast_in_dim3A_209 = vector.broadcast %jit3A_208 : i32 to vector<32x8x64xi32>
    %select_n3A_210 = arith.select %eq3A_207, %iota3A, %broadcast_in_dim3A_209 : vector<32x8x64xi1>, vector<32x8x64xi32>
    %reduce_min3A_211 = arith.constant dense<2147483647> : vector<32x8xi32>
    %reduce_min3A_212 = vector.multi_reduction <minsi>, %select_n3A_210, %reduce_min3A_211 [2] : vector<32x8x64xi32> to vector<32x8xi32>
    %broadcast_in_dim3A_213 = vector.shape_cast %reduce_min3A_212 : vector<32x8xi32> to vector<32x8x1xi32>
    %eq3A_214 = vector.broadcast %broadcast_in_dim3A_213 : vector<32x8x1xi32> to vector<32x8x64xi32>
    %eq3A_215 = arith.cmpi eq, %iota3A, %eq3A_214 : vector<32x8x64xi32>
    %or3A_216 = arith.ori %or3A_199, %eq3A_215 : vector<32x8x64xi1>
    %jit3A_217 = arith.constant -1.000000e+00 : f32
    %broadcast_in_dim3A_218 = vector.broadcast %jit3A_217 : f32 to vector<32x8x64xf32>
    %select_n3A_219 = arith.select %eq3A_215, %broadcast_in_dim3A_218, %select_n3A_202 : vector<32x8x64xi1>, vector<32x8x64xf32>
    %reduce_max3A_220 = arith.constant dense<0xFF800000> : vector<32x8xf32>
    %reduce_max3A_221 = vector.multi_reduction <maximumf>, %select_n3A_219, %reduce_max3A_220 [2] : vector<32x8x64xf32> to vector<32x8xf32>
    %broadcast_in_dim3A_222 = vector.shape_cast %reduce_max3A_221 : vector<32x8xf32> to vector<32x8x1xf32>
    %eq3A_223 = vector.broadcast %broadcast_in_dim3A_222 : vector<32x8x1xf32> to vector<32x8x64xf32>
    %eq3A_224 = arith.cmpf oeq, %select_n3A_219, %eq3A_223 : vector<32x8x64xf32>
    %jit3A_225 = arith.constant 64 : i32
    %broadcast_in_dim3A_226 = vector.broadcast %jit3A_225 : i32 to vector<32x8x64xi32>
    %select_n3A_227 = arith.select %eq3A_224, %iota3A, %broadcast_in_dim3A_226 : vector<32x8x64xi1>, vector<32x8x64xi32>
    %reduce_min3A_228 = arith.constant dense<2147483647> : vector<32x8xi32>
    %reduce_min3A_229 = vector.multi_reduction <minsi>, %select_n3A_227, %reduce_min3A_228 [2] : vector<32x8x64xi32> to vector<32x8xi32>
    %broadcast_in_dim3A_230 = vector.shape_cast %reduce_min3A_229 : vector<32x8xi32> to vector<32x8x1xi32>
    %eq3A_231 = vector.broadcast %broadcast_in_dim3A_230 : vector<32x8x1xi32> to vector<32x8x64xi32>
    %eq3A_232 = arith.cmpi eq, %iota3A, %eq3A_231 : vector<32x8x64xi32>
    %or3A_233 = arith.ori %or3A_216, %eq3A_232 : vector<32x8x64xi1>
    %jit3A_234 = arith.constant -1.000000e+00 : f32
    %broadcast_in_dim3A_235 = vector.broadcast %jit3A_234 : f32 to vector<32x8x64xf32>
    %select_n3A_236 = arith.select %eq3A_232, %broadcast_in_dim3A_235, %select_n3A_219 : vector<32x8x64xi1>, vector<32x8x64xf32>
    %reduce_max3A_237 = arith.constant dense<0xFF800000> : vector<32x8xf32>
    %reduce_max3A_238 = vector.multi_reduction <maximumf>, %select_n3A_236, %reduce_max3A_237 [2] : vector<32x8x64xf32> to vector<32x8xf32>
    %broadcast_in_dim3A_239 = vector.shape_cast %reduce_max3A_238 : vector<32x8xf32> to vector<32x8x1xf32>
    %eq3A_240 = vector.broadcast %broadcast_in_dim3A_239 : vector<32x8x1xf32> to vector<32x8x64xf32>
    %eq3A_241 = arith.cmpf oeq, %select_n3A_236, %eq3A_240 : vector<32x8x64xf32>
    %jit3A_242 = arith.constant 64 : i32
    %broadcast_in_dim3A_243 = vector.broadcast %jit3A_242 : i32 to vector<32x8x64xi32>
    %select_n3A_244 = arith.select %eq3A_241, %iota3A, %broadcast_in_dim3A_243 : vector<32x8x64xi1>, vector<32x8x64xi32>
    %reduce_min3A_245 = arith.constant dense<2147483647> : vector<32x8xi32>
    %reduce_min3A_246 = vector.multi_reduction <minsi>, %select_n3A_244, %reduce_min3A_245 [2] : vector<32x8x64xi32> to vector<32x8xi32>
    %broadcast_in_dim3A_247 = vector.shape_cast %reduce_min3A_246 : vector<32x8xi32> to vector<32x8x1xi32>
    %eq3A_248 = vector.broadcast %broadcast_in_dim3A_247 : vector<32x8x1xi32> to vector<32x8x64xi32>
    %eq3A_249 = arith.cmpi eq, %iota3A, %eq3A_248 : vector<32x8x64xi32>
    %or3A_250 = arith.ori %or3A_233, %eq3A_249 : vector<32x8x64xi1>
    %jit3A_251 = arith.constant -1.000000e+00 : f32
    %broadcast_in_dim3A_252 = vector.broadcast %jit3A_251 : f32 to vector<32x8x64xf32>
    %select_n3A_253 = arith.select %eq3A_249, %broadcast_in_dim3A_252, %select_n3A_236 : vector<32x8x64xi1>, vector<32x8x64xf32>
    %reduce_max3A_254 = arith.constant dense<0xFF800000> : vector<32x8xf32>
    %reduce_max3A_255 = vector.multi_reduction <maximumf>, %select_n3A_253, %reduce_max3A_254 [2] : vector<32x8x64xf32> to vector<32x8xf32>
    %broadcast_in_dim3A_256 = vector.shape_cast %reduce_max3A_255 : vector<32x8xf32> to vector<32x8x1xf32>
    %eq3A_257 = vector.broadcast %broadcast_in_dim3A_256 : vector<32x8x1xf32> to vector<32x8x64xf32>
    %eq3A_258 = arith.cmpf oeq, %select_n3A_253, %eq3A_257 : vector<32x8x64xf32>
    %jit3A_259 = arith.constant 64 : i32
    %broadcast_in_dim3A_260 = vector.broadcast %jit3A_259 : i32 to vector<32x8x64xi32>
    %select_n3A_261 = arith.select %eq3A_258, %iota3A, %broadcast_in_dim3A_260 : vector<32x8x64xi1>, vector<32x8x64xi32>
    %reduce_min3A_262 = arith.constant dense<2147483647> : vector<32x8xi32>
    %reduce_min3A_263 = vector.multi_reduction <minsi>, %select_n3A_261, %reduce_min3A_262 [2] : vector<32x8x64xi32> to vector<32x8xi32>
    %broadcast_in_dim3A_264 = vector.shape_cast %reduce_min3A_263 : vector<32x8xi32> to vector<32x8x1xi32>
    %eq3A_265 = vector.broadcast %broadcast_in_dim3A_264 : vector<32x8x1xi32> to vector<32x8x64xi32>
    %eq3A_266 = arith.cmpi eq, %iota3A, %eq3A_265 : vector<32x8x64xi32>
    %or3A_267 = arith.ori %or3A_250, %eq3A_266 : vector<32x8x64xi1>
    %jit3A_268 = arith.constant -1.000000e+00 : f32
    %broadcast_in_dim3A_269 = vector.broadcast %jit3A_268 : f32 to vector<32x8x64xf32>
    %select_n3A_270 = arith.select %eq3A_266, %broadcast_in_dim3A_269, %select_n3A_253 : vector<32x8x64xi1>, vector<32x8x64xf32>
    %reduce_max3A_271 = arith.constant dense<0xFF800000> : vector<32x8xf32>
    %reduce_max3A_272 = vector.multi_reduction <maximumf>, %select_n3A_270, %reduce_max3A_271 [2] : vector<32x8x64xf32> to vector<32x8xf32>
    %broadcast_in_dim3A_273 = vector.shape_cast %reduce_max3A_272 : vector<32x8xf32> to vector<32x8x1xf32>
    %eq3A_274 = vector.broadcast %broadcast_in_dim3A_273 : vector<32x8x1xf32> to vector<32x8x64xf32>
    %eq3A_275 = arith.cmpf oeq, %select_n3A_270, %eq3A_274 : vector<32x8x64xf32>
    %jit3A_276 = arith.constant 64 : i32
    %broadcast_in_dim3A_277 = vector.broadcast %jit3A_276 : i32 to vector<32x8x64xi32>
    %select_n3A_278 = arith.select %eq3A_275, %iota3A, %broadcast_in_dim3A_277 : vector<32x8x64xi1>, vector<32x8x64xi32>
    %reduce_min3A_279 = arith.constant dense<2147483647> : vector<32x8xi32>
    %reduce_min3A_280 = vector.multi_reduction <minsi>, %select_n3A_278, %reduce_min3A_279 [2] : vector<32x8x64xi32> to vector<32x8xi32>
    %broadcast_in_dim3A_281 = vector.shape_cast %reduce_min3A_280 : vector<32x8xi32> to vector<32x8x1xi32>
    %eq3A_282 = vector.broadcast %broadcast_in_dim3A_281 : vector<32x8x1xi32> to vector<32x8x64xi32>
    %eq3A_283 = arith.cmpi eq, %iota3A, %eq3A_282 : vector<32x8x64xi32>
    %or3A_284 = arith.ori %or3A_267, %eq3A_283 : vector<32x8x64xi1>
    %jit3A_285 = arith.constant -1.000000e+00 : f32
    %broadcast_in_dim3A_286 = vector.broadcast %jit3A_285 : f32 to vector<32x8x64xf32>
    %select_n3A_287 = arith.select %eq3A_283, %broadcast_in_dim3A_286, %select_n3A_270 : vector<32x8x64xi1>, vector<32x8x64xf32>
    %reduce_max3A_288 = arith.constant dense<0xFF800000> : vector<32x8xf32>
    %reduce_max3A_289 = vector.multi_reduction <maximumf>, %select_n3A_287, %reduce_max3A_288 [2] : vector<32x8x64xf32> to vector<32x8xf32>
    %broadcast_in_dim3A_290 = vector.shape_cast %reduce_max3A_289 : vector<32x8xf32> to vector<32x8x1xf32>
    %eq3A_291 = vector.broadcast %broadcast_in_dim3A_290 : vector<32x8x1xf32> to vector<32x8x64xf32>
    %eq3A_292 = arith.cmpf oeq, %select_n3A_287, %eq3A_291 : vector<32x8x64xf32>
    %jit3A_293 = arith.constant 64 : i32
    %broadcast_in_dim3A_294 = vector.broadcast %jit3A_293 : i32 to vector<32x8x64xi32>
    %select_n3A_295 = arith.select %eq3A_292, %iota3A, %broadcast_in_dim3A_294 : vector<32x8x64xi1>, vector<32x8x64xi32>
    %reduce_min3A_296 = arith.constant dense<2147483647> : vector<32x8xi32>
    %reduce_min3A_297 = vector.multi_reduction <minsi>, %select_n3A_295, %reduce_min3A_296 [2] : vector<32x8x64xi32> to vector<32x8xi32>
    %broadcast_in_dim3A_298 = vector.shape_cast %reduce_min3A_297 : vector<32x8xi32> to vector<32x8x1xi32>
    %eq3A_299 = vector.broadcast %broadcast_in_dim3A_298 : vector<32x8x1xi32> to vector<32x8x64xi32>
    %eq3A_300 = arith.cmpi eq, %iota3A, %eq3A_299 : vector<32x8x64xi32>
    %or3A_301 = arith.ori %or3A_284, %eq3A_300 : vector<32x8x64xi1>
    %iota3A_302 = tpu.iota {dimensions = array<i32: 1>} : vector<32x8x64xi32>
    %mul3A = arith.constant 8 : i32
    %mul3A_303 = arith.muli %arg0, %mul3A : i32
    %add3A_304 = vector.broadcast %mul3A_303 : i32 to vector<32x8x64xi32>
    %add3A_305 = arith.addi %add3A_304, %iota3A_302 : vector<32x8x64xi32>
    %get3A_306 = arith.constant 0 : index
    %get3A_307 = arith.constant 0 : index
    %get3A_308 = arith.constant 0 : index
    %get3A_309 = arith.constant 0 : index
    %get3A_310 = vector.load %arg4[%get3A_306, %get3A_307, %get3A_308, %get3A_309] : memref<32x8x1x64xf32, #tpu.memory_space<vmem>>, vector<32x8x1x64xf32>
    %get3A_311 = vector.shape_cast %get3A_310 : vector<32x8x1x64xf32> to vector<32x8x64xf32>
    %lt3A = arith.cmpf olt, %get3A_311, %min3A_172 : vector<32x8x64xf32>
    %and3A = arith.andi %or3A_301, %lt3A : vector<32x8x64xi1>
    %ne3A = arith.cmpi ne, %iota3A, %add3A_305 : vector<32x8x64xi32>
    %and3A_312 = arith.andi %and3A, %ne3A : vector<32x8x64xi1>
    %swap3A = arith.constant 0 : index
    %swap3A_313 = arith.constant 0 : index
    %swap3A_314 = arith.constant 0 : index
    %swap3A_315 = arith.constant 0 : index
    %swap3A_316 = vector.load %arg5[%swap3A, %swap3A_313, %swap3A_314, %swap3A_315] : memref<32x8x1x64xf32, #tpu.memory_space<vmem>>, vector<32x8x1x64xf32>
    %swap3A_317 = vector.shape_cast %swap3A_316 : vector<32x8x1x64xf32> to vector<32x8x64xf32>
    %swap3A_318 = vector.shape_cast %min3A_172 : vector<32x8x64xf32> to vector<32x8x1x64xf32>
    tpu.vector_store %arg5[%swap3A, %swap3A_313, %swap3A_314, %swap3A_315], %swap3A_318 {strides = array<i32>} : memref<32x8x1x64xf32, #tpu.memory_space<vmem>>, vector<32x8x1x64xf32>,
    %convert_element_type3A = arith.extui %and3A_312 : vector<32x8x64xi1> to vector<32x8x64xi32>
    %convert_element_type3A_319 = arith.sitofp %convert_element_type3A : vector<32x8x64xi32> to vector<32x8x64xf32>
    %swap3A_320 = arith.constant 0 : index
    %swap3A_321 = arith.constant 0 : index
    %swap3A_322 = arith.constant 0 : index
    %swap3A_323 = arith.constant 0 : index
    %swap3A_324 = vector.load %arg6[%swap3A_320, %swap3A_321, %swap3A_322, %swap3A_323] : memref<32x8x1x64xf32, #tpu.memory_space<vmem>>, vector<32x8x1x64xf32>
    %swap3A_325 = vector.shape_cast %swap3A_324 : vector<32x8x1x64xf32> to vector<32x8x64xf32>
    %swap3A_326 = vector.shape_cast %convert_element_type3A_319 : vector<32x8x64xf32> to vector<32x8x1x64xf32>
    tpu.vector_store %arg6[%swap3A_320, %swap3A_321, %swap3A_322, %swap3A_323], %swap3A_326 {strides = array<i32>} : memref<32x8x1x64xf32, #tpu.memory_space<vmem>>, vector<32x8x1x64xf32>,
    return
  }
  func.func @transform_0(%arg0: i32) -> (i32, i32, i32, i32) {
    %c0_i32 = arith.constant 0 : i32
    %c0_i32_0 = arith.constant 0 : i32
    %c0_i32_1 = arith.constant 0 : i32
    %c0_i32_2 = arith.constant 0 : i32
    return %arg0, %c0_i32, %c0_i32_0, %c0_i32_1 : i32, i32, i32, i32
  }
  func.func @transform_1(%arg0: i32) -> (i32, i32, i32) {
    %c0_i32 = arith.constant 0 : i32
    %c0_i32_0 = arith.constant 0 : i32
    %c0_i32_1 = arith.constant 0 : i32
    return %arg0, %c0_i32, %c0_i32_0 : i32, i32, i32
  }
  func.func @transform_2(%arg0: i32) -> (i32, i32, i32) {
    %c0_i32 = arith.constant 0 : i32
    %c0_i32_0 = arith.constant 0 : i32
    %c0_i32_1 = arith.constant 0 : i32
    return %arg0, %c0_i32, %c0_i32_0 : i32, i32, i32
  }
  func.func @transform_3(%arg0: i32) -> (i32, i32, i32, i32) {
    %c0_i32 = arith.constant 0 : i32
    %c0_i32_0 = arith.constant 0 : i32
    %c0_i32_1 = arith.constant 0 : i32
    %c0_i32_2 = arith.constant 0 : i32
    return %c0_i32, %arg0, %c0_i32_0, %c0_i32_1 : i32, i32, i32, i32
  }
  func.func @transform_4(%arg0: i32) -> (i32, i32, i32, i32) {
    %c0_i32 = arith.constant 0 : i32
    %c0_i32_0 = arith.constant 0 : i32
    %c0_i32_1 = arith.constant 0 : i32
    %c0_i32_2 = arith.constant 0 : i32
    return %c0_i32, %arg0, %c0_i32_0, %c0_i32_1 : i32, i32, i32, i32
  }
  func.func @transform_5(%arg0: i32) -> (i32, i32, i32, i32) {
    %c0_i32 = arith.constant 0 : i32
    %c0_i32_0 = arith.constant 0 : i32
    %c0_i32_1 = arith.constant 0 : i32
    %c0_i32_2 = arith.constant 0 : i32
    return %c0_i32, %arg0, %c0_i32_0, %c0_i32_1 : i32, i32, i32, i32
  }
}

</mosaic_0001>

<sc_bundles>
// kernel: kernel.5.cloned.1.call-start
scs
__scs_entry_jumppad:
0x0: {  	(pc) =	sbr.rel $0x88, $3  }
0x1: {  	(tag) =	ssettag $0x0;
	lr =	simm.s32 $0x1  }
0x2: {  	[smem:$0x3F9D] =	sst lr;
	_ =	strace $0xD0000000  }
0x3: {  	_ = 	snop  }
0x4: {  	_ = 	snop  }
0x5: {  	_ = 	snop  }
0x6: {  	_ = 	snop  }
0x7: {  	_ = 	snop  }
__scs_overlays_trampoline_lowered:
0x8: {  	[smem:$0x3FAC] =	sst s0  }
0x9: {  	[smem:$0x3FAD] =	sst s1  }
0xa: {  	[smem:$0x3FAE] =	sst s2  }
0xb: {  	[smem:$0x3FAF] =	sst s3  }
0xc: {  	[smem:$0x3FB0] =	sst s4  }
0xd: {  	[smem:$0x3FB1] =	sst s5  }
0xe: {  	[smem:$0x3FB2] =	sst s6  }
0xf: {  	[smem:$0x3FB3] =	sst s7  }
0x10: {  	[smem:$0x3FB4] =	sst s8  }
0x11: {  	[smem:$0x3FB5] =	sst s9;
	s0 =	simm.s32 @!p0 $0x0  }
0x12: {  	s1 =	sld [smem:$0x3F9B];
	s0 =	simm.s32 @p0 $0x1  }
0x13: {  	[smem:$0x3FB6] =	sst s0;
	s0 =	simm.s32 @!p1 $0x0  }
0x14: {  	s2 =	sld [smem:$0x3F9A];
	s0 =	simm.s32 @p1 $0x1  }
0x15: {  	[smem:$0x3FB7] =	sst s0;
	s0 =	simm.s32 @!p2 $0x0  }
0x16: {  	s3 =	sld [smem:$0x3FDB];
	s0 =	simm.s32 @p2 $0x1  }
0x17: {  	s4 =	simm.s32 $0x1BF5;
	[smem:$0x3FB9] =	sst s0  }
0x18: {  	s0 =	sld [smem:$0x3F9C];
	_ =	swait.ge [sflag:s4], $0x0  }
0x19: {  	s7 =	sld [smem:$0x3F9D]  }
0x1a: {  	s8 =	sadd.s32 $0xFFFFE003, lr  }
0x1b: {  	s9 =	sadd.s32 $0xFFFFFEF7, lr;
	s5 =	simm.s32 $0xFFFFFFFF;
	p2 =	slt.u32 s8, $0xFFFFF086  }
0x1c: {  	p1 =	slt.u32 s9, $0xF7A;
	s5 =	simm.s32 @!p2 $0x0  }
0x1d: {  	s5 =	simm.s32 @p1 $0x1;
	p0 =	seq.s32 s7, s2  }
0x1e: {  	s7 =	smul.u32 @!p0 $0xF7A, s2;
	p2 =	seq.s32 @!p0 s5, $0x0  }
0x1f: {  	s9 =	smul.u32 $0xF7A, s1;
	s8 =	simm.s32 @!p0 $0x1BF5;
	p2 =	por !p2, p0  }
0x20: {  	[sflag:s8] =	ssyncset.s32 @!p0 $0xFFFFF086;
	s6 =	sadd.s32 @!p0 s3, s7;
	s7 =	simm.s32 @!p0 $0x108  }
0x21: {  	s3 =	sadd.s32 s3, s9;
	s6 =	sadd.s32 @!p0 $0x88, s6;
	s7 =	simm.s32 @p2 $0x1082  }
0x22: {  	[simem:s7], [sflag:s8] =	dma.local @!p0 [hbm:s6], $0xF7A  }
0x23: {  	s9 =	sor.u32 $0xD0000000, s2;
	s6 =	simm.s32 $0x108;
	_ =	swait.ge @!p0 [sflag:s8], $0x0  }
0x24: {  	s3 =	sadd.s32 $0x88, s3;
	s6 =	simm.s32 @!p1 $0x1082;
	[sflag:s4] =	ssyncset.s32 $0xFFFFF086  }
0x25: {  	[simem:s6], [sflag:s4] =	dma.local [hbm:s3], $0xF7A  }
0x26: {  	[smem:$0x3F9D] =	sst s1;
	(tag) =	ssettag s2;
	_ =	strace s9  }
0x27: {  	s1 =	sld [smem:$0x3FAD]  }
0x28: {  	s2 =	sld [smem:$0x3FAE]  }
0x29: {  	s4 =	sld [smem:$0x3FB0]  }
0x2a: {  	p0 =	seq.s32 s5, $0x0;
	s5 =	sld [smem:$0x3FB1]  }
0x2b: {  	s6 =	sld [smem:$0x3FB2]  }
0x2c: {  	s7 =	sld [smem:$0x3FB3]  }
0x2d: {  	s3 =	simm.s32 $0x108;
	s8 =	sld [smem:$0x3FB4]  }
0x2e: {  	s3 =	simm.s32 @!p0 $0x1082;
	s9 =	sld [smem:$0x3FB5]  }
0x2f: {  	lr =	sadd.s32 s0, s3;
	s0 =	sld [smem:$0x3FAC]  }
0x30: {  	s3 =	sld [smem:$0x3FAF]  }
0x31: {  	[smem:$0x3FB8] =	sst s10  }
0x32: {  	s10 =	sld [smem:$0x3FB6];
	_ =	sdelay $0x3  }
0x33: {  	p0 =	seq.s32 s10, $0x1;
	s10 =	sld [smem:$0x3FB8];
	_ =	sdelay $0x3  }
0x34: {  	[smem:$0x3FB8] =	sst s10  }
0x35: {  	s10 =	sld [smem:$0x3FB7];
	_ =	sdelay $0x3  }
0x36: {  	p1 =	seq.s32 s10, $0x1;
	s10 =	sld [smem:$0x3FB8];
	_ =	sdelay $0x3  }
0x37: {  	[smem:$0x3FB8] =	sst s10  }
0x38: {  	s10 =	sld [smem:$0x3FB9]  }
0x39: {  	_ = 	snop;
	(pc) =	sbr.ind lr, $3  }
0x3a: {  	_ = 	snop  }
0x3b: {  	_ = 	snop  }
0x3c: {  	p2 =	seq.s32 s10, $0x1;
	s10 =	sld [smem:$0x3FB8]  }
0x3d: {  	_ =	shalt  }
0x3e: {  	_ =	shalt  }
0x3f: {  	_ =	shalt  }
0x40: {  	_ =	shalt  }
0x41: {  	_ =	shalt  }
0x42: {  	_ =	shalt  }
0x43: {  	_ =	shalt  }
0x44: {  	_ =	shalt  }
0x45: {  	_ =	shalt  }
0x46: {  	_ =	shalt  }
0x47: {  	_ =	shalt  }
0x48: {  	_ =	shalt  }
0x49: {  	_ =	shalt  }
0x4a: {  	_ =	shalt  }
0x4b: {  	_ =	shalt  }
0x4c: {  	_ =	shalt  }
0x4d: {  	_ =	shalt  }
0x4e: {  	_ =	shalt  }
0x4f: {  	_ =	shalt  }
0x50: {  	_ =	shalt  }
0x51: {  	_ =	shalt  }
0x52: {  	_ =	shalt  }
0x53: {  	_ =	shalt  }
0x54: {  	_ =	shalt  }
0x55: {  	_ =	shalt  }
0x56: {  	_ =	shalt  }
0x57: {  	_ =	shalt  }
0x58: {  	_ =	shalt  }
0x59: {  	_ =	shalt  }
0x5a: {  	_ =	shalt  }
0x5b: {  	_ =	shalt  }
0x5c: {  	_ =	shalt  }
0x5d: {  	_ =	shalt  }
0x5e: {  	_ =	shalt  }
0x5f: {  	_ =	shalt  }
0x60: {  	_ =	shalt  }
0x61: {  	_ =	shalt  }
0x62: {  	_ =	shalt  }
0x63: {  	_ =	shalt  }
0x64: {  	_ =	shalt  }
0x65: {  	_ =	shalt  }
0x66: {  	_ =	shalt  }
0x67: {  	_ =	shalt  }
0x68: {  	_ =	shalt  }
0x69: {  	_ =	shalt  }
0x6a: {  	_ =	shalt  }
0x6b: {  	_ =	shalt  }
0x6c: {  	_ =	shalt  }
0x6d: {  	_ =	shalt  }
0x6e: {  	_ =	shalt  }
0x6f: {  	_ =	shalt  }
0x70: {  	_ =	shalt  }
0x71: {  	_ =	shalt  }
0x72: {  	_ =	shalt  }
0x73: {  	_ =	shalt  }
0x74: {  	_ =	shalt  }
0x75: {  	_ =	shalt  }
0x76: {  	_ =	shalt  }
0x77: {  	_ =	shalt  }
0x78: {  	_ =	shalt  }
0x79: {  	_ =	shalt  }
0x7a: {  	_ =	shalt  }
0x7b: {  	_ =	shalt  }
0x7c: {  	_ =	shalt  }
0x7d: {  	_ =	shalt  }
0x7e: {  	_ =	shalt  }
0x7f: {  	_ =	shalt  }
0x80: {  	_ =	shalt  }
0x81: {  	_ =	shalt  }
0x82: {  	_ =	shalt  }
0x83: {  	_ =	shalt  }
0x84: {  	_ =	shalt  }
0x85: {  	_ =	shalt  }
0x86: {  	_ =	shalt  }
0x87: {  	_ =	shalt  }
.Lfunc_end0:
.L_simem_size_0:
called_computation_lowered:
.L_overlay_start_0:
0x88: {  	s2 =	sld [smem:$0x3FD9]  }
0x89: {  	s3 =	sld [smem:$0x3FFE];
	_ =	sdelay $0x1  }
0x8a: {  	s1 =	srdreg.scid  }
0x8b: {  	s0 =	sand.u32 $0x1, s1  }
0x8c: {  	s15 =	sshll.u32 s0, $0xA;
	s2 =	sadd.s32 s3, s2  }
0x8d: {  	s2 =	sadd.s32 s2, s15  }
0x8e: {  	[smem:$0x3FC4] =	sst s2  }
0x8f: {  	_ = 	snop  }
0x90: {  	s2 =	sld [smem:$0x3FD0];
	_ =	sdelay $0x2  }
0x91: {  	s16 =	simm.s32 $0xA;
	s4 =	simm.s32 $0x10  }
0x92: {  	[smem:s4], [sflag:s16] =	dma.local [hbm:s2], $0x1  }
0x93: {  	_ =	swait.eq [sflag:s16], $0x1  }
0x94: {  	[sflag:s16] =	ssyncset.done $0x0  }
0x95: {  	[sflag:s16] =	ssyncadd.s32 $0xFFFFFFFF  }
0x96: {  	s17 =	sld [smem:$0x11];
	(tm) =	ssettm $0x1  }
0x97: {  	s18 =	sld [smem:$0x3FFB];
	_ =	sdelay $0x3  }
0x98: {  	_ =	strace s18  }
0x99: {  	s3 =	sld [smem:$0x3FFC];
	_ =	sdelay $0x3  }
0x9a: {  	_ =	strace s3  }
0x9b: {  	s3 =	sld [smem:$0x3FFD];
	_ =	sdelay $0x3  }
0x9c: {  	_ =	strace s3  }
0x9d: {  	_ =	strace $0x8FFFFFFF  }
0x9e: {  	s19 =	sld [smem:$0x3FDB];
	_ =	sdelay $0x1  }
0x9f: {  	s20 =	simm.s32 $_scs_section_size  }
0xa0: {  	s5 =	simm.s32 $_size__tile_overlayer_lowered;
	s6 =	simm.s32 $_tile_overlayer_lowered  }
0xa1: {  	s23 =	simm.s32 $0x1BFF;
	s22 =	sshll.u32 s6, $0x1;
	s3 =	sadd.s32 s20, s19  }
0xa2: {  	s7 =	simm.s32 $0x0;
	s21 =	sshll.u32 s5, $0x1;
	s5 =	sadd.s32 s22, s3  }
0xa3: {  	[timem:s7], [sflag:s23] =	dma.local [hbm:s5], s21  }
0xa4: {  	_ =	swait.ge [sflag:s23], s21  }
0xa5: {  	s4 =	ssub.s32 $0x0, s21;
	[sflag:s23] =	ssyncset.done $0x0  }
0xa6: {  	[sflag:s23] =	ssyncadd.s32 s4;
	_ =	sdelay $0x1  }
0xa7: {  	s24 =	simm.s32 $0x1B8B  }
0xa8: {  	_ =	swait.ge [sflag:s24], $0x1  }
0xa9: {  	[sflag:s24] =	ssyncset.done $0x0  }
0xaa: {  	s25 =	simm.s32 $0x1B8E;
	[sflag:s24] =	ssyncadd.s32 $0xFFFFFFFF  }
0xab: {  	s26 =	simm.s32 $execute0_lowered;
	[smem:$0x3FD2] =	sst s25  }
0xac: {  	s4 =	sshll.u32 s26, $0x1;
	_ =	strace $0x80000046;
	[dreg:$0x1] =	wrdreg $0xFFFFFFFF  }
0xad: {  	s28 =	simm.s32 $_size_execute0_lowered;
	s3 =	sadd.s32 s3, s4;
	[dreg:$0x0] =	wrdreg $0x0  }
0xae: {  	s4 =	sshll.u32 s28, $0x1;
	[dreg:$0x2] =	wrdreg s3  }
0xaf: {  	[dreg:$0x3] =	wrdreg s4  }
0xb0: {  	[dreg:$0x4] =	wrdreg $0xC0  }
0xb1: {  	_ =	task [dreg:s7], $0x5FFFF  }
0xb2: {  	[dreg:$0x1] =	wrdreg $0xFFFFFFFF  }
0xb3: {  	[dreg:$0x0] =	wrdreg $0x60  }
0xb4: {  	[dreg:$0x2] =	wrdreg s17  }
0xb5: {  	[dreg:$0x3] =	wrdreg $0x9  }
0xb6: {  	_ =	task.clear_ibuf [dreg:s7], $0x4FFFF;
	_ =	strace $0x90000046  }
0xb7: {  	s29 =	simm.s32 $0x9;
	_ =	strace $0x80000048  }
0xb8: {  	_ =	swait.ge [sflag:s29], $0x1  }
0xb9: {  	[sflag:s29] =	ssyncadd.s32 $0xFFFFFFFF  }
0xba: {  	_ =	strace $0x90000048  }
0xbb: {  	_ =	sfence  }
0xbc: {  	s30 =	sld [smem:$0x0];
	_ =	sdelay $0x2  }
0xbd: {  	s31 =	sshll.u32 s1, $0xD;
	s1 =	sshrl.u32 s1, $0x2  }
0xbe: {  	s3 =	sand.u32 $0x4000, s31;
	s1 =	sadd.s32 s1, s30  }
0xbf: {  	s0 =	sor.u32 s3, s0;
	s1 =	sshll.u32 s1, $0x11  }
0xc0: {  	s0 =	sor.u32 s1, s0  }
0xc1: {  	s0 =	sadd.s32 $0x8F2B, s0  }
0xc2: {  	[sflag:s0] =	ssyncadd.remote.s32 $0x1  }
0xc3: {  	_ =	sfence.sel $0xFFFF  }
0xc4: {  	[dreg:$0x0] =	wrdreg $0xFFFFFFFF;
	(pc) =	sbr.abs _section_cstart, $3  }
0xc5: {  	[dreg:$0x1] =	wrdreg $0xFFFFFFFF  }
0xc6: {  	_ =	task.clear_ibuf [dreg:s7], $0x2FFFF;
	_ =	strace $0x9FFFFFFF  }
0xc7: {  	(tm) =	ssettm $0x7FFFFFFF  }
tec
execute0_lowered:
.L_overlay_start_1:
0x0: {  	(tag) =	ssettag $0x1  }
0x1: {  	s1 =	srdreg.scid;
	s0 =	stileid.u32  }
0x2: {  	s3 =	rddreg [dreg:$0x0];
	s9 =	simm.s32 $0x0;
	s4 =	sand.u32 $0x1, s1  }
0x3: {  	s30 =	sshll.u32 s0, $0x8;
	s6 =	sshll.u32 s0, $0xD;
	s1 =	rddreg [dreg:$0x1]  }
0x4: {  	s2 =	sshll.u32 s4, $0x7;
	s7 =	ssub.s32 $0x2, s4;
	s31 =	sshll.u32 s4, $0xC  }
0x5: {  	s5 =	sor.u32 s2, s30;
	s2 =	simm.s32 $0x0;
	s8 =	sshrl.u32 s7, $0x1  }
0x6: {  	s5 =	sor.u32 s5, s6;
	[smem:$0x7FF] =	sst s2;
	s7 =	ssub.s32 s7, s8  }
0x7: {  	s8 =	simm.s32 $0x1;
	s5 =	sand.u32 $0x18380, s5;
	_ =	strace $0x80000047  }
0x8: {  	v0 =	vlaneseq.u32;
	s4 =	smax.u32 s7, $0x1;
	s7 =	simm.s32 $0x400;
	s5 =	sshrl.u32 s5, $0x3  }
0x9: {  	v0 =	vadd.s32 $0x2A, v0;
	s3 =	sadd.s32 s3, s5;
	s5 =	sor.u32 s31, s6;
	s6 =	simm.s32 $0x80  }
.LBB2_1:
0xa: {  	v1 =	vadd.s32 s5, v0  }
0xb: {  	v2 =	vshrl.u32 v1, $0x13;
	v3 =	vshll.u32 v1, $0xD  }
0xc: {  	v2 =	vor.u32 v2, v3  }
0xd: {  	v2 =	vxor.u32 v1, v2  }
0xe: {  	v3 =	vshrl.u32 v2, $0x11;
	v4 =	vshll.u32 v2, $0xF  }
0xf: {  	v1 =	vadd.s32 v1, v2;
	v2 =	vor.u32 v3, v4  }
0x10: {  	v2 =	vxor.u32 v1, v2  }
0x11: {  	v3 =	vshrl.u32 v2, $0x6;
	v4 =	vshll.u32 v2, $0x1A  }
0x12: {  	v1 =	vadd.s32 v1, v2;
	v2 =	vor.u32 v3, v4  }
0x13: {  	v2 =	vxor.u32 v1, v2  }
0x14: {  	v3 =	vshrl.u32 v2, $0x1A;
	v4 =	vshll.u32 v2, $0x6  }
0x15: {  	v1 =	vadd.s32 v1, v2;
	v2 =	vor.u32 v3, v4  }
0x16: {  	v2 =	vxor.u32 v1, v2  }
0x17: {  	v2 =	vadd.s32 $0x1BD11BF1, v2  }
0x18: {  	v1 =	vadd.s32 v2, v1;
	v3 =	vshrl.u32 v2, $0xF;
	v2 =	vshll.u32 v2, $0x11  }
0x19: {  	v1 =	vadd.s32 $0x2A, v1;
	v2 =	vor.u32 v3, v2  }
0x1a: {  	v2 =	vxor.u32 v1, v2  }
0x1b: {  	v3 =	vshrl.u32 v2, $0x3;
	v4 =	vshll.u32 v2, $0x1D  }
0x1c: {  	v1 =	vadd.s32 v1, v2;
	v2 =	vor.u32 v3, v4  }
0x1d: {  	v2 =	vxor.u32 v1, v2  }
0x1e: {  	v3 =	vshrl.u32 v2, $0x10;
	v4 =	vshll.u32 v2, $0x10  }
0x1f: {  	v1 =	vadd.s32 v1, v2;
	v2 =	vor.u32 v3, v4  }
0x20: {  	v2 =	vxor.u32 v1, v2  }
0x21: {  	v3 =	vshrl.u32 v2, $0x8;
	v4 =	vshll.u32 v2, $0x18  }
0x22: {  	v1 =	vadd.s32 v1, v2;
	v2 =	vor.u32 v3, v4  }
0x23: {  	v2 =	vxor.u32 v1, v2  }
0x24: {  	v2 =	vadd.s32 $0x2, v2  }
0x25: {  	v1 =	vadd.s32 v2, v1;
	v3 =	vshrl.u32 v2, $0x13;
	v2 =	vshll.u32 v2, $0xD  }
0x26: {  	s12 =	sadd.s32 $0x10, s5;
	v1 =	vadd.s32 $0x1BD11BF0, v1;
	v2 =	vor.u32 v3, v2  }
0x27: {  	v3 =	vadd.s32 s12, v0;
	v2 =	vxor.u32 v1, v2  }
0x28: {  	v4 =	vshrl.u32 v3, $0x13;
	v5 =	vshrl.u32 v2, $0x11;
	v6 =	vshll.u32 v2, $0xF  }
0x29: {  	v7 =	vshll.u32 v3, $0xD;
	v1 =	vadd.s32 v1, v2;
	v2 =	vor.u32 v5, v6  }
0x2a: {  	v4 =	vor.u32 v4, v7;
	v2 =	vxor.u32 v1, v2  }
0x2b: {  	v4 =	vxor.u32 v3, v4;
	v5 =	vshrl.u32 v2, $0x6;
	v6 =	vshll.u32 v2, $0x1A  }
0x2c: {  	v3 =	vadd.s32 v3, v4;
	v1 =	vadd.s32 v1, v2;
	v2 =	vor.u32 v5, v6  }
0x2d: {  	v5 =	vshrl.u32 v4, $0x11;
	v4 =	vshll.u32 v4, $0xF;
	v2 =	vxor.u32 v1, v2  }
0x2e: {  	v4 =	vor.u32 v5, v4;
	v5 =	vshrl.u32 v2, $0x1A;
	v6 =	vshll.u32 v2, $0x6  }
0x2f: {  	v4 =	vxor.u32 v3, v4;
	v1 =	vadd.s32 v1, v2;
	v2 =	vor.u32 v5, v6  }
0x30: {  	s10 =	simm.s32 $0x40;
	s13 =	simm.s32 $0x80;
	s11 =	simm.s32 $0x0;
	v5 =	vshrl.u32 v4, $0x6;
	v6 =	vshll.u32 v4, $0x1A;
	v2 =	vxor.u32 v1, v2  }
.LBB2_2:
0x31: {  	p0 =	sne.s32 s13, $0x3FC0;
	v3 =	vadd.s32 v3, v4;
	v4 =	vor.u32 v5, v6;
	v2 =	vadd.s32 $0x2D, v2  }
0x32: {  	v4 =	vxor.u32 v3, v4;
	v5 =	vshrl.u32 v2, $0xF;
	v6 =	vshll.u32 v2, $0x11  }
0x33: {  	v1 =	vadd.s32 v1, v2;
	v3 =	vadd.s32 v3, v4;
	v2 =	vor.u32 v5, v6  }
0x34: {  	v5 =	vshrl.u32 v4, $0x1A;
	v4 =	vshll.u32 v4, $0x6;
	v2 =	vxor.u32 v1, v2  }
0x35: {  	v4 =	vor.u32 v5, v4;
	v5 =	vshrl.u32 v2, $0x3;
	v6 =	vshll.u32 v2, $0x1D  }
0x36: {  	s12 =	sadd.s32 $0x10, s12;
	v4 =	vxor.u32 v3, v4;
	v1 =	vadd.s32 v1, v2;
	v2 =	vor.u32 v5, v6  }
0x37: {  	v5 =	vadd.s32 s12, v0;
	v4 =	vadd.s32 $0x1BD11BF1, v4;
	v2 =	vxor.u32 v1, v2  }
0x38: {  	v3 =	vadd.s32 v4, v3;
	v6 =	vshrl.u32 v2, $0x10;
	v7 =	vshll.u32 v2, $0x10  }
0x39: {  	v8 =	vshrl.u32 v4, $0xF;
	v1 =	vadd.s32 v1, v2;
	v2 =	vor.u32 v6, v7  }
0x3a: {  	v4 =	vshll.u32 v4, $0x11;
	v3 =	vadd.s32 $0x2A, v3;
	v2 =	vxor.u32 v1, v2  }
0x3b: {  	v4 =	vor.u32 v8, v4;
	v6 =	vshrl.u32 v2, $0x8;
	v7 =	vshll.u32 v2, $0x18  }
0x3c: {  	v4 =	vxor.u32 v3, v4;
	v1 =	vadd.s32 v1, v2;
	v2 =	vor.u32 v6, v7  }
0x3d: {  	v6 =	vshrl.u32 v4, $0x3;
	v7 =	vshll.u32 v4, $0x1D;
	v2 =	vxor.u32 v1, v2  }
0x3e: {  	v3 =	vadd.s32 v3, v4;
	v4 =	vor.u32 v6, v7;
	v2 =	vadd.s32 $0x1BD11BF4, v2  }
0x3f: {  	v1 =	vadd.s32 v2, v1;
	v6 =	vshrl.u32 v2, $0x13;
	v2 =	vshll.u32 v2, $0xD  }
0x40: {  	v4 =	vxor.u32 v3, v4;
	v1 =	vadd.s32 $0x2A, v1;
	v2 =	vor.u32 v6, v2  }
0x41: {  	v3 =	vadd.s32 v3, v4;
	v6 =	vshrl.u32 v4, $0x10;
	v2 =	vxor.u32 v1, v2  }
0x42: {  	v4 =	vshll.u32 v4, $0x10;
	v7 =	vshrl.u32 v2, $0x11;
	v8 =	vshll.u32 v2, $0xF  }
0x43: {  	v4 =	vor.u32 v6, v4;
	v1 =	vadd.s32 v1, v2;
	v2 =	vor.u32 v7, v8  }
0x44: {  	v6 =	vshrl.u32 v5, $0x13;
	v4 =	vxor.u32 v3, v4;
	v2 =	vxor.u32 v1, v2  }
0x45: {  	v7 =	vshrl.u32 v4, $0x8;
	v8 =	vshrl.u32 v2, $0x6;
	v9 =	vshll.u32 v2, $0x1A  }
0x46: {  	v10 =	vshll.u32 v4, $0x18;
	v1 =	vadd.s32 v1, v2;
	v2 =	vor.u32 v8, v9  }
0x47: {  	v3 =	vadd.s32 v3, v4;
	v4 =	vor.u32 v7, v10;
	v2 =	vxor.u32 v1, v2  }
0x48: {  	v4 =	vxor.u32 v3, v4;
	v7 =	vshrl.u32 v2, $0x1A;
	v8 =	vshll.u32 v2, $0x6  }
0x49: {  	v4 =	vadd.s32 $0x2, v4;
	v1 =	vadd.s32 v1, v2;
	v2 =	vor.u32 v7, v8  }
0x4a: {  	v3 =	vadd.s32 v4, v3;
	v7 =	vshrl.u32 v4, $0x13;
	v2 =	vxor.u32 v1, v2  }
0x4b: {  	v4 =	vshll.u32 v4, $0xD;
	v1 =	vadd.s32 $0x1BD11BF0, v1;
	v2 =	vadd.s32 $0x5, v2  }
0x4c: {  	v3 =	vadd.s32 $0x1BD11BF0, v3;
	v4 =	vor.u32 v7, v4;
	v1 =	vxor.u32 v1, v2  }
0x4d: {  	v4 =	vxor.u32 v3, v4;
	v2 =	vshll.u32 v5, $0xD;
	v1 =	vshrl.u32 v1, $0x9  }
0x4e: {  	v7 =	vshrl.u32 v4, $0x11;
	v8 =	vshll.u32 v4, $0xF;
	v1 =	vor.u32 $0x3F800000, v1  }
0x4f: {  	v4 =	vadd.s32 v3, v4;
	v3 =	vor.u32 v7, v8;
	v1 =	vadd.f32 $-1.000000000e+00, v1  }
0x50: {  	s14 =	sshra.s32 s11, $0x2;
	s11 =	smov.u32 s10;
	s10 =	smov.u32 s13;
	v2 =	vor.u32 v6, v2;
	v6 =	vxor.u32 v4, v3  }
0x51: {  	v2 =	vxor.u32 v5, v2;
	v7 =	vshrl.u32 v6, $0x6;
	v8 =	vshll.u32 v6, $0x1A;
	[tilespmem:s14+$0x0] =	vst v1  }
.Ltmp0:
0x52: {  	v3 =	vadd.s32 v5, v2;
	v1 =	vadd.s32 v4, v6;
	v4 =	vor.u32 v7, v8;
	(pc) =	sbr.rel @p0 .LBB2_2-.Ltmp0, $4  }
0x53: {  	v5 =	vshrl.u32 v2, $0x11;
	v2 =	vshll.u32 v2, $0xF;
	v6 =	vxor.u32 v1, v4  }
0x54: {  	v2 =	vor.u32 v5, v2;
	v5 =	vshrl.u32 v6, $0x1A;
	v7 =	vshll.u32 v6, $0x6  }
0x55: {  	v4 =	vxor.u32 v3, v2;
	v1 =	vadd.s32 v1, v6;
	v2 =	vor.u32 v5, v7  }
0x56: {  	s13 =	sadd.s32 $0x40, s13;
	v6 =	vshll.u32 v4, $0x1A;
	v5 =	vshrl.u32 v4, $0x6;
	v2 =	vxor.u32 v1, v2  }
0x57: {  	v3 =	vadd.s32 v3, v4;
	v8 =	vor.u32 v5, v6  }
0x58: {  	v4 =	vxor.u32 v3, v8  }
0x59: {  	v9 =	vshrl.u32 v4, $0x1A;
	v10 =	vshll.u32 v4, $0x6  }
0x5a: {  	v3 =	vadd.s32 v3, v4;
	v11 =	vor.u32 v9, v10  }
0x5b: {  	v4 =	vxor.u32 v3, v11  }
0x5c: {  	v4 =	vadd.s32 $0x1BD11BF1, v4  }
0x5d: {  	v3 =	vadd.s32 v4, v3;
	v12 =	vshrl.u32 v4, $0xF;
	v4 =	vshll.u32 v4, $0x11  }
0x5e: {  	v3 =	vadd.s32 $0x2A, v3;
	v4 =	vor.u32 v12, v4  }
0x5f: {  	v4 =	vxor.u32 v3, v4  }
0x60: {  	v13 =	vshrl.u32 v4, $0x3;
	v14 =	vshll.u32 v4, $0x1D  }
0x61: {  	v3 =	vadd.s32 v3, v4;
	v15 =	vor.u32 v13, v14  }
0x62: {  	v4 =	vxor.u32 v3, v15  }
0x63: {  	v16 =	vshrl.u32 v4, $0x10;
	v17 =	vshll.u32 v4, $0x10  }
0x64: {  	v3 =	vadd.s32 v3, v4;
	v18 =	vor.u32 v16, v17  }
0x65: {  	v4 =	vxor.u32 v3, v18  }
0x66: {  	v19 =	vshrl.u32 v4, $0x8;
	v20 =	vshll.u32 v4, $0x18  }
0x67: {  	v3 =	vadd.s32 v3, v4;
	v21 =	vor.u32 v19, v20  }
0x68: {  	v4 =	vxor.u32 v3, v21  }
0x69: {  	v4 =	vadd.s32 $0x2, v4  }
0x6a: {  	v3 =	vadd.s32 v4, v3;
	v22 =	vshrl.u32 v4, $0x13;
	v4 =	vshll.u32 v4, $0xD  }
0x6b: {  	v3 =	vadd.s32 $0x1BD11BF0, v3;
	v4 =	vor.u32 v22, v4  }
0x6c: {  	v2 =	vadd.s32 $0x2D, v2;
	v4 =	vxor.u32 v3, v4  }
0x6d: {  	v23 =	vshrl.u32 v2, $0xF;
	v24 =	vshrl.u32 v4, $0x11;
	v7 =	vshll.u32 v4, $0xF  }
0x6e: {  	v8 =	vshll.u32 v2, $0x11;
	v3 =	vadd.s32 v3, v4;
	v25 =	vor.u32 v24, v7  }
0x6f: {  	v1 =	vadd.s32 v1, v2;
	v2 =	vor.u32 v23, v8;
	v4 =	vxor.u32 v3, v25  }
0x70: {  	v2 =	vxor.u32 v1, v2;
	v26 =	vshrl.u32 v4, $0x6;
	v27 =	vshll.u32 v4, $0x1A  }
0x71: {  	v28 =	vshrl.u32 v2, $0x3;
	v3 =	vadd.s32 v3, v4;
	v29 =	vor.u32 v26, v27  }
0x72: {  	v30 =	vshll.u32 v2, $0x1D;
	v1 =	vadd.s32 v1, v2;
	v2 =	vxor.u32 v3, v29  }
0x73: {  	v31 =	vor.u32 v28, v30;
	v32 =	vshrl.u32 v2, $0x1A;
	v33 =	vshll.u32 v2, $0x6  }
0x74: {  	v4 =	vxor.u32 v1, v31;
	v2 =	vadd.s32 v3, v2;
	v3 =	vor.u32 v32, v33  }
0x75: {  	v34 =	vshrl.u32 v4, $0x10;
	v35 =	vshll.u32 v4, $0x10;
	v3 =	vxor.u32 v2, v3  }
0x76: {  	v1 =	vadd.s32 v1, v4;
	v36 =	vor.u32 v34, v35;
	v3 =	vadd.s32 $0x2D, v3  }
0x77: {  	v4 =	vxor.u32 v1, v36;
	v37 =	vshrl.u32 v3, $0xF;
	v38 =	vshll.u32 v3, $0x11  }
0x78: {  	v39 =	vshrl.u32 v4, $0x8;
	v2 =	vadd.s32 v2, v3;
	v3 =	vor.u32 v37, v38  }
0x79: {  	v40 =	vshll.u32 v4, $0x18;
	v1 =	vadd.s32 v1, v4;
	v3 =	vxor.u32 v2, v3  }
0x7a: {  	v41 =	vor.u32 v39, v40;
	v42 =	vshrl.u32 v3, $0x3;
	v43 =	vshll.u32 v3, $0x1D  }
0x7b: {  	v4 =	vxor.u32 v1, v41;
	v2 =	vadd.s32 v2, v3;
	v3 =	vor.u32 v42, v43  }
0x7c: {  	v4 =	vadd.s32 $0x1BD11BF4, v4;
	v3 =	vxor.u32 v2, v3  }
0x7d: {  	v1 =	vadd.s32 v4, v1;
	v44 =	vshrl.u32 v3, $0x10;
	v45 =	vshll.u32 v3, $0x10  }
0x7e: {  	v46 =	vshrl.u32 v4, $0x13;
	v2 =	vadd.s32 v2, v3;
	v3 =	vor.u32 v44, v45  }
0x7f: {  	v4 =	vshll.u32 v4, $0xD;
	v1 =	vadd.s32 $0x2A, v1;
	v3 =	vxor.u32 v2, v3  }
0x80: {  	v4 =	vor.u32 v46, v4;
	v47 =	vshrl.u32 v3, $0x8;
	v48 =	vshll.u32 v3, $0x18  }
0x81: {  	v4 =	vxor.u32 v1, v4;
	v2 =	vadd.s32 v2, v3;
	v3 =	vor.u32 v47, v48  }
0x82: {  	v49 =	vshrl.u32 v4, $0x11;
	v3 =	vxor.u32 v2, v3  }
0x83: {  	v50 =	vshll.u32 v4, $0xF;
	v1 =	vadd.s32 v1, v4;
	v3 =	vadd.s32 $0x1BD11BF4, v3  }
0x84: {  	v2 =	vadd.s32 v3, v2;
	v51 =	vshrl.u32 v3, $0x13;
	v3 =	vshll.u32 v3, $0xD  }
0x85: {  	v5 =	vor.u32 v49, v50;
	v2 =	vadd.s32 $0x2A, v2;
	v3 =	vor.u32 v51, v3  }
0x86: {  	v52 =	vxor.u32 v1, v5;
	v3 =	vxor.u32 v2, v3  }
0x87: {  	v5 =	vshrl.u32 v52, $0x6;
	v53 =	vshrl.u32 v3, $0x11;
	v54 =	vshll.u32 v3, $0xF  }
0x88: {  	v55 =	vshll.u32 v52, $0x1A;
	v2 =	vadd.s32 v2, v3;
	v3 =	vor.u32 v53, v54  }
0x89: {  	v1 =	vadd.s32 v1, v52;
	v56 =	vor.u32 v5, v55;
	v3 =	vxor.u32 v2, v3  }
0x8a: {  	v4 =	vxor.u32 v1, v56;
	v57 =	vshrl.u32 v3, $0x6;
	v58 =	vshll.u32 v3, $0x1A  }
0x8b: {  	v59 =	vshrl.u32 v4, $0x1A;
	v2 =	vadd.s32 v2, v3;
	v3 =	vor.u32 v57, v58  }
0x8c: {  	v60 =	vshll.u32 v4, $0x6;
	v1 =	vadd.s32 v1, v4;
	v3 =	vxor.u32 v2, v3  }
0x8d: {  	v61 =	vor.u32 v59, v60;
	v62 =	vshrl.u32 v3, $0x1A;
	v63 =	vshll.u32 v3, $0x6  }
0x8e: {  	v4 =	vxor.u32 v1, v61;
	v2 =	vadd.s32 v2, v3;
	v3 =	vor.u32 v62, v63  }
0x8f: {  	v1 =	vadd.s32 $0x1BD11BF0, v1;
	v4 =	vadd.s32 $0x5, v4;
	v3 =	vxor.u32 v2, v3  }
0x90: {  	v1 =	vxor.u32 v1, v4;
	v2 =	vadd.s32 $0x1BD11BF0, v2;
	v3 =	vadd.s32 $0x5, v3  }
0x91: {  	v1 =	vshrl.u32 v1, $0x9;
	v2 =	vxor.u32 v2, v3  }
0x92: {  	v1 =	vor.u32 $0x3F800000, v1;
	v2 =	vshrl.u32 v2, $0x9  }
0x93: {  	v1 =	vadd.f32 $-1.000000000e+00, v1;
	v2 =	vor.u32 $0x3F800000, v2  }
0x94: {  	s11 =	sshra.s32 s11, $0x2;
	s9 =	sadd.s32 $0x1, s9;
	v2 =	vadd.f32 $-1.000000000e+00, v2  }
0x95: {  	s10 =	sshra.s32 s10, $0x2;
	p0 =	sne.s32 s9, s4;
	[tilespmem:s11+$0x0] =	vst v1  }
.Ltmp1:
0x96: {  	[tilespmem:s10+$0x0] =	vst v2;
	(pc) =	sbr.rel @p0 .LBB2_1-.Ltmp1, $4  }
0x97: {  	[hbm4b:s3+s6] =	stream.strided.scatter [tilespmem:s2], [sflag:$0x1], $0x1000, s7, s6, $0x38;
	[tilespmem:$0x1000] =	vst v63  }
0x98: {  	_ =	swait.ge [sflag:s8], $0x1000  }
0x99: {  	[sflag:s8] =	ssyncset.done $0x0  }
0x9a: {  	[sflag:s8] =	ssyncadd.s32 $0xFFFFF000  }
0x9b: {  	_ =	sfence.sel $0x180000  }
0x9c: {  	[bflag:$0x0] =	sbarrier.arrive $0xFFFF  }
0x9d: {  	p0 =	sne.s32 s0, $0x0;
	_ =	strace $0x90000047  }
0x9e: {  	s0 =	sadd.s32 @!p0 $0x100000, s1;
	[bflag:$0x2] =	sbarrier.arrive $0xFFFF  }
0x9f: {  	[sflag:s0] =	ssyncadd.tile.s32 @!p0 $0x1;
	_ =	shalt  }
.Lfunc_end2:
_tile_overlayer_lowered:
.L_overlay_start_2:
0xa0: {  	(tag) =	ssettag $0x2  }
0xa1: {  	s0 =	rddreg [dreg:$0x0];
	s2 =	stileid.u32  }
0xa2: {  	s1 =	rddreg [dreg:$0x1];
	p0 =	sne.s32 s2, $0x0  }
0xa3: {  	s3 =	rddreg [dreg:$0x2];
	[bflag:$0x3] =	sbarrier.arrive $0xFFFF;
	s2 =	simm.s32 @!p0 $0x1C01  }
0xa4: {  	[timem:s3], [sflag:s2] =	dma.local @!p0 [hbm:s0], s1  }
0xa5: {  	s0 =	simm.s32 @!p0 $0x1  }
0xa6: {  	_ =	swait.ge @!p0 [sflag:s0], s1  }
0xa7: {  	s1 =	ssub.s32 @!p0 $0x0, s1;
	[sflag:s0] =	ssyncset.done @!p0 $0x0  }
0xa8: {  	[sflag:s0] =	ssyncadd.s32 @!p0 s1  }
0xa9: {  	[bflag:$0x3] =	sbarrier.arrive $0xFFFF  }
0xaa: {  	_ =	shalt  }

</sc_bundles>
